<compile_context>
chip_gen: v7x
topology: tpu7x:2x2x1
jax: 0.10.2.dev20260603
libtpu: 0.0.44.dev20260713+nightly
codegen_flags: <defaults>
</compile_context>

<pallas_src>
import functools

import jax
import jax.numpy as jnp
from jax import lax
from jax.experimental import pallas as pl
from jax.experimental.pallas import tpu as pltpu
from jax.experimental.pallas import tpu_sc as plsc

N = 10000
D = 128
L = 3
NPAD = 10240
EPG = 128
NC = 2
NS = 16
NW = NC * NS

E = 320000
G = -(-E // (NW * EPG))
EPW = G * EPG
EPAD = NW * EPW
RPT = NPAD // NS


def _mp_body(h_hbm, src_hbm, dst_hbm, cidx_hbm, ctab_hbm, out_hbm,
             src_v, dst_v, cidx_v, hrows, erows, agg, sem1, sem2):
    cid = lax.axis_index("c")
    sid = lax.axis_index("s")
    wid = sid * NC + cid

    def zbody(r, _):
        for c in range(D // 16):
            erows[r, pl.ds(c * 16, 16)] = jnp.zeros((16,), jnp.float32)
        return 0
    lax.fori_loop(0, EPG, zbody, 0)
    for k in range(RPT // EPG):
        pltpu.sync_copy(erows, agg.at[pl.ds(sid * RPT + k * EPG, EPG)])
    plsc.subcore_barrier()

    def gbody(g, _):
        off = wid * EPW + g * EPG
        pltpu.sync_copy(src_hbm.at[pl.ds(off, EPG)], src_v)
        pltpu.sync_copy(cidx_hbm.at[pl.ds(off, EPG)], cidx_v)
        pltpu.sync_copy(dst_hbm.at[pl.ds(off, EPG)], dst_v)
        cp1 = pltpu.async_copy(h_hbm.at[src_v], hrows, sem1)
        cp2 = pltpu.async_copy(ctab_hbm.at[cidx_v], erows, sem2)
        cp1.wait()
        cp2.wait()

        def cbody(r, _):
            for c in range(D // 16):
                s = pl.ds(c * 16, 16)
                hrows[r, s] = jnp.maximum(hrows[r, s] + erows[r, s], 0.0)
            return 0
        lax.fori_loop(0, EPG, cbody, 0)
        pltpu.sync_copy(hrows, agg.at[dst_v], add=True)
        return 0
    lax.fori_loop(0, G, gbody, 0)

    plsc.subcore_barrier()
    pltpu.sync_copy(agg.at[pl.ds(sid * RPT, RPT)],
                    out_hbm.at[cid, pl.ds(sid * RPT, RPT)])


def _mp_call(h, srcp, dstp, cidxp, ctab_l):
    mesh = plsc.VectorSubcoreMesh(core_axis_name="c", subcore_axis_name="s")
    f = pl.kernel(
        _mp_body,
        out_type=jax.ShapeDtypeStruct((NC, NPAD, D), jnp.float32),
        mesh=mesh,
        scratch_types=[
            pltpu.VMEM((EPG,), jnp.int32),
            pltpu.VMEM((EPG,), jnp.int32),
            pltpu.VMEM((EPG,), jnp.int32),
            pltpu.VMEM((EPG, D), jnp.float32),
            pltpu.VMEM((EPG, D), jnp.float32),
            pltpu.VMEM_SHARED((NPAD, D), jnp.float32),
            pltpu.SemaphoreType.DMA,
            pltpu.SemaphoreType.DMA,
        ],
    )
    return f(h, srcp, dstp, cidxp, ctab_l)


def _mlp_body(relu_out, h_ref, a_ref, w1_ref, b1_ref, g1_ref, t1_ref,
              w2_ref, b2_ref, go_ref, to_ref, eps_ref, out_ref):
    h = h_ref[...]
    agg = a_ref[0, 0:N, :] + a_ref[1, 0:N, :]
    z0 = (1.0 + eps_ref[0, 0]) * h + agg
    z1 = jnp.dot(z0, w1_ref[...], preferred_element_type=jnp.float32) + b1_ref[...]
    mu = jnp.mean(z1, axis=0, keepdims=True)
    var = jnp.mean((z1 - mu) ** 2, axis=0, keepdims=True)
    z1 = (z1 - mu) / jnp.sqrt(var + 1e-5) * g1_ref[...] + t1_ref[...]
    z1 = jnp.maximum(z1, 0.0)
    z2 = jnp.dot(z1, w2_ref[...], preferred_element_type=jnp.float32) + b2_ref[...]
    mu2 = jnp.mean(z2, axis=0, keepdims=True)
    var2 = jnp.mean((z2 - mu2) ** 2, axis=0, keepdims=True)
    z2 = (z2 - mu2) / jnp.sqrt(var2 + 1e-5) * go_ref[...] + to_ref[...]
    if relu_out:
        z2 = jnp.maximum(z2, 0.0)
    out_ref[...] = z2 + h


def _mlp_call(h, parts, w1, b1v, g1v, t1v, w2, b2v, gov, tov, eps_l, relu_out):
    body = functools.partial(_mlp_body, relu_out)
    vspec = pl.BlockSpec(memory_space=pltpu.VMEM)
    return pl.pallas_call(
        body,
        out_shape=jax.ShapeDtypeStruct((N, D), jnp.float32),
        in_specs=[vspec] * 10 + [pl.BlockSpec(memory_space=pltpu.SMEM)],
        out_specs=vspec,
    )(h, parts, w1, b1v, g1v, t1v, w2, b2v, gov, tov, eps_l)


def kernel(x, edge_index, edge_attr, batch, eps, W1, b1, g1, bt1, W2, b2, bond_emb, g_out, bt_out):
    src = edge_index[0]
    dst = edge_index[1]
    cidx = edge_attr[:, 0] * 25 + edge_attr[:, 1] * 5 + edge_attr[:, 2]
    srcp = jnp.pad(src, (0, EPAD - E))
    dstp = jnp.pad(dst, (0, EPAD - E), constant_values=N)
    cidxp = jnp.pad(cidx, (0, EPAD - E))
    ctab = (bond_emb[:, 0][:, :, None, None, :]
            + bond_emb[:, 1][:, None, :, None, :]
            + bond_emb[:, 2][:, None, None, :, :]).reshape(L, 125, D)
    ctab = jnp.pad(ctab, ((0, 0), (0, 3), (0, 0)))

    h = x
    for l in range(L):
        parts = _mp_call(h, srcp, dstp, cidxp, ctab[l])
        h = _mlp_call(h, parts,
                      W1[l], b1[l][None], g1[l][None], bt1[l][None],
                      W2[l], b2[l][None], g_out[l][None], bt_out[l][None],
                      eps[l].reshape(1, 1), relu_out=(l < L - 1))
    return h

# --- scband reference (transcript-rebuilt; emitter-appended) ---
"""Pipeline reference for scband-gnnmol-tail-encoder-9251359555633 (READ-ONLY COPY).

The authoritative reference and input builder live on the scoring server;
editing this copy changes nothing except your own understanding.
"""

import jax, jax.numpy as jnp
import numpy as np

N = 10000
E = 320000
D = 128
L = 3
BOND_VOCAB = 5


def setup_inputs(seed: int = 0) -> dict:
    key = jax.random.key(seed)
    ks = jax.random.split(key, 10)
    x = jax.random.normal(ks[0], (N, D), dtype=jnp.float32)
    edge_index = jax.random.randint(ks[1], (2, E), 0, N, dtype=jnp.int32)
    edge_attr = jax.random.randint(ks[2], (E, 3), 0, BOND_VOCAB, dtype=jnp.int32)
    batch = jnp.sort(jax.random.randint(ks[3], (N,), 0, 512, dtype=jnp.int32))
    eps = jnp.zeros((L,), jnp.float32)
    W1 = jax.random.normal(ks[4], (L, D, 2 * D), dtype=jnp.float32) * 0.05
    b1 = jnp.zeros((L, 2 * D), jnp.float32)
    g1 = jnp.ones((L, 2 * D), jnp.float32)
    bt1 = jnp.zeros((L, 2 * D), jnp.float32)
    W2 = jax.random.normal(ks[5], (L, 2 * D, D), dtype=jnp.float32) * 0.05
    b2 = jnp.zeros((L, D), jnp.float32)
    bond_emb = jax.random.normal(ks[6], (L, 3, BOND_VOCAB, D), dtype=jnp.float32) * 0.05
    g_out = jnp.ones((L, D), jnp.float32)
    bt_out = jnp.zeros((L, D), jnp.float32)
    return {"x": x, "edge_index": edge_index, "edge_attr": edge_attr, "batch": batch,
            "eps": eps, "W1": W1, "b1": b1, "g1": g1, "bt1": bt1,
            "W2": W2, "b2": b2, "bond_emb": bond_emb, "g_out": g_out, "bt_out": bt_out}


def _bn(z, g, b):
    mu = jnp.mean(z, axis=0)
    var = jnp.var(z, axis=0)
    return (z - mu) / jnp.sqrt(var + 1e-5) * g + b


def reference(x, edge_index, edge_attr, batch, eps, W1, b1, g1, bt1, W2, b2, bond_emb, g_out, bt_out):
    # GNNMolTailEncoder forward (JK='last', residual=True). batch is unused by the
    # original forward; dropout is identity (eval); BatchNorm uses batch statistics.
    src = edge_index[0]
    dst = edge_index[1]
    h = x
    for l in range(L):
        # BondEncoder: sum of per-feature embedding lookups
        e = (bond_emb[l, 0][edge_attr[:, 0]]
             + bond_emb[l, 1][edge_attr[:, 1]]
             + bond_emb[l, 2][edge_attr[:, 2]])
        # message: relu(x_j + edge_emb); aggregate: scatter-add at dst
        mess = jax.nn.relu(h[src] + e)
        agg = jax.ops.segment_sum(mess, dst, num_segments=N)
        z = (1.0 + eps[l]) * h + agg
        # GIN MLP: Linear -> BN -> ReLU -> Linear
        z = _bn(z @ W1[l] + b1[l], g1[l], bt1[l])
        z = jax.nn.relu(z)
        z = z @ W2[l] + b2[l]
        # outer per-layer BatchNorm
        z = _bn(z, g_out[l], bt_out[l])
        if l < L - 1:
            z = jax.nn.relu(z)
        # dropout omitted (deterministic reference)
        h = z + h  # residual
    return h

if __name__ == "__main__":
    import jax
    _d = setup_inputs()
    print(jax.jit(kernel)(*tuple(_d.values())))

</pallas_src>

<mosaic_0001>
#map = affine_map<(d0, d1) -> (0, 0)>
#map1 = affine_map<(d0, d1) -> (0)>
#map2 = affine_map<(d0, d1) -> (0, 0, 0)>
module attributes {stable_mosaic.version = 14 : i64} {
  func.func @_mp_body(%arg0: i32, %arg1: i32, %arg2: memref<10000x128xf32, #tpu.memory_space<hbm>>, %arg3: memref<323584xi32, #tpu.memory_space<hbm>>, %arg4: memref<323584xi32, #tpu.memory_space<hbm>>, %arg5: memref<323584xi32, #tpu.memory_space<hbm>>, %arg6: memref<128x128xf32, #tpu.memory_space<hbm>>, %arg7: memref<2x10240x128xf32, #tpu.memory_space<hbm>>, %arg8: memref<128xi32, #tpu.memory_space<vmem>>, %arg9: memref<128xi32, #tpu.memory_space<vmem>>, %arg10: memref<128xi32, #tpu.memory_space<vmem>>, %arg11: memref<128x128xf32, #tpu.memory_space<vmem>>, %arg12: memref<128x128xf32, #tpu.memory_space<vmem>>, %arg13: memref<10240x128xf32, #tpu.memory_space<vmem_shared>>, %arg14: memref<!tpu.dma_semaphore, #tpu.memory_space<semaphore_mem>>, %arg15: memref<!tpu.dma_semaphore, #tpu.memory_space<semaphore_mem>>) attributes {dimension_semantics = [#tpu.dimension_semantics<core_parallel>, #tpu.dimension_semantics<subcore_parallel>], iteration_bounds = array<i64: 2, 16>, scalar_prefetch = 0 : i64, scratch_operands = 8 : i64, tpu.core_type = #tpu.core_type<sc_vector_subcore>, window_params = [{transform_indices = #map}, {transform_indices = #map1}, {transform_indices = #map1}, {transform_indices = #map1}, {transform_indices = #map}, {transform_indices = #map2}]} {
    %mul3A = arith.constant 2 : i32
    %mul3A_0 = arith.muli %arg1, %mul3A : i32
    %add3A = arith.addi %mul3A_0, %arg0 : i32
    %scan3A = arith.constant 0 : i32
    %scan3A_1 = arith.constant 0 : i32
    %scan3A_2 = arith.constant 128 : i32
    %scan3A_3 = arith.addi %scan3A_1, %scan3A_2 : i32
    %scan3A_4 = arith.constant 1 : i32
    %scan3A_5 = scf.for %scan3A_39 = %scan3A_1 to %scan3A_3 step %scan3A_4 iter_args(%scan3A_40 = %scan3A) -> (i32)  : i32 {
      %broadcast_in_dim3A = arith.constant 0.000000e+00 : f32
      %broadcast_in_dim3A_41 = vector.broadcast %broadcast_in_dim3A : f32 to vector<16xf32>
      %swap3A = arith.index_cast %scan3A_39 : i32 to index
      %swap3A_42 = arith.constant 0 : index
      %swap3A_43 = tpu.vector_load %arg12[%swap3A, %swap3A_42] {strides = array<i32>} : memref<128x128xf32, #tpu.memory_space<vmem>>, vector<1x16xf32>,
      %swap3A_44 = vector.shape_cast %swap3A_43 : vector<1x16xf32> to vector<16xf32>
      %swap3A_45 = vector.shape_cast %broadcast_in_dim3A_41 : vector<16xf32> to vector<1x16xf32>
      tpu.vector_store %arg12[%swap3A, %swap3A_42], %swap3A_45 {strides = array<i32>} : memref<128x128xf32, #tpu.memory_space<vmem>>, vector<1x16xf32>,
      %broadcast_in_dim3A_46 = arith.constant 0.000000e+00 : f32
      %broadcast_in_dim3A_47 = vector.broadcast %broadcast_in_dim3A_46 : f32 to vector<16xf32>
      %swap3A_48 = arith.index_cast %scan3A_39 : i32 to index
      %swap3A_49 = arith.constant 16 : index
      %swap3A_50 = tpu.vector_load %arg12[%swap3A_48, %swap3A_49] {strides = array<i32>} : memref<128x128xf32, #tpu.memory_space<vmem>>, vector<1x16xf32>,
      %swap3A_51 = vector.shape_cast %swap3A_50 : vector<1x16xf32> to vector<16xf32>
      %swap3A_52 = vector.shape_cast %broadcast_in_dim3A_47 : vector<16xf32> to vector<1x16xf32>
      tpu.vector_store %arg12[%swap3A_48, %swap3A_49], %swap3A_52 {strides = array<i32>} : memref<128x128xf32, #tpu.memory_space<vmem>>, vector<1x16xf32>,
      %broadcast_in_dim3A_53 = arith.constant 0.000000e+00 : f32
      %broadcast_in_dim3A_54 = vector.broadcast %broadcast_in_dim3A_53 : f32 to vector<16xf32>
      %swap3A_55 = arith.index_cast %scan3A_39 : i32 to index
      %swap3A_56 = arith.constant 32 : index
      %swap3A_57 = tpu.vector_load %arg12[%swap3A_55, %swap3A_56] {strides = array<i32>} : memref<128x128xf32, #tpu.memory_space<vmem>>, vector<1x16xf32>,
      %swap3A_58 = vector.shape_cast %swap3A_57 : vector<1x16xf32> to vector<16xf32>
      %swap3A_59 = vector.shape_cast %broadcast_in_dim3A_54 : vector<16xf32> to vector<1x16xf32>
      tpu.vector_store %arg12[%swap3A_55, %swap3A_56], %swap3A_59 {strides = array<i32>} : memref<128x128xf32, #tpu.memory_space<vmem>>, vector<1x16xf32>,
      %broadcast_in_dim3A_60 = arith.constant 0.000000e+00 : f32
      %broadcast_in_dim3A_61 = vector.broadcast %broadcast_in_dim3A_60 : f32 to vector<16xf32>
      %swap3A_62 = arith.index_cast %scan3A_39 : i32 to index
      %swap3A_63 = arith.constant 48 : index
      %swap3A_64 = tpu.vector_load %arg12[%swap3A_62, %swap3A_63] {strides = array<i32>} : memref<128x128xf32, #tpu.memory_space<vmem>>, vector<1x16xf32>,
      %swap3A_65 = vector.shape_cast %swap3A_64 : vector<1x16xf32> to vector<16xf32>
      %swap3A_66 = vector.shape_cast %broadcast_in_dim3A_61 : vector<16xf32> to vector<1x16xf32>
      tpu.vector_store %arg12[%swap3A_62, %swap3A_63], %swap3A_66 {strides = array<i32>} : memref<128x128xf32, #tpu.memory_space<vmem>>, vector<1x16xf32>,
      %broadcast_in_dim3A_67 = arith.constant 0.000000e+00 : f32
      %broadcast_in_dim3A_68 = vector.broadcast %broadcast_in_dim3A_67 : f32 to vector<16xf32>
      %swap3A_69 = arith.index_cast %scan3A_39 : i32 to index
      %swap3A_70 = arith.constant 64 : index
      %swap3A_71 = tpu.vector_load %arg12[%swap3A_69, %swap3A_70] {strides = array<i32>} : memref<128x128xf32, #tpu.memory_space<vmem>>, vector<1x16xf32>,
      %swap3A_72 = vector.shape_cast %swap3A_71 : vector<1x16xf32> to vector<16xf32>
      %swap3A_73 = vector.shape_cast %broadcast_in_dim3A_68 : vector<16xf32> to vector<1x16xf32>
      tpu.vector_store %arg12[%swap3A_69, %swap3A_70], %swap3A_73 {strides = array<i32>} : memref<128x128xf32, #tpu.memory_space<vmem>>, vector<1x16xf32>,
      %broadcast_in_dim3A_74 = arith.constant 0.000000e+00 : f32
      %broadcast_in_dim3A_75 = vector.broadcast %broadcast_in_dim3A_74 : f32 to vector<16xf32>
      %swap3A_76 = arith.index_cast %scan3A_39 : i32 to index
      %swap3A_77 = arith.constant 80 : index
      %swap3A_78 = tpu.vector_load %arg12[%swap3A_76, %swap3A_77] {strides = array<i32>} : memref<128x128xf32, #tpu.memory_space<vmem>>, vector<1x16xf32>,
      %swap3A_79 = vector.shape_cast %swap3A_78 : vector<1x16xf32> to vector<16xf32>
      %swap3A_80 = vector.shape_cast %broadcast_in_dim3A_75 : vector<16xf32> to vector<1x16xf32>
      tpu.vector_store %arg12[%swap3A_76, %swap3A_77], %swap3A_80 {strides = array<i32>} : memref<128x128xf32, #tpu.memory_space<vmem>>, vector<1x16xf32>,
      %broadcast_in_dim3A_81 = arith.constant 0.000000e+00 : f32
      %broadcast_in_dim3A_82 = vector.broadcast %broadcast_in_dim3A_81 : f32 to vector<16xf32>
      %swap3A_83 = arith.index_cast %scan3A_39 : i32 to index
      %swap3A_84 = arith.constant 96 : index
      %swap3A_85 = tpu.vector_load %arg12[%swap3A_83, %swap3A_84] {strides = array<i32>} : memref<128x128xf32, #tpu.memory_space<vmem>>, vector<1x16xf32>,
      %swap3A_86 = vector.shape_cast %swap3A_85 : vector<1x16xf32> to vector<16xf32>
      %swap3A_87 = vector.shape_cast %broadcast_in_dim3A_82 : vector<16xf32> to vector<1x16xf32>
      tpu.vector_store %arg12[%swap3A_83, %swap3A_84], %swap3A_87 {strides = array<i32>} : memref<128x128xf32, #tpu.memory_space<vmem>>, vector<1x16xf32>,
      %broadcast_in_dim3A_88 = arith.constant 0.000000e+00 : f32
      %broadcast_in_dim3A_89 = vector.broadcast %broadcast_in_dim3A_88 : f32 to vector<16xf32>
      %swap3A_90 = arith.index_cast %scan3A_39 : i32 to index
      %swap3A_91 = arith.constant 112 : index
      %swap3A_92 = tpu.vector_load %arg12[%swap3A_90, %swap3A_91] {strides = array<i32>} : memref<128x128xf32, #tpu.memory_space<vmem>>, vector<1x16xf32>,
      %swap3A_93 = vector.shape_cast %swap3A_92 : vector<1x16xf32> to vector<16xf32>
      %swap3A_94 = vector.shape_cast %broadcast_in_dim3A_89 : vector<16xf32> to vector<1x16xf32>
      tpu.vector_store %arg12[%swap3A_90, %swap3A_91], %swap3A_94 {strides = array<i32>} : memref<128x128xf32, #tpu.memory_space<vmem>>, vector<1x16xf32>,
      %scan3A_95 = arith.constant 0 : i32
      scf.yield %scan3A_95 : i32
    }
    %scan3A_6 = arith.constant 128 : i32
    %mul3A_7 = arith.constant 640 : i32
    %mul3A_8 = arith.muli %arg1, %mul3A_7 : i32
    %add3A_9 = arith.constant 0 : i32
    %add3A_10 = arith.addi %mul3A_8, %add3A_9 : i32
    "tpu.region"() ({
      %run_scoped3A = tpu.sem_alloc : memref<!tpu.dma_semaphore, #tpu.memory_space<semaphore_mem>>
      %dma_start3A = arith.constant 0 : i32
      %dma_start3A_39 = tpu.memref_slice %arg13[%add3A_10, %dma_start3A] : memref<10240x128xf32, #tpu.memory_space<vmem_shared>> -> memref<128x128xf32, #tpu.memory_space<vmem_shared>>
      %dma_start3A_40 = arith.constant 0 : i32
      %dma_start3A_41 = tpu.memref_slice %arg13[%add3A_10, %dma_start3A_40] : memref<10240x128xf32, #tpu.memory_space<vmem_shared>> -> memref<128x128xf32, #tpu.memory_space<vmem_shared>>
      tpu.enqueue_dma source(%arg12 : memref<128x128xf32, #tpu.memory_space<vmem>>) target(%dma_start3A_41 : memref<128x128xf32, #tpu.memory_space<vmem_shared>>) target_semaphore(%run_scoped3A : memref<!tpu.dma_semaphore, #tpu.memory_space<semaphore_mem>>)
      %dma_wait3A = arith.constant 0 : i32
      %dma_wait3A_42 = tpu.memref_slice %arg13[%add3A_10, %dma_wait3A] : memref<10240x128xf32, #tpu.memory_space<vmem_shared>> -> memref<128x128xf32, #tpu.memory_space<vmem_shared>>
      %dma_wait3A_43 = arith.constant 0 : i32
      %dma_wait3A_44 = tpu.memref_slice %arg13[%add3A_10, %dma_wait3A_43] : memref<10240x128xf32, #tpu.memory_space<vmem_shared>> -> memref<128x128xf32, #tpu.memory_space<vmem_shared>>
      tpu.wait_dma2 semaphore(%run_scoped3A : memref<!tpu.dma_semaphore, #tpu.memory_space<semaphore_mem>>) src(%arg12 : memref<128x128xf32, #tpu.memory_space<vmem>>) dst(%dma_wait3A_44 : memref<128x128xf32, #tpu.memory_space<vmem_shared>>)
      tpu.yield
    }) : () -> ()
    %mul3A_11 = arith.constant 640 : i32
    %mul3A_12 = arith.muli %arg1, %mul3A_11 : i32
    %add3A_13 = arith.constant 128 : i32
    %add3A_14 = arith.addi %mul3A_12, %add3A_13 : i32
    "tpu.region"() ({
      %run_scoped3A = tpu.sem_alloc : memref<!tpu.dma_semaphore, #tpu.memory_space<semaphore_mem>>
      %dma_start3A = arith.constant 0 : i32
      %dma_start3A_39 = tpu.memref_slice %arg13[%add3A_14, %dma_start3A] : memref<10240x128xf32, #tpu.memory_space<vmem_shared>> -> memref<128x128xf32, #tpu.memory_space<vmem_shared>>
      %dma_start3A_40 = arith.constant 0 : i32
      %dma_start3A_41 = tpu.memref_slice %arg13[%add3A_14, %dma_start3A_40] : memref<10240x128xf32, #tpu.memory_space<vmem_shared>> -> memref<128x128xf32, #tpu.memory_space<vmem_shared>>
      tpu.enqueue_dma source(%arg12 : memref<128x128xf32, #tpu.memory_space<vmem>>) target(%dma_start3A_41 : memref<128x128xf32, #tpu.memory_space<vmem_shared>>) target_semaphore(%run_scoped3A : memref<!tpu.dma_semaphore, #tpu.memory_space<semaphore_mem>>)
      %dma_wait3A = arith.constant 0 : i32
      %dma_wait3A_42 = tpu.memref_slice %arg13[%add3A_14, %dma_wait3A] : memref<10240x128xf32, #tpu.memory_space<vmem_shared>> -> memref<128x128xf32, #tpu.memory_space<vmem_shared>>
      %dma_wait3A_43 = arith.constant 0 : i32
      %dma_wait3A_44 = tpu.memref_slice %arg13[%add3A_14, %dma_wait3A_43] : memref<10240x128xf32, #tpu.memory_space<vmem_shared>> -> memref<128x128xf32, #tpu.memory_space<vmem_shared>>
      tpu.wait_dma2 semaphore(%run_scoped3A : memref<!tpu.dma_semaphore, #tpu.memory_space<semaphore_mem>>) src(%arg12 : memref<128x128xf32, #tpu.memory_space<vmem>>) dst(%dma_wait3A_44 : memref<128x128xf32, #tpu.memory_space<vmem_shared>>)
      tpu.yield
    }) : () -> ()
    %mul3A_15 = arith.constant 640 : i32
    %mul3A_16 = arith.muli %arg1, %mul3A_15 : i32
    %add3A_17 = arith.constant 256 : i32
    %add3A_18 = arith.addi %mul3A_16, %add3A_17 : i32
    "tpu.region"() ({
      %run_scoped3A = tpu.sem_alloc : memref<!tpu.dma_semaphore, #tpu.memory_space<semaphore_mem>>
      %dma_start3A = arith.constant 0 : i32
      %dma_start3A_39 = tpu.memref_slice %arg13[%add3A_18, %dma_start3A] : memref<10240x128xf32, #tpu.memory_space<vmem_shared>> -> memref<128x128xf32, #tpu.memory_space<vmem_shared>>
      %dma_start3A_40 = arith.constant 0 : i32
      %dma_start3A_41 = tpu.memref_slice %arg13[%add3A_18, %dma_start3A_40] : memref<10240x128xf32, #tpu.memory_space<vmem_shared>> -> memref<128x128xf32, #tpu.memory_space<vmem_shared>>
      tpu.enqueue_dma source(%arg12 : memref<128x128xf32, #tpu.memory_space<vmem>>) target(%dma_start3A_41 : memref<128x128xf32, #tpu.memory_space<vmem_shared>>) target_semaphore(%run_scoped3A : memref<!tpu.dma_semaphore, #tpu.memory_space<semaphore_mem>>)
      %dma_wait3A = arith.constant 0 : i32
      %dma_wait3A_42 = tpu.memref_slice %arg13[%add3A_18, %dma_wait3A] : memref<10240x128xf32, #tpu.memory_space<vmem_shared>> -> memref<128x128xf32, #tpu.memory_space<vmem_shared>>
      %dma_wait3A_43 = arith.constant 0 : i32
      %dma_wait3A_44 = tpu.memref_slice %arg13[%add3A_18, %dma_wait3A_43] : memref<10240x128xf32, #tpu.memory_space<vmem_shared>> -> memref<128x128xf32, #tpu.memory_space<vmem_shared>>
      tpu.wait_dma2 semaphore(%run_scoped3A : memref<!tpu.dma_semaphore, #tpu.memory_space<semaphore_mem>>) src(%arg12 : memref<128x128xf32, #tpu.memory_space<vmem>>) dst(%dma_wait3A_44 : memref<128x128xf32, #tpu.memory_space<vmem_shared>>)
      tpu.yield
    }) : () -> ()
    %mul3A_19 = arith.constant 640 : i32
    %mul3A_20 = arith.muli %arg1, %mul3A_19 : i32
    %add3A_21 = arith.constant 384 : i32
    %add3A_22 = arith.addi %mul3A_20, %add3A_21 : i32
    "tpu.region"() ({
      %run_scoped3A = tpu.sem_alloc : memref<!tpu.dma_semaphore, #tpu.memory_space<semaphore_mem>>
      %dma_start3A = arith.constant 0 : i32
      %dma_start3A_39 = tpu.memref_slice %arg13[%add3A_22, %dma_start3A] : memref<10240x128xf32, #tpu.memory_space<vmem_shared>> -> memref<128x128xf32, #tpu.memory_space<vmem_shared>>
      %dma_start3A_40 = arith.constant 0 : i32
      %dma_start3A_41 = tpu.memref_slice %arg13[%add3A_22, %dma_start3A_40] : memref<10240x128xf32, #tpu.memory_space<vmem_shared>> -> memref<128x128xf32, #tpu.memory_space<vmem_shared>>
      tpu.enqueue_dma source(%arg12 : memref<128x128xf32, #tpu.memory_space<vmem>>) target(%dma_start3A_41 : memref<128x128xf32, #tpu.memory_space<vmem_shared>>) target_semaphore(%run_scoped3A : memref<!tpu.dma_semaphore, #tpu.memory_space<semaphore_mem>>)
      %dma_wait3A = arith.constant 0 : i32
      %dma_wait3A_42 = tpu.memref_slice %arg13[%add3A_22, %dma_wait3A] : memref<10240x128xf32, #tpu.memory_space<vmem_shared>> -> memref<128x128xf32, #tpu.memory_space<vmem_shared>>
      %dma_wait3A_43 = arith.constant 0 : i32
      %dma_wait3A_44 = tpu.memref_slice %arg13[%add3A_22, %dma_wait3A_43] : memref<10240x128xf32, #tpu.memory_space<vmem_shared>> -> memref<128x128xf32, #tpu.memory_space<vmem_shared>>
      tpu.wait_dma2 semaphore(%run_scoped3A : memref<!tpu.dma_semaphore, #tpu.memory_space<semaphore_mem>>) src(%arg12 : memref<128x128xf32, #tpu.memory_space<vmem>>) dst(%dma_wait3A_44 : memref<128x128xf32, #tpu.memory_space<vmem_shared>>)
      tpu.yield
    }) : () -> ()
    %mul3A_23 = arith.constant 640 : i32
    %mul3A_24 = arith.muli %arg1, %mul3A_23 : i32
    %add3A_25 = arith.constant 512 : i32
    %add3A_26 = arith.addi %mul3A_24, %add3A_25 : i32
    "tpu.region"() ({
      %run_scoped3A = tpu.sem_alloc : memref<!tpu.dma_semaphore, #tpu.memory_space<semaphore_mem>>
      %dma_start3A = arith.constant 0 : i32
      %dma_start3A_39 = tpu.memref_slice %arg13[%add3A_26, %dma_start3A] : memref<10240x128xf32, #tpu.memory_space<vmem_shared>> -> memref<128x128xf32, #tpu.memory_space<vmem_shared>>
      %dma_start3A_40 = arith.constant 0 : i32
      %dma_start3A_41 = tpu.memref_slice %arg13[%add3A_26, %dma_start3A_40] : memref<10240x128xf32, #tpu.memory_space<vmem_shared>> -> memref<128x128xf32, #tpu.memory_space<vmem_shared>>
      tpu.enqueue_dma source(%arg12 : memref<128x128xf32, #tpu.memory_space<vmem>>) target(%dma_start3A_41 : memref<128x128xf32, #tpu.memory_space<vmem_shared>>) target_semaphore(%run_scoped3A : memref<!tpu.dma_semaphore, #tpu.memory_space<semaphore_mem>>)
      %dma_wait3A = arith.constant 0 : i32
      %dma_wait3A_42 = tpu.memref_slice %arg13[%add3A_26, %dma_wait3A] : memref<10240x128xf32, #tpu.memory_space<vmem_shared>> -> memref<128x128xf32, #tpu.memory_space<vmem_shared>>
      %dma_wait3A_43 = arith.constant 0 : i32
      %dma_wait3A_44 = tpu.memref_slice %arg13[%add3A_26, %dma_wait3A_43] : memref<10240x128xf32, #tpu.memory_space<vmem_shared>> -> memref<128x128xf32, #tpu.memory_space<vmem_shared>>
      tpu.wait_dma2 semaphore(%run_scoped3A : memref<!tpu.dma_semaphore, #tpu.memory_space<semaphore_mem>>) src(%arg12 : memref<128x128xf32, #tpu.memory_space<vmem>>) dst(%dma_wait3A_44 : memref<128x128xf32, #tpu.memory_space<vmem_shared>>)
      tpu.yield
    }) : () -> ()
    %barrier3A = arith.constant 0 : index
    tpu.barrier barrier_id(%barrier3A)
    %scan3A_27 = arith.constant 0 : i32
    %scan3A_28 = arith.constant 0 : i32
    %scan3A_29 = arith.constant 79 : i32
    %scan3A_30 = arith.addi %scan3A_28, %scan3A_29 : i32
    %scan3A_31 = arith.constant 1 : i32
    %scan3A_32 = scf.for %scan3A_39 = %scan3A_28 to %scan3A_30 step %scan3A_31 iter_args(%scan3A_40 = %scan3A_27) -> (i32)  : i32 {
      %mul3A_41 = arith.constant 10112 : i32
      %mul3A_42 = arith.muli %add3A, %mul3A_41 : i32
      %mul3A_43 = arith.constant 128 : i32
      %mul3A_44 = arith.muli %scan3A_39, %mul3A_43 : i32
      %add3A_45 = arith.addi %mul3A_42, %mul3A_44 : i32
      "tpu.region"() ({
        %run_scoped3A = tpu.sem_alloc : memref<!tpu.dma_semaphore, #tpu.memory_space<semaphore_mem>>
        %dma_start3A_64 = tpu.memref_slice %arg3[%add3A_45] : memref<323584xi32, #tpu.memory_space<hbm>> -> memref<128xi32, #tpu.memory_space<hbm>>
        %dma_start3A_65 = tpu.memref_slice %arg3[%add3A_45] : memref<323584xi32, #tpu.memory_space<hbm>> -> memref<128xi32, #tpu.memory_space<hbm>>
        tpu.enqueue_dma source(%dma_start3A_65 : memref<128xi32, #tpu.memory_space<hbm>>) target(%arg8 : memref<128xi32, #tpu.memory_space<vmem>>) target_semaphore(%run_scoped3A : memref<!tpu.dma_semaphore, #tpu.memory_space<semaphore_mem>>)
        %dma_wait3A_66 = tpu.memref_slice %arg3[%add3A_45] : memref<323584xi32, #tpu.memory_space<hbm>> -> memref<128xi32, #tpu.memory_space<hbm>>
        %dma_wait3A_67 = tpu.memref_slice %arg3[%add3A_45] : memref<323584xi32, #tpu.memory_space<hbm>> -> memref<128xi32, #tpu.memory_space<hbm>>
        tpu.wait_dma2 semaphore(%run_scoped3A : memref<!tpu.dma_semaphore, #tpu.memory_space<semaphore_mem>>) src(%dma_wait3A_67 : memref<128xi32, #tpu.memory_space<hbm>>) dst(%arg8 : memref<128xi32, #tpu.memory_space<vmem>>)
        tpu.yield
      }) : () -> ()
      "tpu.region"() ({
        %run_scoped3A = tpu.sem_alloc : memref<!tpu.dma_semaphore, #tpu.memory_space<semaphore_mem>>
        %dma_start3A_64 = tpu.memref_slice %arg5[%add3A_45] : memref<323584xi32, #tpu.memory_space<hbm>> -> memref<128xi32, #tpu.memory_space<hbm>>
        %dma_start3A_65 = tpu.memref_slice %arg5[%add3A_45] : memref<323584xi32, #tpu.memory_space<hbm>> -> memref<128xi32, #tpu.memory_space<hbm>>
        tpu.enqueue_dma source(%dma_start3A_65 : memref<128xi32, #tpu.memory_space<hbm>>) target(%arg10 : memref<128xi32, #tpu.memory_space<vmem>>) target_semaphore(%run_scoped3A : memref<!tpu.dma_semaphore, #tpu.memory_space<semaphore_mem>>)
        %dma_wait3A_66 = tpu.memref_slice %arg5[%add3A_45] : memref<323584xi32, #tpu.memory_space<hbm>> -> memref<128xi32, #tpu.memory_space<hbm>>
        %dma_wait3A_67 = tpu.memref_slice %arg5[%add3A_45] : memref<323584xi32, #tpu.memory_space<hbm>> -> memref<128xi32, #tpu.memory_space<hbm>>
        tpu.wait_dma2 semaphore(%run_scoped3A : memref<!tpu.dma_semaphore, #tpu.memory_space<semaphore_mem>>) src(%dma_wait3A_67 : memref<128xi32, #tpu.memory_space<hbm>>) dst(%arg10 : memref<128xi32, #tpu.memory_space<vmem>>)
        tpu.yield
      }) : () -> ()
      "tpu.region"() ({
        %run_scoped3A = tpu.sem_alloc : memref<!tpu.dma_semaphore, #tpu.memory_space<semaphore_mem>>
        %dma_start3A_64 = tpu.memref_slice %arg4[%add3A_45] : memref<323584xi32, #tpu.memory_space<hbm>> -> memref<128xi32, #tpu.memory_space<hbm>>
        %dma_start3A_65 = tpu.memref_slice %arg4[%add3A_45] : memref<323584xi32, #tpu.memory_space<hbm>> -> memref<128xi32, #tpu.memory_space<hbm>>
        tpu.enqueue_dma source(%dma_start3A_65 : memref<128xi32, #tpu.memory_space<hbm>>) target(%arg9 : memref<128xi32, #tpu.memory_space<vmem>>) target_semaphore(%run_scoped3A : memref<!tpu.dma_semaphore, #tpu.memory_space<semaphore_mem>>)
        %dma_wait3A_66 = tpu.memref_slice %arg4[%add3A_45] : memref<323584xi32, #tpu.memory_space<hbm>> -> memref<128xi32, #tpu.memory_space<hbm>>
        %dma_wait3A_67 = tpu.memref_slice %arg4[%add3A_45] : memref<323584xi32, #tpu.memory_space<hbm>> -> memref<128xi32, #tpu.memory_space<hbm>>
        tpu.wait_dma2 semaphore(%run_scoped3A : memref<!tpu.dma_semaphore, #tpu.memory_space<semaphore_mem>>) src(%dma_wait3A_67 : memref<128xi32, #tpu.memory_space<hbm>>) dst(%arg9 : memref<128xi32, #tpu.memory_space<vmem>>)
        tpu.yield
      }) : () -> ()
      %dma_start3A = arith.constant 0 : i32
      %dma_start3A_46 = arith.constant 0 : i32
      %dma_start3A_47 = tpu.memref_slice %arg2[%dma_start3A, %dma_start3A_46] : memref<10000x128xf32, #tpu.memory_space<hbm>> -> memref<10000x128xf32, #tpu.memory_space<hbm>>
      tpu.enqueue_indirect_dma source(%dma_start3A_47 : memref<10000x128xf32, #tpu.memory_space<hbm>>) target(%arg11 : memref<128x128xf32, #tpu.memory_space<vmem>>) offsets(%arg8 : memref<128xi32, #tpu.memory_space<vmem>>) semaphore(%arg14 : memref<!tpu.dma_semaphore, #tpu.memory_space<semaphore_mem>>)
      %dma_start3A_48 = arith.constant 0 : i32
      %dma_start3A_49 = arith.constant 0 : i32
      %dma_start3A_50 = tpu.memref_slice %arg6[%dma_start3A_48, %dma_start3A_49] : memref<128x128xf32, #tpu.memory_space<hbm>> -> memref<128x128xf32, #tpu.memory_space<hbm>>
      tpu.enqueue_indirect_dma source(%dma_start3A_50 : memref<128x128xf32, #tpu.memory_space<hbm>>) target(%arg12 : memref<128x128xf32, #tpu.memory_space<vmem>>) offsets(%arg10 : memref<128xi32, #tpu.memory_space<vmem>>) semaphore(%arg15 : memref<!tpu.dma_semaphore, #tpu.memory_space<semaphore_mem>>)
      %dma_wait3A = arith.constant 0 : i32
      %dma_wait3A_51 = arith.constant 0 : i32
      %dma_wait3A_52 = tpu.memref_slice %arg2[%dma_wait3A, %dma_wait3A_51] : memref<10000x128xf32, #tpu.memory_space<hbm>> -> memref<10000x128xf32, #tpu.memory_space<hbm>>
      tpu.wait_indirect_dma semaphore(%arg14 : memref<!tpu.dma_semaphore, #tpu.memory_space<semaphore_mem>>) src(%dma_wait3A_52 : memref<10000x128xf32, #tpu.memory_space<hbm>>) dst(%arg11 : memref<128x128xf32, #tpu.memory_space<vmem>>)
      %dma_wait3A_53 = arith.constant 0 : i32
      %dma_wait3A_54 = arith.constant 0 : i32
      %dma_wait3A_55 = tpu.memref_slice %arg6[%dma_wait3A_53, %dma_wait3A_54] : memref<128x128xf32, #tpu.memory_space<hbm>> -> memref<128x128xf32, #tpu.memory_space<hbm>>
      tpu.wait_indirect_dma semaphore(%arg15 : memref<!tpu.dma_semaphore, #tpu.memory_space<semaphore_mem>>) src(%dma_wait3A_55 : memref<128x128xf32, #tpu.memory_space<hbm>>) dst(%arg12 : memref<128x128xf32, #tpu.memory_space<vmem>>)
      %scan3A_56 = arith.constant 0 : i32
      %scan3A_57 = arith.constant 0 : i32
      %scan3A_58 = arith.constant 128 : i32
      %scan3A_59 = arith.addi %scan3A_57, %scan3A_58 : i32
      %scan3A_60 = arith.constant 1 : i32
      %scan3A_61 = scf.for %scan3A_64 = %scan3A_57 to %scan3A_59 step %scan3A_60 iter_args(%scan3A_65 = %scan3A_56) -> (i32)  : i32 {
        %get3A = arith.index_cast %scan3A_64 : i32 to index
        %get3A_66 = arith.constant 0 : index
        %get3A_67 = tpu.vector_load %arg11[%get3A, %get3A_66] {strides = array<i32>} : memref<128x128xf32, #tpu.memory_space<vmem>>, vector<1x16xf32>,
        %get3A_68 = vector.shape_cast %get3A_67 : vector<1x16xf32> to vector<16xf32>
        %get3A_69 = arith.index_cast %scan3A_64 : i32 to index
        %get3A_70 = arith.constant 0 : index
        %get3A_71 = tpu.vector_load %arg12[%get3A_69, %get3A_70] {strides = array<i32>} : memref<128x128xf32, #tpu.memory_space<vmem>>, vector<1x16xf32>,
        %get3A_72 = vector.shape_cast %get3A_71 : vector<1x16xf32> to vector<16xf32>
        %add3A_73 = arith.addf %get3A_68, %get3A_72 : vector<16xf32>
        %max3A = arith.constant 0.000000e+00 : f32
        %max3A_74 = vector.broadcast %max3A : f32 to vector<16xf32>
        %max3A_75 = arith.maximumf %add3A_73, %max3A_74 : vector<16xf32>
        %swap3A = arith.index_cast %scan3A_64 : i32 to index
        %swap3A_76 = arith.constant 0 : index
        %swap3A_77 = tpu.vector_load %arg11[%swap3A, %swap3A_76] {strides = array<i32>} : memref<128x128xf32, #tpu.memory_space<vmem>>, vector<1x16xf32>,
        %swap3A_78 = vector.shape_cast %swap3A_77 : vector<1x16xf32> to vector<16xf32>
        %swap3A_79 = vector.shape_cast %max3A_75 : vector<16xf32> to vector<1x16xf32>
        tpu.vector_store %arg11[%swap3A, %swap3A_76], %swap3A_79 {strides = array<i32>} : memref<128x128xf32, #tpu.memory_space<vmem>>, vector<1x16xf32>,
        %get3A_80 = arith.index_cast %scan3A_64 : i32 to index
        %get3A_81 = arith.constant 16 : index
        %get3A_82 = tpu.vector_load %arg11[%get3A_80, %get3A_81] {strides = array<i32>} : memref<128x128xf32, #tpu.memory_space<vmem>>, vector<1x16xf32>,
        %get3A_83 = vector.shape_cast %get3A_82 : vector<1x16xf32> to vector<16xf32>
        %get3A_84 = arith.index_cast %scan3A_64 : i32 to index
        %get3A_85 = arith.constant 16 : index
        %get3A_86 = tpu.vector_load %arg12[%get3A_84, %get3A_85] {strides = array<i32>} : memref<128x128xf32, #tpu.memory_space<vmem>>, vector<1x16xf32>,
        %get3A_87 = vector.shape_cast %get3A_86 : vector<1x16xf32> to vector<16xf32>
        %add3A_88 = arith.addf %get3A_83, %get3A_87 : vector<16xf32>
        %max3A_89 = arith.constant 0.000000e+00 : f32
        %max3A_90 = vector.broadcast %max3A_89 : f32 to vector<16xf32>
        %max3A_91 = arith.maximumf %add3A_88, %max3A_90 : vector<16xf32>
        %swap3A_92 = arith.index_cast %scan3A_64 : i32 to index
        %swap3A_93 = arith.constant 16 : index
        %swap3A_94 = tpu.vector_load %arg11[%swap3A_92, %swap3A_93] {strides = array<i32>} : memref<128x128xf32, #tpu.memory_space<vmem>>, vector<1x16xf32>,
        %swap3A_95 = vector.shape_cast %swap3A_94 : vector<1x16xf32> to vector<16xf32>
        %swap3A_96 = vector.shape_cast %max3A_91 : vector<16xf32> to vector<1x16xf32>
        tpu.vector_store %arg11[%swap3A_92, %swap3A_93], %swap3A_96 {strides = array<i32>} : memref<128x128xf32, #tpu.memory_space<vmem>>, vector<1x16xf32>,
        %get3A_97 = arith.index_cast %scan3A_64 : i32 to index
        %get3A_98 = arith.constant 32 : index
        %get3A_99 = tpu.vector_load %arg11[%get3A_97, %get3A_98] {strides = array<i32>} : memref<128x128xf32, #tpu.memory_space<vmem>>, vector<1x16xf32>,
        %get3A_100 = vector.shape_cast %get3A_99 : vector<1x16xf32> to vector<16xf32>
        %get3A_101 = arith.index_cast %scan3A_64 : i32 to index
        %get3A_102 = arith.constant 32 : index
        %get3A_103 = tpu.vector_load %arg12[%get3A_101, %get3A_102] {strides = array<i32>} : memref<128x128xf32, #tpu.memory_space<vmem>>, vector<1x16xf32>,
        %get3A_104 = vector.shape_cast %get3A_103 : vector<1x16xf32> to vector<16xf32>
        %add3A_105 = arith.addf %get3A_100, %get3A_104 : vector<16xf32>
        %max3A_106 = arith.constant 0.000000e+00 : f32
        %max3A_107 = vector.broadcast %max3A_106 : f32 to vector<16xf32>
        %max3A_108 = arith.maximumf %add3A_105, %max3A_107 : vector<16xf32>
        %swap3A_109 = arith.index_cast %scan3A_64 : i32 to index
        %swap3A_110 = arith.constant 32 : index
        %swap3A_111 = tpu.vector_load %arg11[%swap3A_109, %swap3A_110] {strides = array<i32>} : memref<128x128xf32, #tpu.memory_space<vmem>>, vector<1x16xf32>,
        %swap3A_112 = vector.shape_cast %swap3A_111 : vector<1x16xf32> to vector<16xf32>
        %swap3A_113 = vector.shape_cast %max3A_108 : vector<16xf32> to vector<1x16xf32>
        tpu.vector_store %arg11[%swap3A_109, %swap3A_110], %swap3A_113 {strides = array<i32>} : memref<128x128xf32, #tpu.memory_space<vmem>>, vector<1x16xf32>,
        %get3A_114 = arith.index_cast %scan3A_64 : i32 to index
        %get3A_115 = arith.constant 48 : index
        %get3A_116 = tpu.vector_load %arg11[%get3A_114, %get3A_115] {strides = array<i32>} : memref<128x128xf32, #tpu.memory_space<vmem>>, vector<1x16xf32>,
        %get3A_117 = vector.shape_cast %get3A_116 : vector<1x16xf32> to vector<16xf32>
        %get3A_118 = arith.index_cast %scan3A_64 : i32 to index
        %get3A_119 = arith.constant 48 : index
        %get3A_120 = tpu.vector_load %arg12[%get3A_118, %get3A_119] {strides = array<i32>} : memref<128x128xf32, #tpu.memory_space<vmem>>, vector<1x16xf32>,
        %get3A_121 = vector.shape_cast %get3A_120 : vector<1x16xf32> to vector<16xf32>
        %add3A_122 = arith.addf %get3A_117, %get3A_121 : vector<16xf32>
        %max3A_123 = arith.constant 0.000000e+00 : f32
        %max3A_124 = vector.broadcast %max3A_123 : f32 to vector<16xf32>
        %max3A_125 = arith.maximumf %add3A_122, %max3A_124 : vector<16xf32>
        %swap3A_126 = arith.index_cast %scan3A_64 : i32 to index
        %swap3A_127 = arith.constant 48 : index
        %swap3A_128 = tpu.vector_load %arg11[%swap3A_126, %swap3A_127] {strides = array<i32>} : memref<128x128xf32, #tpu.memory_space<vmem>>, vector<1x16xf32>,
        %swap3A_129 = vector.shape_cast %swap3A_128 : vector<1x16xf32> to vector<16xf32>
        %swap3A_130 = vector.shape_cast %max3A_125 : vector<16xf32> to vector<1x16xf32>
        tpu.vector_store %arg11[%swap3A_126, %swap3A_127], %swap3A_130 {strides = array<i32>} : memref<128x128xf32, #tpu.memory_space<vmem>>, vector<1x16xf32>,
        %get3A_131 = arith.index_cast %scan3A_64 : i32 to index
        %get3A_132 = arith.constant 64 : index
        %get3A_133 = tpu.vector_load %arg11[%get3A_131, %get3A_132] {strides = array<i32>} : memref<128x128xf32, #tpu.memory_space<vmem>>, vector<1x16xf32>,
        %get3A_134 = vector.shape_cast %get3A_133 : vector<1x16xf32> to vector<16xf32>
        %get3A_135 = arith.index_cast %scan3A_64 : i32 to index
        %get3A_136 = arith.constant 64 : index
        %get3A_137 = tpu.vector_load %arg12[%get3A_135, %get3A_136] {strides = array<i32>} : memref<128x128xf32, #tpu.memory_space<vmem>>, vector<1x16xf32>,
        %get3A_138 = vector.shape_cast %get3A_137 : vector<1x16xf32> to vector<16xf32>
        %add3A_139 = arith.addf %get3A_134, %get3A_138 : vector<16xf32>
        %max3A_140 = arith.constant 0.000000e+00 : f32
        %max3A_141 = vector.broadcast %max3A_140 : f32 to vector<16xf32>
        %max3A_142 = arith.maximumf %add3A_139, %max3A_141 : vector<16xf32>
        %swap3A_143 = arith.index_cast %scan3A_64 : i32 to index
        %swap3A_144 = arith.constant 64 : index
        %swap3A_145 = tpu.vector_load %arg11[%swap3A_143, %swap3A_144] {strides = array<i32>} : memref<128x128xf32, #tpu.memory_space<vmem>>, vector<1x16xf32>,
        %swap3A_146 = vector.shape_cast %swap3A_145 : vector<1x16xf32> to vector<16xf32>
        %swap3A_147 = vector.shape_cast %max3A_142 : vector<16xf32> to vector<1x16xf32>
        tpu.vector_store %arg11[%swap3A_143, %swap3A_144], %swap3A_147 {strides = array<i32>} : memref<128x128xf32, #tpu.memory_space<vmem>>, vector<1x16xf32>,
        %get3A_148 = arith.index_cast %scan3A_64 : i32 to index
        %get3A_149 = arith.constant 80 : index
        %get3A_150 = tpu.vector_load %arg11[%get3A_148, %get3A_149] {strides = array<i32>} : memref<128x128xf32, #tpu.memory_space<vmem>>, vector<1x16xf32>,
        %get3A_151 = vector.shape_cast %get3A_150 : vector<1x16xf32> to vector<16xf32>
        %get3A_152 = arith.index_cast %scan3A_64 : i32 to index
        %get3A_153 = arith.constant 80 : index
        %get3A_154 = tpu.vector_load %arg12[%get3A_152, %get3A_153] {strides = array<i32>} : memref<128x128xf32, #tpu.memory_space<vmem>>, vector<1x16xf32>,
        %get3A_155 = vector.shape_cast %get3A_154 : vector<1x16xf32> to vector<16xf32>
        %add3A_156 = arith.addf %get3A_151, %get3A_155 : vector<16xf32>
        %max3A_157 = arith.constant 0.000000e+00 : f32
        %max3A_158 = vector.broadcast %max3A_157 : f32 to vector<16xf32>
        %max3A_159 = arith.maximumf %add3A_156, %max3A_158 : vector<16xf32>
        %swap3A_160 = arith.index_cast %scan3A_64 : i32 to index
        %swap3A_161 = arith.constant 80 : index
        %swap3A_162 = tpu.vector_load %arg11[%swap3A_160, %swap3A_161] {strides = array<i32>} : memref<128x128xf32, #tpu.memory_space<vmem>>, vector<1x16xf32>,
        %swap3A_163 = vector.shape_cast %swap3A_162 : vector<1x16xf32> to vector<16xf32>
        %swap3A_164 = vector.shape_cast %max3A_159 : vector<16xf32> to vector<1x16xf32>
        tpu.vector_store %arg11[%swap3A_160, %swap3A_161], %swap3A_164 {strides = array<i32>} : memref<128x128xf32, #tpu.memory_space<vmem>>, vector<1x16xf32>,
        %get3A_165 = arith.index_cast %scan3A_64 : i32 to index
        %get3A_166 = arith.constant 96 : index
        %get3A_167 = tpu.vector_load %arg11[%get3A_165, %get3A_166] {strides = array<i32>} : memref<128x128xf32, #tpu.memory_space<vmem>>, vector<1x16xf32>,
        %get3A_168 = vector.shape_cast %get3A_167 : vector<1x16xf32> to vector<16xf32>
        %get3A_169 = arith.index_cast %scan3A_64 : i32 to index
        %get3A_170 = arith.constant 96 : index
        %get3A_171 = tpu.vector_load %arg12[%get3A_169, %get3A_170] {strides = array<i32>} : memref<128x128xf32, #tpu.memory_space<vmem>>, vector<1x16xf32>,
        %get3A_172 = vector.shape_cast %get3A_171 : vector<1x16xf32> to vector<16xf32>
        %add3A_173 = arith.addf %get3A_168, %get3A_172 : vector<16xf32>
        %max3A_174 = arith.constant 0.000000e+00 : f32
        %max3A_175 = vector.broadcast %max3A_174 : f32 to vector<16xf32>
        %max3A_176 = arith.maximumf %add3A_173, %max3A_175 : vector<16xf32>
        %swap3A_177 = arith.index_cast %scan3A_64 : i32 to index
        %swap3A_178 = arith.constant 96 : index
        %swap3A_179 = tpu.vector_load %arg11[%swap3A_177, %swap3A_178] {strides = array<i32>} : memref<128x128xf32, #tpu.memory_space<vmem>>, vector<1x16xf32>,
        %swap3A_180 = vector.shape_cast %swap3A_179 : vector<1x16xf32> to vector<16xf32>
        %swap3A_181 = vector.shape_cast %max3A_176 : vector<16xf32> to vector<1x16xf32>
        tpu.vector_store %arg11[%swap3A_177, %swap3A_178], %swap3A_181 {strides = array<i32>} : memref<128x128xf32, #tpu.memory_space<vmem>>, vector<1x16xf32>,
        %get3A_182 = arith.index_cast %scan3A_64 : i32 to index
        %get3A_183 = arith.constant 112 : index
        %get3A_184 = tpu.vector_load %arg11[%get3A_182, %get3A_183] {strides = array<i32>} : memref<128x128xf32, #tpu.memory_space<vmem>>, vector<1x16xf32>,
        %get3A_185 = vector.shape_cast %get3A_184 : vector<1x16xf32> to vector<16xf32>
        %get3A_186 = arith.index_cast %scan3A_64 : i32 to index
        %get3A_187 = arith.constant 112 : index
        %get3A_188 = tpu.vector_load %arg12[%get3A_186, %get3A_187] {strides = array<i32>} : memref<128x128xf32, #tpu.memory_space<vmem>>, vector<1x16xf32>,
        %get3A_189 = vector.shape_cast %get3A_188 : vector<1x16xf32> to vector<16xf32>
        %add3A_190 = arith.addf %get3A_185, %get3A_189 : vector<16xf32>
        %max3A_191 = arith.constant 0.000000e+00 : f32
        %max3A_192 = vector.broadcast %max3A_191 : f32 to vector<16xf32>
        %max3A_193 = arith.maximumf %add3A_190, %max3A_192 : vector<16xf32>
        %swap3A_194 = arith.index_cast %scan3A_64 : i32 to index
        %swap3A_195 = arith.constant 112 : index
        %swap3A_196 = tpu.vector_load %arg11[%swap3A_194, %swap3A_195] {strides = array<i32>} : memref<128x128xf32, #tpu.memory_space<vmem>>, vector<1x16xf32>,
        %swap3A_197 = vector.shape_cast %swap3A_196 : vector<1x16xf32> to vector<16xf32>
        %swap3A_198 = vector.shape_cast %max3A_193 : vector<16xf32> to vector<1x16xf32>
        tpu.vector_store %arg11[%swap3A_194, %swap3A_195], %swap3A_198 {strides = array<i32>} : memref<128x128xf32, #tpu.memory_space<vmem>>, vector<1x16xf32>,
        %scan3A_199 = arith.constant 0 : i32
        scf.yield %scan3A_199 : i32
      }
      %scan3A_62 = arith.constant 128 : i32
      "tpu.region"() ({
        %run_scoped3A = tpu.sem_alloc : memref<!tpu.dma_semaphore, #tpu.memory_space<semaphore_mem>>
        %dma_start3A_64 = arith.constant 0 : i32
        %dma_start3A_65 = arith.constant 0 : i32
        %dma_start3A_66 = tpu.memref_slice %arg13[%dma_start3A_64, %dma_start3A_65] : memref<10240x128xf32, #tpu.memory_space<vmem_shared>> -> memref<10240x128xf32, #tpu.memory_space<vmem_shared>>
        tpu.enqueue_indirect_dma source(%arg11 : memref<128x128xf32, #tpu.memory_space<vmem>>) target(%dma_start3A_66 : memref<10240x128xf32, #tpu.memory_space<vmem_shared>>) offsets(%arg9 : memref<128xi32, #tpu.memory_space<vmem>>) semaphore(%run_scoped3A : memref<!tpu.dma_semaphore, #tpu.memory_space<semaphore_mem>>) {add = true}
        %dma_wait3A_67 = arith.constant 0 : i32
        %dma_wait3A_68 = arith.constant 0 : i32
        %dma_wait3A_69 = tpu.memref_slice %arg13[%dma_wait3A_67, %dma_wait3A_68] : memref<10240x128xf32, #tpu.memory_space<vmem_shared>> -> memref<10240x128xf32, #tpu.memory_space<vmem_shared>>
        tpu.wait_indirect_dma semaphore(%run_scoped3A : memref<!tpu.dma_semaphore, #tpu.memory_space<semaphore_mem>>) src(%arg11 : memref<128x128xf32, #tpu.memory_space<vmem>>) dst(%dma_wait3A_69 : memref<10240x128xf32, #tpu.memory_space<vmem_shared>>)
        tpu.yield
      }) : () -> ()
      %scan3A_63 = arith.constant 0 : i32
      scf.yield %scan3A_63 : i32
    }
    %scan3A_33 = arith.constant 79 : i32
    %barrier3A_34 = arith.constant 0 : index
    tpu.barrier barrier_id(%barrier3A_34)
    %mul3A_35 = arith.constant 640 : i32
    %mul3A_36 = arith.muli %arg1, %mul3A_35 : i32
    %mul3A_37 = arith.constant 640 : i32
    %mul3A_38 = arith.muli %arg1, %mul3A_37 : i32
    "tpu.region"() ({
      %run_scoped3A = tpu.sem_alloc : memref<!tpu.dma_semaphore, #tpu.memory_space<semaphore_mem>>
      %dma_start3A = arith.constant 0 : i32
      %dma_start3A_39 = tpu.memref_slice %arg7[%arg0, %mul3A_38, %dma_start3A] : memref<2x10240x128xf32, #tpu.memory_space<hbm>> -> memref<1x640x128xf32, #tpu.memory_space<hbm>>
      %dma_start3A_40 = tpu.memref_squeeze %dma_start3A_39 : memref<1x640x128xf32, #tpu.memory_space<hbm>> -> memref<640x128xf32, #tpu.memory_space<hbm>>
      %dma_start3A_41 = arith.constant 0 : i32
      %dma_start3A_42 = tpu.memref_slice %arg13[%mul3A_36, %dma_start3A_41] : memref<10240x128xf32, #tpu.memory_space<vmem_shared>> -> memref<640x128xf32, #tpu.memory_space<vmem_shared>>
      tpu.enqueue_dma source(%dma_start3A_42 : memref<640x128xf32, #tpu.memory_space<vmem_shared>>) target(%dma_start3A_40 : memref<640x128xf32, #tpu.memory_space<hbm>>) target_semaphore(%run_scoped3A : memref<!tpu.dma_semaphore, #tpu.memory_space<semaphore_mem>>)
      %dma_wait3A = arith.constant 0 : i32
      %dma_wait3A_43 = tpu.memref_slice %arg7[%arg0, %mul3A_38, %dma_wait3A] : memref<2x10240x128xf32, #tpu.memory_space<hbm>> -> memref<1x640x128xf32, #tpu.memory_space<hbm>>
      %dma_wait3A_44 = tpu.memref_squeeze %dma_wait3A_43 : memref<1x640x128xf32, #tpu.memory_space<hbm>> -> memref<640x128xf32, #tpu.memory_space<hbm>>
      %dma_wait3A_45 = arith.constant 0 : i32
      %dma_wait3A_46 = tpu.memref_slice %arg13[%mul3A_36, %dma_wait3A_45] : memref<10240x128xf32, #tpu.memory_space<vmem_shared>> -> memref<640x128xf32, #tpu.memory_space<vmem_shared>>
      tpu.wait_dma2 semaphore(%run_scoped3A : memref<!tpu.dma_semaphore, #tpu.memory_space<semaphore_mem>>) src(%dma_wait3A_46 : memref<640x128xf32, #tpu.memory_space<vmem_shared>>) dst(%dma_wait3A_44 : memref<640x128xf32, #tpu.memory_space<hbm>>)
      tpu.yield
    }) : () -> ()
    return
  }
}

#map = affine_map<(d0, d1) -> (0, 0)>
#map1 = affine_map<(d0, d1) -> (0)>
#map2 = affine_map<(d0, d1) -> (0, 0, 0)>
module attributes {stable_mosaic.version = 14 : i64} {
  func.func @_mp_body(%arg0: i32, %arg1: i32, %arg2: memref<10000x128xf32, #tpu.memory_space<hbm>>, %arg3: memref<323584xi32, #tpu.memory_space<hbm>>, %arg4: memref<323584xi32, #tpu.memory_space<hbm>>, %arg5: memref<323584xi32, #tpu.memory_space<hbm>>, %arg6: memref<128x128xf32, #tpu.memory_space<hbm>>, %arg7: memref<2x10240x128xf32, #tpu.memory_space<hbm>>, %arg8: memref<128xi32, #tpu.memory_space<vmem>>, %arg9: memref<128xi32, #tpu.memory_space<vmem>>, %arg10: memref<128xi32, #tpu.memory_space<vmem>>, %arg11: memref<128x128xf32, #tpu.memory_space<vmem>>, %arg12: memref<128x128xf32, #tpu.memory_space<vmem>>, %arg13: memref<10240x128xf32, #tpu.memory_space<vmem_shared>>, %arg14: memref<!tpu.dma_semaphore, #tpu.memory_space<semaphore_mem>>, %arg15: memref<!tpu.dma_semaphore, #tpu.memory_space<semaphore_mem>>) attributes {dimension_semantics = [#tpu.dimension_semantics<core_parallel>, #tpu.dimension_semantics<subcore_parallel>], iteration_bounds = array<i64: 2, 16>, scalar_prefetch = 0 : i64, scratch_operands = 8 : i64, tpu.core_type = #tpu.core_type<sc_vector_subcore>, window_params = [{transform_indices = #map}, {transform_indices = #map1}, {transform_indices = #map1}, {transform_indices = #map1}, {transform_indices = #map}, {transform_indices = #map2}]} {
    %mul3A = arith.constant 2 : i32
    %mul3A_0 = arith.muli %arg1, %mul3A : i32
    %add3A = arith.addi %mul3A_0, %arg0 : i32
    %scan3A = arith.constant 0 : i32
    %scan3A_1 = arith.constant 0 : i32
    %scan3A_2 = arith.constant 128 : i32
    %scan3A_3 = arith.addi %scan3A_1, %scan3A_2 : i32
    %scan3A_4 = arith.constant 1 : i32
    %scan3A_5 = scf.for %scan3A_39 = %scan3A_1 to %scan3A_3 step %scan3A_4 iter_args(%scan3A_40 = %scan3A) -> (i32)  : i32 {
      %broadcast_in_dim3A = arith.constant 0.000000e+00 : f32
      %broadcast_in_dim3A_41 = vector.broadcast %broadcast_in_dim3A : f32 to vector<16xf32>
      %swap3A = arith.index_cast %scan3A_39 : i32 to index
      %swap3A_42 = arith.constant 0 : index
      %swap3A_43 = tpu.vector_load %arg12[%swap3A, %swap3A_42] {strides = array<i32>} : memref<128x128xf32, #tpu.memory_space<vmem>>, vector<1x16xf32>,
      %swap3A_44 = vector.shape_cast %swap3A_43 : vector<1x16xf32> to vector<16xf32>
      %swap3A_45 = vector.shape_cast %broadcast_in_dim3A_41 : vector<16xf32> to vector<1x16xf32>
      tpu.vector_store %arg12[%swap3A, %swap3A_42], %swap3A_45 {strides = array<i32>} : memref<128x128xf32, #tpu.memory_space<vmem>>, vector<1x16xf32>,
      %broadcast_in_dim3A_46 = arith.constant 0.000000e+00 : f32
      %broadcast_in_dim3A_47 = vector.broadcast %broadcast_in_dim3A_46 : f32 to vector<16xf32>
      %swap3A_48 = arith.index_cast %scan3A_39 : i32 to index
      %swap3A_49 = arith.constant 16 : index
      %swap3A_50 = tpu.vector_load %arg12[%swap3A_48, %swap3A_49] {strides = array<i32>} : memref<128x128xf32, #tpu.memory_space<vmem>>, vector<1x16xf32>,
      %swap3A_51 = vector.shape_cast %swap3A_50 : vector<1x16xf32> to vector<16xf32>
      %swap3A_52 = vector.shape_cast %broadcast_in_dim3A_47 : vector<16xf32> to vector<1x16xf32>
      tpu.vector_store %arg12[%swap3A_48, %swap3A_49], %swap3A_52 {strides = array<i32>} : memref<128x128xf32, #tpu.memory_space<vmem>>, vector<1x16xf32>,
      %broadcast_in_dim3A_53 = arith.constant 0.000000e+00 : f32
      %broadcast_in_dim3A_54 = vector.broadcast %broadcast_in_dim3A_53 : f32 to vector<16xf32>
      %swap3A_55 = arith.index_cast %scan3A_39 : i32 to index
      %swap3A_56 = arith.constant 32 : index
      %swap3A_57 = tpu.vector_load %arg12[%swap3A_55, %swap3A_56] {strides = array<i32>} : memref<128x128xf32, #tpu.memory_space<vmem>>, vector<1x16xf32>,
      %swap3A_58 = vector.shape_cast %swap3A_57 : vector<1x16xf32> to vector<16xf32>
      %swap3A_59 = vector.shape_cast %broadcast_in_dim3A_54 : vector<16xf32> to vector<1x16xf32>
      tpu.vector_store %arg12[%swap3A_55, %swap3A_56], %swap3A_59 {strides = array<i32>} : memref<128x128xf32, #tpu.memory_space<vmem>>, vector<1x16xf32>,
      %broadcast_in_dim3A_60 = arith.constant 0.000000e+00 : f32
      %broadcast_in_dim3A_61 = vector.broadcast %broadcast_in_dim3A_60 : f32 to vector<16xf32>
      %swap3A_62 = arith.index_cast %scan3A_39 : i32 to index
      %swap3A_63 = arith.constant 48 : index
      %swap3A_64 = tpu.vector_load %arg12[%swap3A_62, %swap3A_63] {strides = array<i32>} : memref<128x128xf32, #tpu.memory_space<vmem>>, vector<1x16xf32>,
      %swap3A_65 = vector.shape_cast %swap3A_64 : vector<1x16xf32> to vector<16xf32>
      %swap3A_66 = vector.shape_cast %broadcast_in_dim3A_61 : vector<16xf32> to vector<1x16xf32>
      tpu.vector_store %arg12[%swap3A_62, %swap3A_63], %swap3A_66 {strides = array<i32>} : memref<128x128xf32, #tpu.memory_space<vmem>>, vector<1x16xf32>,
      %broadcast_in_dim3A_67 = arith.constant 0.000000e+00 : f32
      %broadcast_in_dim3A_68 = vector.broadcast %broadcast_in_dim3A_67 : f32 to vector<16xf32>
      %swap3A_69 = arith.index_cast %scan3A_39 : i32 to index
      %swap3A_70 = arith.constant 64 : index
      %swap3A_71 = tpu.vector_load %arg12[%swap3A_69, %swap3A_70] {strides = array<i32>} : memref<128x128xf32, #tpu.memory_space<vmem>>, vector<1x16xf32>,
      %swap3A_72 = vector.shape_cast %swap3A_71 : vector<1x16xf32> to vector<16xf32>
      %swap3A_73 = vector.shape_cast %broadcast_in_dim3A_68 : vector<16xf32> to vector<1x16xf32>
      tpu.vector_store %arg12[%swap3A_69, %swap3A_70], %swap3A_73 {strides = array<i32>} : memref<128x128xf32, #tpu.memory_space<vmem>>, vector<1x16xf32>,
      %broadcast_in_dim3A_74 = arith.constant 0.000000e+00 : f32
      %broadcast_in_dim3A_75 = vector.broadcast %broadcast_in_dim3A_74 : f32 to vector<16xf32>
      %swap3A_76 = arith.index_cast %scan3A_39 : i32 to index
      %swap3A_77 = arith.constant 80 : index
      %swap3A_78 = tpu.vector_load %arg12[%swap3A_76, %swap3A_77] {strides = array<i32>} : memref<128x128xf32, #tpu.memory_space<vmem>>, vector<1x16xf32>,
      %swap3A_79 = vector.shape_cast %swap3A_78 : vector<1x16xf32> to vector<16xf32>
      %swap3A_80 = vector.shape_cast %broadcast_in_dim3A_75 : vector<16xf32> to vector<1x16xf32>
      tpu.vector_store %arg12[%swap3A_76, %swap3A_77], %swap3A_80 {strides = array<i32>} : memref<128x128xf32, #tpu.memory_space<vmem>>, vector<1x16xf32>,
      %broadcast_in_dim3A_81 = arith.constant 0.000000e+00 : f32
      %broadcast_in_dim3A_82 = vector.broadcast %broadcast_in_dim3A_81 : f32 to vector<16xf32>
      %swap3A_83 = arith.index_cast %scan3A_39 : i32 to index
      %swap3A_84 = arith.constant 96 : index
      %swap3A_85 = tpu.vector_load %arg12[%swap3A_83, %swap3A_84] {strides = array<i32>} : memref<128x128xf32, #tpu.memory_space<vmem>>, vector<1x16xf32>,
      %swap3A_86 = vector.shape_cast %swap3A_85 : vector<1x16xf32> to vector<16xf32>
      %swap3A_87 = vector.shape_cast %broadcast_in_dim3A_82 : vector<16xf32> to vector<1x16xf32>
      tpu.vector_store %arg12[%swap3A_83, %swap3A_84], %swap3A_87 {strides = array<i32>} : memref<128x128xf32, #tpu.memory_space<vmem>>, vector<1x16xf32>,
      %broadcast_in_dim3A_88 = arith.constant 0.000000e+00 : f32
      %broadcast_in_dim3A_89 = vector.broadcast %broadcast_in_dim3A_88 : f32 to vector<16xf32>
      %swap3A_90 = arith.index_cast %scan3A_39 : i32 to index
      %swap3A_91 = arith.constant 112 : index
      %swap3A_92 = tpu.vector_load %arg12[%swap3A_90, %swap3A_91] {strides = array<i32>} : memref<128x128xf32, #tpu.memory_space<vmem>>, vector<1x16xf32>,
      %swap3A_93 = vector.shape_cast %swap3A_92 : vector<1x16xf32> to vector<16xf32>
      %swap3A_94 = vector.shape_cast %broadcast_in_dim3A_89 : vector<16xf32> to vector<1x16xf32>
      tpu.vector_store %arg12[%swap3A_90, %swap3A_91], %swap3A_94 {strides = array<i32>} : memref<128x128xf32, #tpu.memory_space<vmem>>, vector<1x16xf32>,
      %scan3A_95 = arith.constant 0 : i32
      scf.yield %scan3A_95 : i32
    }
    %scan3A_6 = arith.constant 128 : i32
    %mul3A_7 = arith.constant 640 : i32
    %mul3A_8 = arith.muli %arg1, %mul3A_7 : i32
    %add3A_9 = arith.constant 0 : i32
    %add3A_10 = arith.addi %mul3A_8, %add3A_9 : i32
    "tpu.region"() ({
      %run_scoped3A = tpu.sem_alloc : memref<!tpu.dma_semaphore, #tpu.memory_space<semaphore_mem>>
      %dma_start3A = arith.constant 0 : i32
      %dma_start3A_39 = tpu.memref_slice %arg13[%add3A_10, %dma_start3A] : memref<10240x128xf32, #tpu.memory_space<vmem_shared>> -> memref<128x128xf32, #tpu.memory_space<vmem_shared>>
      %dma_start3A_40 = arith.constant 0 : i32
      %dma_start3A_41 = tpu.memref_slice %arg13[%add3A_10, %dma_start3A_40] : memref<10240x128xf32, #tpu.memory_space<vmem_shared>> -> memref<128x128xf32, #tpu.memory_space<vmem_shared>>
      tpu.enqueue_dma source(%arg12 : memref<128x128xf32, #tpu.memory_space<vmem>>) target(%dma_start3A_41 : memref<128x128xf32, #tpu.memory_space<vmem_shared>>) target_semaphore(%run_scoped3A : memref<!tpu.dma_semaphore, #tpu.memory_space<semaphore_mem>>)
      %dma_wait3A = arith.constant 0 : i32
      %dma_wait3A_42 = tpu.memref_slice %arg13[%add3A_10, %dma_wait3A] : memref<10240x128xf32, #tpu.memory_space<vmem_shared>> -> memref<128x128xf32, #tpu.memory_space<vmem_shared>>
      %dma_wait3A_43 = arith.constant 0 : i32
      %dma_wait3A_44 = tpu.memref_slice %arg13[%add3A_10, %dma_wait3A_43] : memref<10240x128xf32, #tpu.memory_space<vmem_shared>> -> memref<128x128xf32, #tpu.memory_space<vmem_shared>>
      tpu.wait_dma2 semaphore(%run_scoped3A : memref<!tpu.dma_semaphore, #tpu.memory_space<semaphore_mem>>) src(%arg12 : memref<128x128xf32, #tpu.memory_space<vmem>>) dst(%dma_wait3A_44 : memref<128x128xf32, #tpu.memory_space<vmem_shared>>)
      tpu.yield
    }) : () -> ()
    %mul3A_11 = arith.constant 640 : i32
    %mul3A_12 = arith.muli %arg1, %mul3A_11 : i32
    %add3A_13 = arith.constant 128 : i32
    %add3A_14 = arith.addi %mul3A_12, %add3A_13 : i32
    "tpu.region"() ({
      %run_scoped3A = tpu.sem_alloc : memref<!tpu.dma_semaphore, #tpu.memory_space<semaphore_mem>>
      %dma_start3A = arith.constant 0 : i32
      %dma_start3A_39 = tpu.memref_slice %arg13[%add3A_14, %dma_start3A] : memref<10240x128xf32, #tpu.memory_space<vmem_shared>> -> memref<128x128xf32, #tpu.memory_space<vmem_shared>>
      %dma_start3A_40 = arith.constant 0 : i32
      %dma_start3A_41 = tpu.memref_slice %arg13[%add3A_14, %dma_start3A_40] : memref<10240x128xf32, #tpu.memory_space<vmem_shared>> -> memref<128x128xf32, #tpu.memory_space<vmem_shared>>
      tpu.enqueue_dma source(%arg12 : memref<128x128xf32, #tpu.memory_space<vmem>>) target(%dma_start3A_41 : memref<128x128xf32, #tpu.memory_space<vmem_shared>>) target_semaphore(%run_scoped3A : memref<!tpu.dma_semaphore, #tpu.memory_space<semaphore_mem>>)
      %dma_wait3A = arith.constant 0 : i32
      %dma_wait3A_42 = tpu.memref_slice %arg13[%add3A_14, %dma_wait3A] : memref<10240x128xf32, #tpu.memory_space<vmem_shared>> -> memref<128x128xf32, #tpu.memory_space<vmem_shared>>
      %dma_wait3A_43 = arith.constant 0 : i32
      %dma_wait3A_44 = tpu.memref_slice %arg13[%add3A_14, %dma_wait3A_43] : memref<10240x128xf32, #tpu.memory_space<vmem_shared>> -> memref<128x128xf32, #tpu.memory_space<vmem_shared>>
      tpu.wait_dma2 semaphore(%run_scoped3A : memref<!tpu.dma_semaphore, #tpu.memory_space<semaphore_mem>>) src(%arg12 : memref<128x128xf32, #tpu.memory_space<vmem>>) dst(%dma_wait3A_44 : memref<128x128xf32, #tpu.memory_space<vmem_shared>>)
      tpu.yield
    }) : () -> ()
    %mul3A_15 = arith.constant 640 : i32
    %mul3A_16 = arith.muli %arg1, %mul3A_15 : i32
    %add3A_17 = arith.constant 256 : i32
    %add3A_18 = arith.addi %mul3A_16, %add3A_17 : i32
    "tpu.region"() ({
      %run_scoped3A = tpu.sem_alloc : memref<!tpu.dma_semaphore, #tpu.memory_space<semaphore_mem>>
      %dma_start3A = arith.constant 0 : i32
      %dma_start3A_39 = tpu.memref_slice %arg13[%add3A_18, %dma_start3A] : memref<10240x128xf32, #tpu.memory_space<vmem_shared>> -> memref<128x128xf32, #tpu.memory_space<vmem_shared>>
      %dma_start3A_40 = arith.constant 0 : i32
      %dma_start3A_41 = tpu.memref_slice %arg13[%add3A_18, %dma_start3A_40] : memref<10240x128xf32, #tpu.memory_space<vmem_shared>> -> memref<128x128xf32, #tpu.memory_space<vmem_shared>>
      tpu.enqueue_dma source(%arg12 : memref<128x128xf32, #tpu.memory_space<vmem>>) target(%dma_start3A_41 : memref<128x128xf32, #tpu.memory_space<vmem_shared>>) target_semaphore(%run_scoped3A : memref<!tpu.dma_semaphore, #tpu.memory_space<semaphore_mem>>)
      %dma_wait3A = arith.constant 0 : i32
      %dma_wait3A_42 = tpu.memref_slice %arg13[%add3A_18, %dma_wait3A] : memref<10240x128xf32, #tpu.memory_space<vmem_shared>> -> memref<128x128xf32, #tpu.memory_space<vmem_shared>>
      %dma_wait3A_43 = arith.constant 0 : i32
      %dma_wait3A_44 = tpu.memref_slice %arg13[%add3A_18, %dma_wait3A_43] : memref<10240x128xf32, #tpu.memory_space<vmem_shared>> -> memref<128x128xf32, #tpu.memory_space<vmem_shared>>
      tpu.wait_dma2 semaphore(%run_scoped3A : memref<!tpu.dma_semaphore, #tpu.memory_space<semaphore_mem>>) src(%arg12 : memref<128x128xf32, #tpu.memory_space<vmem>>) dst(%dma_wait3A_44 : memref<128x128xf32, #tpu.memory_space<vmem_shared>>)
      tpu.yield
    }) : () -> ()
    %mul3A_19 = arith.constant 640 : i32
    %mul3A_20 = arith.muli %arg1, %mul3A_19 : i32
    %add3A_21 = arith.constant 384 : i32
    %add3A_22 = arith.addi %mul3A_20, %add3A_21 : i32
    "tpu.region"() ({
      %run_scoped3A = tpu.sem_alloc : memref<!tpu.dma_semaphore, #tpu.memory_space<semaphore_mem>>
      %dma_start3A = arith.constant 0 : i32
      %dma_start3A_39 = tpu.memref_slice %arg13[%add3A_22, %dma_start3A] : memref<10240x128xf32, #tpu.memory_space<vmem_shared>> -> memref<128x128xf32, #tpu.memory_space<vmem_shared>>
      %dma_start3A_40 = arith.constant 0 : i32
      %dma_start3A_41 = tpu.memref_slice %arg13[%add3A_22, %dma_start3A_40] : memref<10240x128xf32, #tpu.memory_space<vmem_shared>> -> memref<128x128xf32, #tpu.memory_space<vmem_shared>>
      tpu.enqueue_dma source(%arg12 : memref<128x128xf32, #tpu.memory_space<vmem>>) target(%dma_start3A_41 : memref<128x128xf32, #tpu.memory_space<vmem_shared>>) target_semaphore(%run_scoped3A : memref<!tpu.dma_semaphore, #tpu.memory_space<semaphore_mem>>)
      %dma_wait3A = arith.constant 0 : i32
      %dma_wait3A_42 = tpu.memref_slice %arg13[%add3A_22, %dma_wait3A] : memref<10240x128xf32, #tpu.memory_space<vmem_shared>> -> memref<128x128xf32, #tpu.memory_space<vmem_shared>>
      %dma_wait3A_43 = arith.constant 0 : i32
      %dma_wait3A_44 = tpu.memref_slice %arg13[%add3A_22, %dma_wait3A_43] : memref<10240x128xf32, #tpu.memory_space<vmem_shared>> -> memref<128x128xf32, #tpu.memory_space<vmem_shared>>
      tpu.wait_dma2 semaphore(%run_scoped3A : memref<!tpu.dma_semaphore, #tpu.memory_space<semaphore_mem>>) src(%arg12 : memref<128x128xf32, #tpu.memory_space<vmem>>) dst(%dma_wait3A_44 : memref<128x128xf32, #tpu.memory_space<vmem_shared>>)
      tpu.yield
    }) : () -> ()
    %mul3A_23 = arith.constant 640 : i32
    %mul3A_24 = arith.muli %arg1, %mul3A_23 : i32
    %add3A_25 = arith.constant 512 : i32
    %add3A_26 = arith.addi %mul3A_24, %add3A_25 : i32
    "tpu.region"() ({
      %run_scoped3A = tpu.sem_alloc : memref<!tpu.dma_semaphore, #tpu.memory_space<semaphore_mem>>
      %dma_start3A = arith.constant 0 : i32
      %dma_start3A_39 = tpu.memref_slice %arg13[%add3A_26, %dma_start3A] : memref<10240x128xf32, #tpu.memory_space<vmem_shared>> -> memref<128x128xf32, #tpu.memory_space<vmem_shared>>
      %dma_start3A_40 = arith.constant 0 : i32
      %dma_start3A_41 = tpu.memref_slice %arg13[%add3A_26, %dma_start3A_40] : memref<10240x128xf32, #tpu.memory_space<vmem_shared>> -> memref<128x128xf32, #tpu.memory_space<vmem_shared>>
      tpu.enqueue_dma source(%arg12 : memref<128x128xf32, #tpu.memory_space<vmem>>) target(%dma_start3A_41 : memref<128x128xf32, #tpu.memory_space<vmem_shared>>) target_semaphore(%run_scoped3A : memref<!tpu.dma_semaphore, #tpu.memory_space<semaphore_mem>>)
      %dma_wait3A = arith.constant 0 : i32
      %dma_wait3A_42 = tpu.memref_slice %arg13[%add3A_26, %dma_wait3A] : memref<10240x128xf32, #tpu.memory_space<vmem_shared>> -> memref<128x128xf32, #tpu.memory_space<vmem_shared>>
      %dma_wait3A_43 = arith.constant 0 : i32
      %dma_wait3A_44 = tpu.memref_slice %arg13[%add3A_26, %dma_wait3A_43] : memref<10240x128xf32, #tpu.memory_space<vmem_shared>> -> memref<128x128xf32, #tpu.memory_space<vmem_shared>>
      tpu.wait_dma2 semaphore(%run_scoped3A : memref<!tpu.dma_semaphore, #tpu.memory_space<semaphore_mem>>) src(%arg12 : memref<128x128xf32, #tpu.memory_space<vmem>>) dst(%dma_wait3A_44 : memref<128x128xf32, #tpu.memory_space<vmem_shared>>)
      tpu.yield
    }) : () -> ()
    %barrier3A = arith.constant 0 : index
    tpu.barrier barrier_id(%barrier3A)
    %scan3A_27 = arith.constant 0 : i32
    %scan3A_28 = arith.constant 0 : i32
    %scan3A_29 = arith.constant 79 : i32
    %scan3A_30 = arith.addi %scan3A_28, %scan3A_29 : i32
    %scan3A_31 = arith.constant 1 : i32
    %scan3A_32 = scf.for %scan3A_39 = %scan3A_28 to %scan3A_30 step %scan3A_31 iter_args(%scan3A_40 = %scan3A_27) -> (i32)  : i32 {
      %mul3A_41 = arith.constant 10112 : i32
      %mul3A_42 = arith.muli %add3A, %mul3A_41 : i32
      %mul3A_43 = arith.constant 128 : i32
      %mul3A_44 = arith.muli %scan3A_39, %mul3A_43 : i32
      %add3A_45 = arith.addi %mul3A_42, %mul3A_44 : i32
      "tpu.region"() ({
        %run_scoped3A = tpu.sem_alloc : memref<!tpu.dma_semaphore, #tpu.memory_space<semaphore_mem>>
        %dma_start3A_64 = tpu.memref_slice %arg3[%add3A_45] : memref<323584xi32, #tpu.memory_space<hbm>> -> memref<128xi32, #tpu.memory_space<hbm>>
        %dma_start3A_65 = tpu.memref_slice %arg3[%add3A_45] : memref<323584xi32, #tpu.memory_space<hbm>> -> memref<128xi32, #tpu.memory_space<hbm>>
        tpu.enqueue_dma source(%dma_start3A_65 : memref<128xi32, #tpu.memory_space<hbm>>) target(%arg8 : memref<128xi32, #tpu.memory_space<vmem>>) target_semaphore(%run_scoped3A : memref<!tpu.dma_semaphore, #tpu.memory_space<semaphore_mem>>)
        %dma_wait3A_66 = tpu.memref_slice %arg3[%add3A_45] : memref<323584xi32, #tpu.memory_space<hbm>> -> memref<128xi32, #tpu.memory_space<hbm>>
        %dma_wait3A_67 = tpu.memref_slice %arg3[%add3A_45] : memref<323584xi32, #tpu.memory_space<hbm>> -> memref<128xi32, #tpu.memory_space<hbm>>
        tpu.wait_dma2 semaphore(%run_scoped3A : memref<!tpu.dma_semaphore, #tpu.memory_space<semaphore_mem>>) src(%dma_wait3A_67 : memref<128xi32, #tpu.memory_space<hbm>>) dst(%arg8 : memref<128xi32, #tpu.memory_space<vmem>>)
        tpu.yield
      }) : () -> ()
      "tpu.region"() ({
        %run_scoped3A = tpu.sem_alloc : memref<!tpu.dma_semaphore, #tpu.memory_space<semaphore_mem>>
        %dma_start3A_64 = tpu.memref_slice %arg5[%add3A_45] : memref<323584xi32, #tpu.memory_space<hbm>> -> memref<128xi32, #tpu.memory_space<hbm>>
        %dma_start3A_65 = tpu.memref_slice %arg5[%add3A_45] : memref<323584xi32, #tpu.memory_space<hbm>> -> memref<128xi32, #tpu.memory_space<hbm>>
        tpu.enqueue_dma source(%dma_start3A_65 : memref<128xi32, #tpu.memory_space<hbm>>) target(%arg10 : memref<128xi32, #tpu.memory_space<vmem>>) target_semaphore(%run_scoped3A : memref<!tpu.dma_semaphore, #tpu.memory_space<semaphore_mem>>)
        %dma_wait3A_66 = tpu.memref_slice %arg5[%add3A_45] : memref<323584xi32, #tpu.memory_space<hbm>> -> memref<128xi32, #tpu.memory_space<hbm>>
        %dma_wait3A_67 = tpu.memref_slice %arg5[%add3A_45] : memref<323584xi32, #tpu.memory_space<hbm>> -> memref<128xi32, #tpu.memory_space<hbm>>
        tpu.wait_dma2 semaphore(%run_scoped3A : memref<!tpu.dma_semaphore, #tpu.memory_space<semaphore_mem>>) src(%dma_wait3A_67 : memref<128xi32, #tpu.memory_space<hbm>>) dst(%arg10 : memref<128xi32, #tpu.memory_space<vmem>>)
        tpu.yield
      }) : () -> ()
      "tpu.region"() ({
        %run_scoped3A = tpu.sem_alloc : memref<!tpu.dma_semaphore, #tpu.memory_space<semaphore_mem>>
        %dma_start3A_64 = tpu.memref_slice %arg4[%add3A_45] : memref<323584xi32, #tpu.memory_space<hbm>> -> memref<128xi32, #tpu.memory_space<hbm>>
        %dma_start3A_65 = tpu.memref_slice %arg4[%add3A_45] : memref<323584xi32, #tpu.memory_space<hbm>> -> memref<128xi32, #tpu.memory_space<hbm>>
        tpu.enqueue_dma source(%dma_start3A_65 : memref<128xi32, #tpu.memory_space<hbm>>) target(%arg9 : memref<128xi32, #tpu.memory_space<vmem>>) target_semaphore(%run_scoped3A : memref<!tpu.dma_semaphore, #tpu.memory_space<semaphore_mem>>)
        %dma_wait3A_66 = tpu.memref_slice %arg4[%add3A_45] : memref<323584xi32, #tpu.memory_space<hbm>> -> memref<128xi32, #tpu.memory_space<hbm>>
        %dma_wait3A_67 = tpu.memref_slice %arg4[%add3A_45] : memref<323584xi32, #tpu.memory_space<hbm>> -> memref<128xi32, #tpu.memory_space<hbm>>
        tpu.wait_dma2 semaphore(%run_scoped3A : memref<!tpu.dma_semaphore, #tpu.memory_space<semaphore_mem>>) src(%dma_wait3A_67 : memref<128xi32, #tpu.memory_space<hbm>>) dst(%arg9 : memref<128xi32, #tpu.memory_space<vmem>>)
        tpu.yield
      }) : () -> ()
      %dma_start3A = arith.constant 0 : i32
      %dma_start3A_46 = arith.constant 0 : i32
      %dma_start3A_47 = tpu.memref_slice %arg2[%dma_start3A, %dma_start3A_46] : memref<10000x128xf32, #tpu.memory_space<hbm>> -> memref<10000x128xf32, #tpu.memory_space<hbm>>
      tpu.enqueue_indirect_dma source(%dma_start3A_47 : memref<10000x128xf32, #tpu.memory_space<hbm>>) target(%arg11 : memref<128x128xf32, #tpu.memory_space<vmem>>) offsets(%arg8 : memref<128xi32, #tpu.memory_space<vmem>>) semaphore(%arg14 : memref<!tpu.dma_semaphore, #tpu.memory_space<semaphore_mem>>)
      %dma_start3A_48 = arith.constant 0 : i32
      %dma_start3A_49 = arith.constant 0 : i32
      %dma_start3A_50 = tpu.memref_slice %arg6[%dma_start3A_48, %dma_start3A_49] : memref<128x128xf32, #tpu.memory_space<hbm>> -> memref<128x128xf32, #tpu.memory_space<hbm>>
      tpu.enqueue_indirect_dma source(%dma_start3A_50 : memref<128x128xf32, #tpu.memory_space<hbm>>) target(%arg12 : memref<128x128xf32, #tpu.memory_space<vmem>>) offsets(%arg10 : memref<128xi32, #tpu.memory_space<vmem>>) semaphore(%arg15 : memref<!tpu.dma_semaphore, #tpu.memory_space<semaphore_mem>>)
      %dma_wait3A = arith.constant 0 : i32
      %dma_wait3A_51 = arith.constant 0 : i32
      %dma_wait3A_52 = tpu.memref_slice %arg2[%dma_wait3A, %dma_wait3A_51] : memref<10000x128xf32, #tpu.memory_space<hbm>> -> memref<10000x128xf32, #tpu.memory_space<hbm>>
      tpu.wait_indirect_dma semaphore(%arg14 : memref<!tpu.dma_semaphore, #tpu.memory_space<semaphore_mem>>) src(%dma_wait3A_52 : memref<10000x128xf32, #tpu.memory_space<hbm>>) dst(%arg11 : memref<128x128xf32, #tpu.memory_space<vmem>>)
      %dma_wait3A_53 = arith.constant 0 : i32
      %dma_wait3A_54 = arith.constant 0 : i32
      %dma_wait3A_55 = tpu.memref_slice %arg6[%dma_wait3A_53, %dma_wait3A_54] : memref<128x128xf32, #tpu.memory_space<hbm>> -> memref<128x128xf32, #tpu.memory_space<hbm>>
      tpu.wait_indirect_dma semaphore(%arg15 : memref<!tpu.dma_semaphore, #tpu.memory_space<semaphore_mem>>) src(%dma_wait3A_55 : memref<128x128xf32, #tpu.memory_space<hbm>>) dst(%arg12 : memref<128x128xf32, #tpu.memory_space<vmem>>)
      %scan3A_56 = arith.constant 0 : i32
      %scan3A_57 = arith.constant 0 : i32
      %scan3A_58 = arith.constant 128 : i32
      %scan3A_59 = arith.addi %scan3A_57, %scan3A_58 : i32
      %scan3A_60 = arith.constant 1 : i32
      %scan3A_61 = scf.for %scan3A_64 = %scan3A_57 to %scan3A_59 step %scan3A_60 iter_args(%scan3A_65 = %scan3A_56) -> (i32)  : i32 {
        %get3A = arith.index_cast %scan3A_64 : i32 to index
        %get3A_66 = arith.constant 0 : index
        %get3A_67 = tpu.vector_load %arg11[%get3A, %get3A_66] {strides = array<i32>} : memref<128x128xf32, #tpu.memory_space<vmem>>, vector<1x16xf32>,
        %get3A_68 = vector.shape_cast %get3A_67 : vector<1x16xf32> to vector<16xf32>
        %get3A_69 = arith.index_cast %scan3A_64 : i32 to index
        %get3A_70 = arith.constant 0 : index
        %get3A_71 = tpu.vector_load %arg12[%get3A_69, %get3A_70] {strides = array<i32>} : memref<128x128xf32, #tpu.memory_space<vmem>>, vector<1x16xf32>,
        %get3A_72 = vector.shape_cast %get3A_71 : vector<1x16xf32> to vector<16xf32>
        %add3A_73 = arith.addf %get3A_68, %get3A_72 : vector<16xf32>
        %max3A = arith.constant 0.000000e+00 : f32
        %max3A_74 = vector.broadcast %max3A : f32 to vector<16xf32>
        %max3A_75 = arith.maximumf %add3A_73, %max3A_74 : vector<16xf32>
        %swap3A = arith.index_cast %scan3A_64 : i32 to index
        %swap3A_76 = arith.constant 0 : index
        %swap3A_77 = tpu.vector_load %arg11[%swap3A, %swap3A_76] {strides = array<i32>} : memref<128x128xf32, #tpu.memory_space<vmem>>, vector<1x16xf32>,
        %swap3A_78 = vector.shape_cast %swap3A_77 : vector<1x16xf32> to vector<16xf32>
        %swap3A_79 = vector.shape_cast %max3A_75 : vector<16xf32> to vector<1x16xf32>
        tpu.vector_store %arg11[%swap3A, %swap3A_76], %swap3A_79 {strides = array<i32>} : memref<128x128xf32, #tpu.memory_space<vmem>>, vector<1x16xf32>,
        %get3A_80 = arith.index_cast %scan3A_64 : i32 to index
        %get3A_81 = arith.constant 16 : index
        %get3A_82 = tpu.vector_load %arg11[%get3A_80, %get3A_81] {strides = array<i32>} : memref<128x128xf32, #tpu.memory_space<vmem>>, vector<1x16xf32>,
        %get3A_83 = vector.shape_cast %get3A_82 : vector<1x16xf32> to vector<16xf32>
        %get3A_84 = arith.index_cast %scan3A_64 : i32 to index
        %get3A_85 = arith.constant 16 : index
        %get3A_86 = tpu.vector_load %arg12[%get3A_84, %get3A_85] {strides = array<i32>} : memref<128x128xf32, #tpu.memory_space<vmem>>, vector<1x16xf32>,
        %get3A_87 = vector.shape_cast %get3A_86 : vector<1x16xf32> to vector<16xf32>
        %add3A_88 = arith.addf %get3A_83, %get3A_87 : vector<16xf32>
        %max3A_89 = arith.constant 0.000000e+00 : f32
        %max3A_90 = vector.broadcast %max3A_89 : f32 to vector<16xf32>
        %max3A_91 = arith.maximumf %add3A_88, %max3A_90 : vector<16xf32>
        %swap3A_92 = arith.index_cast %scan3A_64 : i32 to index
        %swap3A_93 = arith.constant 16 : index
        %swap3A_94 = tpu.vector_load %arg11[%swap3A_92, %swap3A_93] {strides = array<i32>} : memref<128x128xf32, #tpu.memory_space<vmem>>, vector<1x16xf32>,
        %swap3A_95 = vector.shape_cast %swap3A_94 : vector<1x16xf32> to vector<16xf32>
        %swap3A_96 = vector.shape_cast %max3A_91 : vector<16xf32> to vector<1x16xf32>
        tpu.vector_store %arg11[%swap3A_92, %swap3A_93], %swap3A_96 {strides = array<i32>} : memref<128x128xf32, #tpu.memory_space<vmem>>, vector<1x16xf32>,
        %get3A_97 = arith.index_cast %scan3A_64 : i32 to index
        %get3A_98 = arith.constant 32 : index
        %get3A_99 = tpu.vector_load %arg11[%get3A_97, %get3A_98] {strides = array<i32>} : memref<128x128xf32, #tpu.memory_space<vmem>>, vector<1x16xf32>,
        %get3A_100 = vector.shape_cast %get3A_99 : vector<1x16xf32> to vector<16xf32>
        %get3A_101 = arith.index_cast %scan3A_64 : i32 to index
        %get3A_102 = arith.constant 32 : index
        %get3A_103 = tpu.vector_load %arg12[%get3A_101, %get3A_102] {strides = array<i32>} : memref<128x128xf32, #tpu.memory_space<vmem>>, vector<1x16xf32>,
        %get3A_104 = vector.shape_cast %get3A_103 : vector<1x16xf32> to vector<16xf32>
        %add3A_105 = arith.addf %get3A_100, %get3A_104 : vector<16xf32>
        %max3A_106 = arith.constant 0.000000e+00 : f32
        %max3A_107 = vector.broadcast %max3A_106 : f32 to vector<16xf32>
        %max3A_108 = arith.maximumf %add3A_105, %max3A_107 : vector<16xf32>
        %swap3A_109 = arith.index_cast %scan3A_64 : i32 to index
        %swap3A_110 = arith.constant 32 : index
        %swap3A_111 = tpu.vector_load %arg11[%swap3A_109, %swap3A_110] {strides = array<i32>} : memref<128x128xf32, #tpu.memory_space<vmem>>, vector<1x16xf32>,
        %swap3A_112 = vector.shape_cast %swap3A_111 : vector<1x16xf32> to vector<16xf32>
        %swap3A_113 = vector.shape_cast %max3A_108 : vector<16xf32> to vector<1x16xf32>
        tpu.vector_store %arg11[%swap3A_109, %swap3A_110], %swap3A_113 {strides = array<i32>} : memref<128x128xf32, #tpu.memory_space<vmem>>, vector<1x16xf32>,
        %get3A_114 = arith.index_cast %scan3A_64 : i32 to index
        %get3A_115 = arith.constant 48 : index
        %get3A_116 = tpu.vector_load %arg11[%get3A_114, %get3A_115] {strides = array<i32>} : memref<128x128xf32, #tpu.memory_space<vmem>>, vector<1x16xf32>,
        %get3A_117 = vector.shape_cast %get3A_116 : vector<1x16xf32> to vector<16xf32>
        %get3A_118 = arith.index_cast %scan3A_64 : i32 to index
        %get3A_119 = arith.constant 48 : index
        %get3A_120 = tpu.vector_load %arg12[%get3A_118, %get3A_119] {strides = array<i32>} : memref<128x128xf32, #tpu.memory_space<vmem>>, vector<1x16xf32>,
        %get3A_121 = vector.shape_cast %get3A_120 : vector<1x16xf32> to vector<16xf32>
        %add3A_122 = arith.addf %get3A_117, %get3A_121 : vector<16xf32>
        %max3A_123 = arith.constant 0.000000e+00 : f32
        %max3A_124 = vector.broadcast %max3A_123 : f32 to vector<16xf32>
        %max3A_125 = arith.maximumf %add3A_122, %max3A_124 : vector<16xf32>
        %swap3A_126 = arith.index_cast %scan3A_64 : i32 to index
        %swap3A_127 = arith.constant 48 : index
        %swap3A_128 = tpu.vector_load %arg11[%swap3A_126, %swap3A_127] {strides = array<i32>} : memref<128x128xf32, #tpu.memory_space<vmem>>, vector<1x16xf32>,
        %swap3A_129 = vector.shape_cast %swap3A_128 : vector<1x16xf32> to vector<16xf32>
        %swap3A_130 = vector.shape_cast %max3A_125 : vector<16xf32> to vector<1x16xf32>
        tpu.vector_store %arg11[%swap3A_126, %swap3A_127], %swap3A_130 {strides = array<i32>} : memref<128x128xf32, #tpu.memory_space<vmem>>, vector<1x16xf32>,
        %get3A_131 = arith.index_cast %scan3A_64 : i32 to index
        %get3A_132 = arith.constant 64 : index
        %get3A_133 = tpu.vector_load %arg11[%get3A_131, %get3A_132] {strides = array<i32>} : memref<128x128xf32, #tpu.memory_space<vmem>>, vector<1x16xf32>,
        %get3A_134 = vector.shape_cast %get3A_133 : vector<1x16xf32> to vector<16xf32>
        %get3A_135 = arith.index_cast %scan3A_64 : i32 to index
        %get3A_136 = arith.constant 64 : index
        %get3A_137 = tpu.vector_load %arg12[%get3A_135, %get3A_136] {strides = array<i32>} : memref<128x128xf32, #tpu.memory_space<vmem>>, vector<1x16xf32>,
        %get3A_138 = vector.shape_cast %get3A_137 : vector<1x16xf32> to vector<16xf32>
        %add3A_139 = arith.addf %get3A_134, %get3A_138 : vector<16xf32>
        %max3A_140 = arith.constant 0.000000e+00 : f32
        %max3A_141 = vector.broadcast %max3A_140 : f32 to vector<16xf32>
        %max3A_142 = arith.maximumf %add3A_139, %max3A_141 : vector<16xf32>
        %swap3A_143 = arith.index_cast %scan3A_64 : i32 to index
        %swap3A_144 = arith.constant 64 : index
        %swap3A_145 = tpu.vector_load %arg11[%swap3A_143, %swap3A_144] {strides = array<i32>} : memref<128x128xf32, #tpu.memory_space<vmem>>, vector<1x16xf32>,
        %swap3A_146 = vector.shape_cast %swap3A_145 : vector<1x16xf32> to vector<16xf32>
        %swap3A_147 = vector.shape_cast %max3A_142 : vector<16xf32> to vector<1x16xf32>
        tpu.vector_store %arg11[%swap3A_143, %swap3A_144], %swap3A_147 {strides = array<i32>} : memref<128x128xf32, #tpu.memory_space<vmem>>, vector<1x16xf32>,
        %get3A_148 = arith.index_cast %scan3A_64 : i32 to index
        %get3A_149 = arith.constant 80 : index
        %get3A_150 = tpu.vector_load %arg11[%get3A_148, %get3A_149] {strides = array<i32>} : memref<128x128xf32, #tpu.memory_space<vmem>>, vector<1x16xf32>,
        %get3A_151 = vector.shape_cast %get3A_150 : vector<1x16xf32> to vector<16xf32>
        %get3A_152 = arith.index_cast %scan3A_64 : i32 to index
        %get3A_153 = arith.constant 80 : index
        %get3A_154 = tpu.vector_load %arg12[%get3A_152, %get3A_153] {strides = array<i32>} : memref<128x128xf32, #tpu.memory_space<vmem>>, vector<1x16xf32>,
        %get3A_155 = vector.shape_cast %get3A_154 : vector<1x16xf32> to vector<16xf32>
        %add3A_156 = arith.addf %get3A_151, %get3A_155 : vector<16xf32>
        %max3A_157 = arith.constant 0.000000e+00 : f32
        %max3A_158 = vector.broadcast %max3A_157 : f32 to vector<16xf32>
        %max3A_159 = arith.maximumf %add3A_156, %max3A_158 : vector<16xf32>
        %swap3A_160 = arith.index_cast %scan3A_64 : i32 to index
        %swap3A_161 = arith.constant 80 : index
        %swap3A_162 = tpu.vector_load %arg11[%swap3A_160, %swap3A_161] {strides = array<i32>} : memref<128x128xf32, #tpu.memory_space<vmem>>, vector<1x16xf32>,
        %swap3A_163 = vector.shape_cast %swap3A_162 : vector<1x16xf32> to vector<16xf32>
        %swap3A_164 = vector.shape_cast %max3A_159 : vector<16xf32> to vector<1x16xf32>
        tpu.vector_store %arg11[%swap3A_160, %swap3A_161], %swap3A_164 {strides = array<i32>} : memref<128x128xf32, #tpu.memory_space<vmem>>, vector<1x16xf32>,
        %get3A_165 = arith.index_cast %scan3A_64 : i32 to index
        %get3A_166 = arith.constant 96 : index
        %get3A_167 = tpu.vector_load %arg11[%get3A_165, %get3A_166] {strides = array<i32>} : memref<128x128xf32, #tpu.memory_space<vmem>>, vector<1x16xf32>,
        %get3A_168 = vector.shape_cast %get3A_167 : vector<1x16xf32> to vector<16xf32>
        %get3A_169 = arith.index_cast %scan3A_64 : i32 to index
        %get3A_170 = arith.constant 96 : index
        %get3A_171 = tpu.vector_load %arg12[%get3A_169, %get3A_170] {strides = array<i32>} : memref<128x128xf32, #tpu.memory_space<vmem>>, vector<1x16xf32>,
        %get3A_172 = vector.shape_cast %get3A_171 : vector<1x16xf32> to vector<16xf32>
        %add3A_173 = arith.addf %get3A_168, %get3A_172 : vector<16xf32>
        %max3A_174 = arith.constant 0.000000e+00 : f32
        %max3A_175 = vector.broadcast %max3A_174 : f32 to vector<16xf32>
        %max3A_176 = arith.maximumf %add3A_173, %max3A_175 : vector<16xf32>
        %swap3A_177 = arith.index_cast %scan3A_64 : i32 to index
        %swap3A_178 = arith.constant 96 : index
        %swap3A_179 = tpu.vector_load %arg11[%swap3A_177, %swap3A_178] {strides = array<i32>} : memref<128x128xf32, #tpu.memory_space<vmem>>, vector<1x16xf32>,
        %swap3A_180 = vector.shape_cast %swap3A_179 : vector<1x16xf32> to vector<16xf32>
        %swap3A_181 = vector.shape_cast %max3A_176 : vector<16xf32> to vector<1x16xf32>
        tpu.vector_store %arg11[%swap3A_177, %swap3A_178], %swap3A_181 {strides = array<i32>} : memref<128x128xf32, #tpu.memory_space<vmem>>, vector<1x16xf32>,
        %get3A_182 = arith.index_cast %scan3A_64 : i32 to index
        %get3A_183 = arith.constant 112 : index
        %get3A_184 = tpu.vector_load %arg11[%get3A_182, %get3A_183] {strides = array<i32>} : memref<128x128xf32, #tpu.memory_space<vmem>>, vector<1x16xf32>,
        %get3A_185 = vector.shape_cast %get3A_184 : vector<1x16xf32> to vector<16xf32>
        %get3A_186 = arith.index_cast %scan3A_64 : i32 to index
        %get3A_187 = arith.constant 112 : index
        %get3A_188 = tpu.vector_load %arg12[%get3A_186, %get3A_187] {strides = array<i32>} : memref<128x128xf32, #tpu.memory_space<vmem>>, vector<1x16xf32>,
        %get3A_189 = vector.shape_cast %get3A_188 : vector<1x16xf32> to vector<16xf32>
        %add3A_190 = arith.addf %get3A_185, %get3A_189 : vector<16xf32>
        %max3A_191 = arith.constant 0.000000e+00 : f32
        %max3A_192 = vector.broadcast %max3A_191 : f32 to vector<16xf32>
        %max3A_193 = arith.maximumf %add3A_190, %max3A_192 : vector<16xf32>
        %swap3A_194 = arith.index_cast %scan3A_64 : i32 to index
        %swap3A_195 = arith.constant 112 : index
        %swap3A_196 = tpu.vector_load %arg11[%swap3A_194, %swap3A_195] {strides = array<i32>} : memref<128x128xf32, #tpu.memory_space<vmem>>, vector<1x16xf32>,
        %swap3A_197 = vector.shape_cast %swap3A_196 : vector<1x16xf32> to vector<16xf32>
        %swap3A_198 = vector.shape_cast %max3A_193 : vector<16xf32> to vector<1x16xf32>
        tpu.vector_store %arg11[%swap3A_194, %swap3A_195], %swap3A_198 {strides = array<i32>} : memref<128x128xf32, #tpu.memory_space<vmem>>, vector<1x16xf32>,
        %scan3A_199 = arith.constant 0 : i32
        scf.yield %scan3A_199 : i32
      }
      %scan3A_62 = arith.constant 128 : i32
      "tpu.region"() ({
        %run_scoped3A = tpu.sem_alloc : memref<!tpu.dma_semaphore, #tpu.memory_space<semaphore_mem>>
        %dma_start3A_64 = arith.constant 0 : i32
        %dma_start3A_65 = arith.constant 0 : i32
        %dma_start3A_66 = tpu.memref_slice %arg13[%dma_start3A_64, %dma_start3A_65] : memref<10240x128xf32, #tpu.memory_space<vmem_shared>> -> memref<10240x128xf32, #tpu.memory_space<vmem_shared>>
        tpu.enqueue_indirect_dma source(%arg11 : memref<128x128xf32, #tpu.memory_space<vmem>>) target(%dma_start3A_66 : memref<10240x128xf32, #tpu.memory_space<vmem_shared>>) offsets(%arg9 : memref<128xi32, #tpu.memory_space<vmem>>) semaphore(%run_scoped3A : memref<!tpu.dma_semaphore, #tpu.memory_space<semaphore_mem>>) {add = true}
        %dma_wait3A_67 = arith.constant 0 : i32
        %dma_wait3A_68 = arith.constant 0 : i32
        %dma_wait3A_69 = tpu.memref_slice %arg13[%dma_wait3A_67, %dma_wait3A_68] : memref<10240x128xf32, #tpu.memory_space<vmem_shared>> -> memref<10240x128xf32, #tpu.memory_space<vmem_shared>>
        tpu.wait_indirect_dma semaphore(%run_scoped3A : memref<!tpu.dma_semaphore, #tpu.memory_space<semaphore_mem>>) src(%arg11 : memref<128x128xf32, #tpu.memory_space<vmem>>) dst(%dma_wait3A_69 : memref<10240x128xf32, #tpu.memory_space<vmem_shared>>)
        tpu.yield
      }) : () -> ()
      %scan3A_63 = arith.constant 0 : i32
      scf.yield %scan3A_63 : i32
    }
    %scan3A_33 = arith.constant 79 : i32
    %barrier3A_34 = arith.constant 0 : index
    tpu.barrier barrier_id(%barrier3A_34)
    %mul3A_35 = arith.constant 640 : i32
    %mul3A_36 = arith.muli %arg1, %mul3A_35 : i32
    %mul3A_37 = arith.constant 640 : i32
    %mul3A_38 = arith.muli %arg1, %mul3A_37 : i32
    "tpu.region"() ({
      %run_scoped3A = tpu.sem_alloc : memref<!tpu.dma_semaphore, #tpu.memory_space<semaphore_mem>>
      %dma_start3A = arith.constant 0 : i32
      %dma_start3A_39 = tpu.memref_slice %arg7[%arg0, %mul3A_38, %dma_start3A] : memref<2x10240x128xf32, #tpu.memory_space<hbm>> -> memref<1x640x128xf32, #tpu.memory_space<hbm>>
      %dma_start3A_40 = tpu.memref_squeeze %dma_start3A_39 : memref<1x640x128xf32, #tpu.memory_space<hbm>> -> memref<640x128xf32, #tpu.memory_space<hbm>>
      %dma_start3A_41 = arith.constant 0 : i32
      %dma_start3A_42 = tpu.memref_slice %arg13[%mul3A_36, %dma_start3A_41] : memref<10240x128xf32, #tpu.memory_space<vmem_shared>> -> memref<640x128xf32, #tpu.memory_space<vmem_shared>>
      tpu.enqueue_dma source(%dma_start3A_42 : memref<640x128xf32, #tpu.memory_space<vmem_shared>>) target(%dma_start3A_40 : memref<640x128xf32, #tpu.memory_space<hbm>>) target_semaphore(%run_scoped3A : memref<!tpu.dma_semaphore, #tpu.memory_space<semaphore_mem>>)
      %dma_wait3A = arith.constant 0 : i32
      %dma_wait3A_43 = tpu.memref_slice %arg7[%arg0, %mul3A_38, %dma_wait3A] : memref<2x10240x128xf32, #tpu.memory_space<hbm>> -> memref<1x640x128xf32, #tpu.memory_space<hbm>>
      %dma_wait3A_44 = tpu.memref_squeeze %dma_wait3A_43 : memref<1x640x128xf32, #tpu.memory_space<hbm>> -> memref<640x128xf32, #tpu.memory_space<hbm>>
      %dma_wait3A_45 = arith.constant 0 : i32
      %dma_wait3A_46 = tpu.memref_slice %arg13[%mul3A_36, %dma_wait3A_45] : memref<10240x128xf32, #tpu.memory_space<vmem_shared>> -> memref<640x128xf32, #tpu.memory_space<vmem_shared>>
      tpu.wait_dma2 semaphore(%run_scoped3A : memref<!tpu.dma_semaphore, #tpu.memory_space<semaphore_mem>>) src(%dma_wait3A_46 : memref<640x128xf32, #tpu.memory_space<vmem_shared>>) dst(%dma_wait3A_44 : memref<640x128xf32, #tpu.memory_space<hbm>>)
      tpu.yield
    }) : () -> ()
    return
  }
}

#map = affine_map<(d0, d1) -> (0, 0)>
#map1 = affine_map<(d0, d1) -> (0)>
#map2 = affine_map<(d0, d1) -> (0, 0, 0)>
module attributes {stable_mosaic.version = 14 : i64} {
  func.func @_mp_body(%arg0: i32, %arg1: i32, %arg2: memref<10000x128xf32, #tpu.memory_space<hbm>>, %arg3: memref<323584xi32, #tpu.memory_space<hbm>>, %arg4: memref<323584xi32, #tpu.memory_space<hbm>>, %arg5: memref<323584xi32, #tpu.memory_space<hbm>>, %arg6: memref<128x128xf32, #tpu.memory_space<hbm>>, %arg7: memref<2x10240x128xf32, #tpu.memory_space<hbm>>, %arg8: memref<128xi32, #tpu.memory_space<vmem>>, %arg9: memref<128xi32, #tpu.memory_space<vmem>>, %arg10: memref<128xi32, #tpu.memory_space<vmem>>, %arg11: memref<128x128xf32, #tpu.memory_space<vmem>>, %arg12: memref<128x128xf32, #tpu.memory_space<vmem>>, %arg13: memref<10240x128xf32, #tpu.memory_space<vmem_shared>>, %arg14: memref<!tpu.dma_semaphore, #tpu.memory_space<semaphore_mem>>, %arg15: memref<!tpu.dma_semaphore, #tpu.memory_space<semaphore_mem>>) attributes {dimension_semantics = [#tpu.dimension_semantics<core_parallel>, #tpu.dimension_semantics<subcore_parallel>], iteration_bounds = array<i64: 2, 16>, scalar_prefetch = 0 : i64, scratch_operands = 8 : i64, tpu.core_type = #tpu.core_type<sc_vector_subcore>, window_params = [{transform_indices = #map}, {transform_indices = #map1}, {transform_indices = #map1}, {transform_indices = #map1}, {transform_indices = #map}, {transform_indices = #map2}]} {
    %mul3A = arith.constant 2 : i32
    %mul3A_0 = arith.muli %arg1, %mul3A : i32
    %add3A = arith.addi %mul3A_0, %arg0 : i32
    %scan3A = arith.constant 0 : i32
    %scan3A_1 = arith.constant 0 : i32
    %scan3A_2 = arith.constant 128 : i32
    %scan3A_3 = arith.addi %scan3A_1, %scan3A_2 : i32
    %scan3A_4 = arith.constant 1 : i32
    %scan3A_5 = scf.for %scan3A_39 = %scan3A_1 to %scan3A_3 step %scan3A_4 iter_args(%scan3A_40 = %scan3A) -> (i32)  : i32 {
      %broadcast_in_dim3A = arith.constant 0.000000e+00 : f32
      %broadcast_in_dim3A_41 = vector.broadcast %broadcast_in_dim3A : f32 to vector<16xf32>
      %swap3A = arith.index_cast %scan3A_39 : i32 to index
      %swap3A_42 = arith.constant 0 : index
      %swap3A_43 = tpu.vector_load %arg12[%swap3A, %swap3A_42] {strides = array<i32>} : memref<128x128xf32, #tpu.memory_space<vmem>>, vector<1x16xf32>,
      %swap3A_44 = vector.shape_cast %swap3A_43 : vector<1x16xf32> to vector<16xf32>
      %swap3A_45 = vector.shape_cast %broadcast_in_dim3A_41 : vector<16xf32> to vector<1x16xf32>
      tpu.vector_store %arg12[%swap3A, %swap3A_42], %swap3A_45 {strides = array<i32>} : memref<128x128xf32, #tpu.memory_space<vmem>>, vector<1x16xf32>,
      %broadcast_in_dim3A_46 = arith.constant 0.000000e+00 : f32
      %broadcast_in_dim3A_47 = vector.broadcast %broadcast_in_dim3A_46 : f32 to vector<16xf32>
      %swap3A_48 = arith.index_cast %scan3A_39 : i32 to index
      %swap3A_49 = arith.constant 16 : index
      %swap3A_50 = tpu.vector_load %arg12[%swap3A_48, %swap3A_49] {strides = array<i32>} : memref<128x128xf32, #tpu.memory_space<vmem>>, vector<1x16xf32>,
      %swap3A_51 = vector.shape_cast %swap3A_50 : vector<1x16xf32> to vector<16xf32>
      %swap3A_52 = vector.shape_cast %broadcast_in_dim3A_47 : vector<16xf32> to vector<1x16xf32>
      tpu.vector_store %arg12[%swap3A_48, %swap3A_49], %swap3A_52 {strides = array<i32>} : memref<128x128xf32, #tpu.memory_space<vmem>>, vector<1x16xf32>,
      %broadcast_in_dim3A_53 = arith.constant 0.000000e+00 : f32
      %broadcast_in_dim3A_54 = vector.broadcast %broadcast_in_dim3A_53 : f32 to vector<16xf32>
      %swap3A_55 = arith.index_cast %scan3A_39 : i32 to index
      %swap3A_56 = arith.constant 32 : index
      %swap3A_57 = tpu.vector_load %arg12[%swap3A_55, %swap3A_56] {strides = array<i32>} : memref<128x128xf32, #tpu.memory_space<vmem>>, vector<1x16xf32>,
      %swap3A_58 = vector.shape_cast %swap3A_57 : vector<1x16xf32> to vector<16xf32>
      %swap3A_59 = vector.shape_cast %broadcast_in_dim3A_54 : vector<16xf32> to vector<1x16xf32>
      tpu.vector_store %arg12[%swap3A_55, %swap3A_56], %swap3A_59 {strides = array<i32>} : memref<128x128xf32, #tpu.memory_space<vmem>>, vector<1x16xf32>,
      %broadcast_in_dim3A_60 = arith.constant 0.000000e+00 : f32
      %broadcast_in_dim3A_61 = vector.broadcast %broadcast_in_dim3A_60 : f32 to vector<16xf32>
      %swap3A_62 = arith.index_cast %scan3A_39 : i32 to index
      %swap3A_63 = arith.constant 48 : index
      %swap3A_64 = tpu.vector_load %arg12[%swap3A_62, %swap3A_63] {strides = array<i32>} : memref<128x128xf32, #tpu.memory_space<vmem>>, vector<1x16xf32>,
      %swap3A_65 = vector.shape_cast %swap3A_64 : vector<1x16xf32> to vector<16xf32>
      %swap3A_66 = vector.shape_cast %broadcast_in_dim3A_61 : vector<16xf32> to vector<1x16xf32>
      tpu.vector_store %arg12[%swap3A_62, %swap3A_63], %swap3A_66 {strides = array<i32>} : memref<128x128xf32, #tpu.memory_space<vmem>>, vector<1x16xf32>,
      %broadcast_in_dim3A_67 = arith.constant 0.000000e+00 : f32
      %broadcast_in_dim3A_68 = vector.broadcast %broadcast_in_dim3A_67 : f32 to vector<16xf32>
      %swap3A_69 = arith.index_cast %scan3A_39 : i32 to index
      %swap3A_70 = arith.constant 64 : index
      %swap3A_71 = tpu.vector_load %arg12[%swap3A_69, %swap3A_70] {strides = array<i32>} : memref<128x128xf32, #tpu.memory_space<vmem>>, vector<1x16xf32>,
      %swap3A_72 = vector.shape_cast %swap3A_71 : vector<1x16xf32> to vector<16xf32>
      %swap3A_73 = vector.shape_cast %broadcast_in_dim3A_68 : vector<16xf32> to vector<1x16xf32>
      tpu.vector_store %arg12[%swap3A_69, %swap3A_70], %swap3A_73 {strides = array<i32>} : memref<128x128xf32, #tpu.memory_space<vmem>>, vector<1x16xf32>,
      %broadcast_in_dim3A_74 = arith.constant 0.000000e+00 : f32
      %broadcast_in_dim3A_75 = vector.broadcast %broadcast_in_dim3A_74 : f32 to vector<16xf32>
      %swap3A_76 = arith.index_cast %scan3A_39 : i32 to index
      %swap3A_77 = arith.constant 80 : index
      %swap3A_78 = tpu.vector_load %arg12[%swap3A_76, %swap3A_77] {strides = array<i32>} : memref<128x128xf32, #tpu.memory_space<vmem>>, vector<1x16xf32>,
      %swap3A_79 = vector.shape_cast %swap3A_78 : vector<1x16xf32> to vector<16xf32>
      %swap3A_80 = vector.shape_cast %broadcast_in_dim3A_75 : vector<16xf32> to vector<1x16xf32>
      tpu.vector_store %arg12[%swap3A_76, %swap3A_77], %swap3A_80 {strides = array<i32>} : memref<128x128xf32, #tpu.memory_space<vmem>>, vector<1x16xf32>,
      %broadcast_in_dim3A_81 = arith.constant 0.000000e+00 : f32
      %broadcast_in_dim3A_82 = vector.broadcast %broadcast_in_dim3A_81 : f32 to vector<16xf32>
      %swap3A_83 = arith.index_cast %scan3A_39 : i32 to index
      %swap3A_84 = arith.constant 96 : index
      %swap3A_85 = tpu.vector_load %arg12[%swap3A_83, %swap3A_84] {strides = array<i32>} : memref<128x128xf32, #tpu.memory_space<vmem>>, vector<1x16xf32>,
      %swap3A_86 = vector.shape_cast %swap3A_85 : vector<1x16xf32> to vector<16xf32>
      %swap3A_87 = vector.shape_cast %broadcast_in_dim3A_82 : vector<16xf32> to vector<1x16xf32>
      tpu.vector_store %arg12[%swap3A_83, %swap3A_84], %swap3A_87 {strides = array<i32>} : memref<128x128xf32, #tpu.memory_space<vmem>>, vector<1x16xf32>,
      %broadcast_in_dim3A_88 = arith.constant 0.000000e+00 : f32
      %broadcast_in_dim3A_89 = vector.broadcast %broadcast_in_dim3A_88 : f32 to vector<16xf32>
      %swap3A_90 = arith.index_cast %scan3A_39 : i32 to index
      %swap3A_91 = arith.constant 112 : index
      %swap3A_92 = tpu.vector_load %arg12[%swap3A_90, %swap3A_91] {strides = array<i32>} : memref<128x128xf32, #tpu.memory_space<vmem>>, vector<1x16xf32>,
      %swap3A_93 = vector.shape_cast %swap3A_92 : vector<1x16xf32> to vector<16xf32>
      %swap3A_94 = vector.shape_cast %broadcast_in_dim3A_89 : vector<16xf32> to vector<1x16xf32>
      tpu.vector_store %arg12[%swap3A_90, %swap3A_91], %swap3A_94 {strides = array<i32>} : memref<128x128xf32, #tpu.memory_space<vmem>>, vector<1x16xf32>,
      %scan3A_95 = arith.constant 0 : i32
      scf.yield %scan3A_95 : i32
    }
    %scan3A_6 = arith.constant 128 : i32
    %mul3A_7 = arith.constant 640 : i32
    %mul3A_8 = arith.muli %arg1, %mul3A_7 : i32
    %add3A_9 = arith.constant 0 : i32
    %add3A_10 = arith.addi %mul3A_8, %add3A_9 : i32
    "tpu.region"() ({
      %run_scoped3A = tpu.sem_alloc : memref<!tpu.dma_semaphore, #tpu.memory_space<semaphore_mem>>
      %dma_start3A = arith.constant 0 : i32
      %dma_start3A_39 = tpu.memref_slice %arg13[%add3A_10, %dma_start3A] : memref<10240x128xf32, #tpu.memory_space<vmem_shared>> -> memref<128x128xf32, #tpu.memory_space<vmem_shared>>
      %dma_start3A_40 = arith.constant 0 : i32
      %dma_start3A_41 = tpu.memref_slice %arg13[%add3A_10, %dma_start3A_40] : memref<10240x128xf32, #tpu.memory_space<vmem_shared>> -> memref<128x128xf32, #tpu.memory_space<vmem_shared>>
      tpu.enqueue_dma source(%arg12 : memref<128x128xf32, #tpu.memory_space<vmem>>) target(%dma_start3A_41 : memref<128x128xf32, #tpu.memory_space<vmem_shared>>) target_semaphore(%run_scoped3A : memref<!tpu.dma_semaphore, #tpu.memory_space<semaphore_mem>>)
      %dma_wait3A = arith.constant 0 : i32
      %dma_wait3A_42 = tpu.memref_slice %arg13[%add3A_10, %dma_wait3A] : memref<10240x128xf32, #tpu.memory_space<vmem_shared>> -> memref<128x128xf32, #tpu.memory_space<vmem_shared>>
      %dma_wait3A_43 = arith.constant 0 : i32
      %dma_wait3A_44 = tpu.memref_slice %arg13[%add3A_10, %dma_wait3A_43] : memref<10240x128xf32, #tpu.memory_space<vmem_shared>> -> memref<128x128xf32, #tpu.memory_space<vmem_shared>>
      tpu.wait_dma2 semaphore(%run_scoped3A : memref<!tpu.dma_semaphore, #tpu.memory_space<semaphore_mem>>) src(%arg12 : memref<128x128xf32, #tpu.memory_space<vmem>>) dst(%dma_wait3A_44 : memref<128x128xf32, #tpu.memory_space<vmem_shared>>)
      tpu.yield
    }) : () -> ()
    %mul3A_11 = arith.constant 640 : i32
    %mul3A_12 = arith.muli %arg1, %mul3A_11 : i32
    %add3A_13 = arith.constant 128 : i32
    %add3A_14 = arith.addi %mul3A_12, %add3A_13 : i32
    "tpu.region"() ({
      %run_scoped3A = tpu.sem_alloc : memref<!tpu.dma_semaphore, #tpu.memory_space<semaphore_mem>>
      %dma_start3A = arith.constant 0 : i32
      %dma_start3A_39 = tpu.memref_slice %arg13[%add3A_14, %dma_start3A] : memref<10240x128xf32, #tpu.memory_space<vmem_shared>> -> memref<128x128xf32, #tpu.memory_space<vmem_shared>>
      %dma_start3A_40 = arith.constant 0 : i32
      %dma_start3A_41 = tpu.memref_slice %arg13[%add3A_14, %dma_start3A_40] : memref<10240x128xf32, #tpu.memory_space<vmem_shared>> -> memref<128x128xf32, #tpu.memory_space<vmem_shared>>
      tpu.enqueue_dma source(%arg12 : memref<128x128xf32, #tpu.memory_space<vmem>>) target(%dma_start3A_41 : memref<128x128xf32, #tpu.memory_space<vmem_shared>>) target_semaphore(%run_scoped3A : memref<!tpu.dma_semaphore, #tpu.memory_space<semaphore_mem>>)
      %dma_wait3A = arith.constant 0 : i32
      %dma_wait3A_42 = tpu.memref_slice %arg13[%add3A_14, %dma_wait3A] : memref<10240x128xf32, #tpu.memory_space<vmem_shared>> -> memref<128x128xf32, #tpu.memory_space<vmem_shared>>
      %dma_wait3A_43 = arith.constant 0 : i32
      %dma_wait3A_44 = tpu.memref_slice %arg13[%add3A_14, %dma_wait3A_43] : memref<10240x128xf32, #tpu.memory_space<vmem_shared>> -> memref<128x128xf32, #tpu.memory_space<vmem_shared>>
      tpu.wait_dma2 semaphore(%run_scoped3A : memref<!tpu.dma_semaphore, #tpu.memory_space<semaphore_mem>>) src(%arg12 : memref<128x128xf32, #tpu.memory_space<vmem>>) dst(%dma_wait3A_44 : memref<128x128xf32, #tpu.memory_space<vmem_shared>>)
      tpu.yield
    }) : () -> ()
    %mul3A_15 = arith.constant 640 : i32
    %mul3A_16 = arith.muli %arg1, %mul3A_15 : i32
    %add3A_17 = arith.constant 256 : i32
    %add3A_18 = arith.addi %mul3A_16, %add3A_17 : i32
    "tpu.region"() ({
      %run_scoped3A = tpu.sem_alloc : memref<!tpu.dma_semaphore, #tpu.memory_space<semaphore_mem>>
      %dma_start3A = arith.constant 0 : i32
      %dma_start3A_39 = tpu.memref_slice %arg13[%add3A_18, %dma_start3A] : memref<10240x128xf32, #tpu.memory_space<vmem_shared>> -> memref<128x128xf32, #tpu.memory_space<vmem_shared>>
      %dma_start3A_40 = arith.constant 0 : i32
      %dma_start3A_41 = tpu.memref_slice %arg13[%add3A_18, %dma_start3A_40] : memref<10240x128xf32, #tpu.memory_space<vmem_shared>> -> memref<128x128xf32, #tpu.memory_space<vmem_shared>>
      tpu.enqueue_dma source(%arg12 : memref<128x128xf32, #tpu.memory_space<vmem>>) target(%dma_start3A_41 : memref<128x128xf32, #tpu.memory_space<vmem_shared>>) target_semaphore(%run_scoped3A : memref<!tpu.dma_semaphore, #tpu.memory_space<semaphore_mem>>)
      %dma_wait3A = arith.constant 0 : i32
      %dma_wait3A_42 = tpu.memref_slice %arg13[%add3A_18, %dma_wait3A] : memref<10240x128xf32, #tpu.memory_space<vmem_shared>> -> memref<128x128xf32, #tpu.memory_space<vmem_shared>>
      %dma_wait3A_43 = arith.constant 0 : i32
      %dma_wait3A_44 = tpu.memref_slice %arg13[%add3A_18, %dma_wait3A_43] : memref<10240x128xf32, #tpu.memory_space<vmem_shared>> -> memref<128x128xf32, #tpu.memory_space<vmem_shared>>
      tpu.wait_dma2 semaphore(%run_scoped3A : memref<!tpu.dma_semaphore, #tpu.memory_space<semaphore_mem>>) src(%arg12 : memref<128x128xf32, #tpu.memory_space<vmem>>) dst(%dma_wait3A_44 : memref<128x128xf32, #tpu.memory_space<vmem_shared>>)
      tpu.yield
    }) : () -> ()
    %mul3A_19 = arith.constant 640 : i32
    %mul3A_20 = arith.muli %arg1, %mul3A_19 : i32
    %add3A_21 = arith.constant 384 : i32
    %add3A_22 = arith.addi %mul3A_20, %add3A_21 : i32
    "tpu.region"() ({
      %run_scoped3A = tpu.sem_alloc : memref<!tpu.dma_semaphore, #tpu.memory_space<semaphore_mem>>
      %dma_start3A = arith.constant 0 : i32
      %dma_start3A_39 = tpu.memref_slice %arg13[%add3A_22, %dma_start3A] : memref<10240x128xf32, #tpu.memory_space<vmem_shared>> -> memref<128x128xf32, #tpu.memory_space<vmem_shared>>
      %dma_start3A_40 = arith.constant 0 : i32
      %dma_start3A_41 = tpu.memref_slice %arg13[%add3A_22, %dma_start3A_40] : memref<10240x128xf32, #tpu.memory_space<vmem_shared>> -> memref<128x128xf32, #tpu.memory_space<vmem_shared>>
      tpu.enqueue_dma source(%arg12 : memref<128x128xf32, #tpu.memory_space<vmem>>) target(%dma_start3A_41 : memref<128x128xf32, #tpu.memory_space<vmem_shared>>) target_semaphore(%run_scoped3A : memref<!tpu.dma_semaphore, #tpu.memory_space<semaphore_mem>>)
      %dma_wait3A = arith.constant 0 : i32
      %dma_wait3A_42 = tpu.memref_slice %arg13[%add3A_22, %dma_wait3A] : memref<10240x128xf32, #tpu.memory_space<vmem_shared>> -> memref<128x128xf32, #tpu.memory_space<vmem_shared>>
      %dma_wait3A_43 = arith.constant 0 : i32
      %dma_wait3A_44 = tpu.memref_slice %arg13[%add3A_22, %dma_wait3A_43] : memref<10240x128xf32, #tpu.memory_space<vmem_shared>> -> memref<128x128xf32, #tpu.memory_space<vmem_shared>>
      tpu.wait_dma2 semaphore(%run_scoped3A : memref<!tpu.dma_semaphore, #tpu.memory_space<semaphore_mem>>) src(%arg12 : memref<128x128xf32, #tpu.memory_space<vmem>>) dst(%dma_wait3A_44 : memref<128x128xf32, #tpu.memory_space<vmem_shared>>)
      tpu.yield
    }) : () -> ()
    %mul3A_23 = arith.constant 640 : i32
    %mul3A_24 = arith.muli %arg1, %mul3A_23 : i32
    %add3A_25 = arith.constant 512 : i32
    %add3A_26 = arith.addi %mul3A_24, %add3A_25 : i32
    "tpu.region"() ({
      %run_scoped3A = tpu.sem_alloc : memref<!tpu.dma_semaphore, #tpu.memory_space<semaphore_mem>>
      %dma_start3A = arith.constant 0 : i32
      %dma_start3A_39 = tpu.memref_slice %arg13[%add3A_26, %dma_start3A] : memref<10240x128xf32, #tpu.memory_space<vmem_shared>> -> memref<128x128xf32, #tpu.memory_space<vmem_shared>>
      %dma_start3A_40 = arith.constant 0 : i32
      %dma_start3A_41 = tpu.memref_slice %arg13[%add3A_26, %dma_start3A_40] : memref<10240x128xf32, #tpu.memory_space<vmem_shared>> -> memref<128x128xf32, #tpu.memory_space<vmem_shared>>
      tpu.enqueue_dma source(%arg12 : memref<128x128xf32, #tpu.memory_space<vmem>>) target(%dma_start3A_41 : memref<128x128xf32, #tpu.memory_space<vmem_shared>>) target_semaphore(%run_scoped3A : memref<!tpu.dma_semaphore, #tpu.memory_space<semaphore_mem>>)
      %dma_wait3A = arith.constant 0 : i32
      %dma_wait3A_42 = tpu.memref_slice %arg13[%add3A_26, %dma_wait3A] : memref<10240x128xf32, #tpu.memory_space<vmem_shared>> -> memref<128x128xf32, #tpu.memory_space<vmem_shared>>
      %dma_wait3A_43 = arith.constant 0 : i32
      %dma_wait3A_44 = tpu.memref_slice %arg13[%add3A_26, %dma_wait3A_43] : memref<10240x128xf32, #tpu.memory_space<vmem_shared>> -> memref<128x128xf32, #tpu.memory_space<vmem_shared>>
      tpu.wait_dma2 semaphore(%run_scoped3A : memref<!tpu.dma_semaphore, #tpu.memory_space<semaphore_mem>>) src(%arg12 : memref<128x128xf32, #tpu.memory_space<vmem>>) dst(%dma_wait3A_44 : memref<128x128xf32, #tpu.memory_space<vmem_shared>>)
      tpu.yield
    }) : () -> ()
    %barrier3A = arith.constant 0 : index
    tpu.barrier barrier_id(%barrier3A)
    %scan3A_27 = arith.constant 0 : i32
    %scan3A_28 = arith.constant 0 : i32
    %scan3A_29 = arith.constant 79 : i32
    %scan3A_30 = arith.addi %scan3A_28, %scan3A_29 : i32
    %scan3A_31 = arith.constant 1 : i32
    %scan3A_32 = scf.for %scan3A_39 = %scan3A_28 to %scan3A_30 step %scan3A_31 iter_args(%scan3A_40 = %scan3A_27) -> (i32)  : i32 {
      %mul3A_41 = arith.constant 10112 : i32
      %mul3A_42 = arith.muli %add3A, %mul3A_41 : i32
      %mul3A_43 = arith.constant 128 : i32
      %mul3A_44 = arith.muli %scan3A_39, %mul3A_43 : i32
      %add3A_45 = arith.addi %mul3A_42, %mul3A_44 : i32
      "tpu.region"() ({
        %run_scoped3A = tpu.sem_alloc : memref<!tpu.dma_semaphore, #tpu.memory_space<semaphore_mem>>
        %dma_start3A_64 = tpu.memref_slice %arg3[%add3A_45] : memref<323584xi32, #tpu.memory_space<hbm>> -> memref<128xi32, #tpu.memory_space<hbm>>
        %dma_start3A_65 = tpu.memref_slice %arg3[%add3A_45] : memref<323584xi32, #tpu.memory_space<hbm>> -> memref<128xi32, #tpu.memory_space<hbm>>
        tpu.enqueue_dma source(%dma_start3A_65 : memref<128xi32, #tpu.memory_space<hbm>>) target(%arg8 : memref<128xi32, #tpu.memory_space<vmem>>) target_semaphore(%run_scoped3A : memref<!tpu.dma_semaphore, #tpu.memory_space<semaphore_mem>>)
        %dma_wait3A_66 = tpu.memref_slice %arg3[%add3A_45] : memref<323584xi32, #tpu.memory_space<hbm>> -> memref<128xi32, #tpu.memory_space<hbm>>
        %dma_wait3A_67 = tpu.memref_slice %arg3[%add3A_45] : memref<323584xi32, #tpu.memory_space<hbm>> -> memref<128xi32, #tpu.memory_space<hbm>>
        tpu.wait_dma2 semaphore(%run_scoped3A : memref<!tpu.dma_semaphore, #tpu.memory_space<semaphore_mem>>) src(%dma_wait3A_67 : memref<128xi32, #tpu.memory_space<hbm>>) dst(%arg8 : memref<128xi32, #tpu.memory_space<vmem>>)
        tpu.yield
      }) : () -> ()
      "tpu.region"() ({
        %run_scoped3A = tpu.sem_alloc : memref<!tpu.dma_semaphore, #tpu.memory_space<semaphore_mem>>
        %dma_start3A_64 = tpu.memref_slice %arg5[%add3A_45] : memref<323584xi32, #tpu.memory_space<hbm>> -> memref<128xi32, #tpu.memory_space<hbm>>
        %dma_start3A_65 = tpu.memref_slice %arg5[%add3A_45] : memref<323584xi32, #tpu.memory_space<hbm>> -> memref<128xi32, #tpu.memory_space<hbm>>
        tpu.enqueue_dma source(%dma_start3A_65 : memref<128xi32, #tpu.memory_space<hbm>>) target(%arg10 : memref<128xi32, #tpu.memory_space<vmem>>) target_semaphore(%run_scoped3A : memref<!tpu.dma_semaphore, #tpu.memory_space<semaphore_mem>>)
        %dma_wait3A_66 = tpu.memref_slice %arg5[%add3A_45] : memref<323584xi32, #tpu.memory_space<hbm>> -> memref<128xi32, #tpu.memory_space<hbm>>
        %dma_wait3A_67 = tpu.memref_slice %arg5[%add3A_45] : memref<323584xi32, #tpu.memory_space<hbm>> -> memref<128xi32, #tpu.memory_space<hbm>>
        tpu.wait_dma2 semaphore(%run_scoped3A : memref<!tpu.dma_semaphore, #tpu.memory_space<semaphore_mem>>) src(%dma_wait3A_67 : memref<128xi32, #tpu.memory_space<hbm>>) dst(%arg10 : memref<128xi32, #tpu.memory_space<vmem>>)
        tpu.yield
      }) : () -> ()
      "tpu.region"() ({
        %run_scoped3A = tpu.sem_alloc : memref<!tpu.dma_semaphore, #tpu.memory_space<semaphore_mem>>
        %dma_start3A_64 = tpu.memref_slice %arg4[%add3A_45] : memref<323584xi32, #tpu.memory_space<hbm>> -> memref<128xi32, #tpu.memory_space<hbm>>
        %dma_start3A_65 = tpu.memref_slice %arg4[%add3A_45] : memref<323584xi32, #tpu.memory_space<hbm>> -> memref<128xi32, #tpu.memory_space<hbm>>
        tpu.enqueue_dma source(%dma_start3A_65 : memref<128xi32, #tpu.memory_space<hbm>>) target(%arg9 : memref<128xi32, #tpu.memory_space<vmem>>) target_semaphore(%run_scoped3A : memref<!tpu.dma_semaphore, #tpu.memory_space<semaphore_mem>>)
        %dma_wait3A_66 = tpu.memref_slice %arg4[%add3A_45] : memref<323584xi32, #tpu.memory_space<hbm>> -> memref<128xi32, #tpu.memory_space<hbm>>
        %dma_wait3A_67 = tpu.memref_slice %arg4[%add3A_45] : memref<323584xi32, #tpu.memory_space<hbm>> -> memref<128xi32, #tpu.memory_space<hbm>>
        tpu.wait_dma2 semaphore(%run_scoped3A : memref<!tpu.dma_semaphore, #tpu.memory_space<semaphore_mem>>) src(%dma_wait3A_67 : memref<128xi32, #tpu.memory_space<hbm>>) dst(%arg9 : memref<128xi32, #tpu.memory_space<vmem>>)
        tpu.yield
      }) : () -> ()
      %dma_start3A = arith.constant 0 : i32
      %dma_start3A_46 = arith.constant 0 : i32
      %dma_start3A_47 = tpu.memref_slice %arg2[%dma_start3A, %dma_start3A_46] : memref<10000x128xf32, #tpu.memory_space<hbm>> -> memref<10000x128xf32, #tpu.memory_space<hbm>>
      tpu.enqueue_indirect_dma source(%dma_start3A_47 : memref<10000x128xf32, #tpu.memory_space<hbm>>) target(%arg11 : memref<128x128xf32, #tpu.memory_space<vmem>>) offsets(%arg8 : memref<128xi32, #tpu.memory_space<vmem>>) semaphore(%arg14 : memref<!tpu.dma_semaphore, #tpu.memory_space<semaphore_mem>>)
      %dma_start3A_48 = arith.constant 0 : i32
      %dma_start3A_49 = arith.constant 0 : i32
      %dma_start3A_50 = tpu.memref_slice %arg6[%dma_start3A_48, %dma_start3A_49] : memref<128x128xf32, #tpu.memory_space<hbm>> -> memref<128x128xf32, #tpu.memory_space<hbm>>
      tpu.enqueue_indirect_dma source(%dma_start3A_50 : memref<128x128xf32, #tpu.memory_space<hbm>>) target(%arg12 : memref<128x128xf32, #tpu.memory_space<vmem>>) offsets(%arg10 : memref<128xi32, #tpu.memory_space<vmem>>) semaphore(%arg15 : memref<!tpu.dma_semaphore, #tpu.memory_space<semaphore_mem>>)
      %dma_wait3A = arith.constant 0 : i32
      %dma_wait3A_51 = arith.constant 0 : i32
      %dma_wait3A_52 = tpu.memref_slice %arg2[%dma_wait3A, %dma_wait3A_51] : memref<10000x128xf32, #tpu.memory_space<hbm>> -> memref<10000x128xf32, #tpu.memory_space<hbm>>
      tpu.wait_indirect_dma semaphore(%arg14 : memref<!tpu.dma_semaphore, #tpu.memory_space<semaphore_mem>>) src(%dma_wait3A_52 : memref<10000x128xf32, #tpu.memory_space<hbm>>) dst(%arg11 : memref<128x128xf32, #tpu.memory_space<vmem>>)
      %dma_wait3A_53 = arith.constant 0 : i32
      %dma_wait3A_54 = arith.constant 0 : i32
      %dma_wait3A_55 = tpu.memref_slice %arg6[%dma_wait3A_53, %dma_wait3A_54] : memref<128x128xf32, #tpu.memory_space<hbm>> -> memref<128x128xf32, #tpu.memory_space<hbm>>
      tpu.wait_indirect_dma semaphore(%arg15 : memref<!tpu.dma_semaphore, #tpu.memory_space<semaphore_mem>>) src(%dma_wait3A_55 : memref<128x128xf32, #tpu.memory_space<hbm>>) dst(%arg12 : memref<128x128xf32, #tpu.memory_space<vmem>>)
      %scan3A_56 = arith.constant 0 : i32
      %scan3A_57 = arith.constant 0 : i32
      %scan3A_58 = arith.constant 128 : i32
      %scan3A_59 = arith.addi %scan3A_57, %scan3A_58 : i32
      %scan3A_60 = arith.constant 1 : i32
      %scan3A_61 = scf.for %scan3A_64 = %scan3A_57 to %scan3A_59 step %scan3A_60 iter_args(%scan3A_65 = %scan3A_56) -> (i32)  : i32 {
        %get3A = arith.index_cast %scan3A_64 : i32 to index
        %get3A_66 = arith.constant 0 : index
        %get3A_67 = tpu.vector_load %arg11[%get3A, %get3A_66] {strides = array<i32>} : memref<128x128xf32, #tpu.memory_space<vmem>>, vector<1x16xf32>,
        %get3A_68 = vector.shape_cast %get3A_67 : vector<1x16xf32> to vector<16xf32>
        %get3A_69 = arith.index_cast %scan3A_64 : i32 to index
        %get3A_70 = arith.constant 0 : index
        %get3A_71 = tpu.vector_load %arg12[%get3A_69, %get3A_70] {strides = array<i32>} : memref<128x128xf32, #tpu.memory_space<vmem>>, vector<1x16xf32>,
        %get3A_72 = vector.shape_cast %get3A_71 : vector<1x16xf32> to vector<16xf32>
        %add3A_73 = arith.addf %get3A_68, %get3A_72 : vector<16xf32>
        %max3A = arith.constant 0.000000e+00 : f32
        %max3A_74 = vector.broadcast %max3A : f32 to vector<16xf32>
        %max3A_75 = arith.maximumf %add3A_73, %max3A_74 : vector<16xf32>
        %swap3A = arith.index_cast %scan3A_64 : i32 to index
        %swap3A_76 = arith.constant 0 : index
        %swap3A_77 = tpu.vector_load %arg11[%swap3A, %swap3A_76] {strides = array<i32>} : memref<128x128xf32, #tpu.memory_space<vmem>>, vector<1x16xf32>,
        %swap3A_78 = vector.shape_cast %swap3A_77 : vector<1x16xf32> to vector<16xf32>
        %swap3A_79 = vector.shape_cast %max3A_75 : vector<16xf32> to vector<1x16xf32>
        tpu.vector_store %arg11[%swap3A, %swap3A_76], %swap3A_79 {strides = array<i32>} : memref<128x128xf32, #tpu.memory_space<vmem>>, vector<1x16xf32>,
        %get3A_80 = arith.index_cast %scan3A_64 : i32 to index
        %get3A_81 = arith.constant 16 : index
        %get3A_82 = tpu.vector_load %arg11[%get3A_80, %get3A_81] {strides = array<i32>} : memref<128x128xf32, #tpu.memory_space<vmem>>, vector<1x16xf32>,
        %get3A_83 = vector.shape_cast %get3A_82 : vector<1x16xf32> to vector<16xf32>
        %get3A_84 = arith.index_cast %scan3A_64 : i32 to index
        %get3A_85 = arith.constant 16 : index
        %get3A_86 = tpu.vector_load %arg12[%get3A_84, %get3A_85] {strides = array<i32>} : memref<128x128xf32, #tpu.memory_space<vmem>>, vector<1x16xf32>,
        %get3A_87 = vector.shape_cast %get3A_86 : vector<1x16xf32> to vector<16xf32>
        %add3A_88 = arith.addf %get3A_83, %get3A_87 : vector<16xf32>
        %max3A_89 = arith.constant 0.000000e+00 : f32
        %max3A_90 = vector.broadcast %max3A_89 : f32 to vector<16xf32>
        %max3A_91 = arith.maximumf %add3A_88, %max3A_90 : vector<16xf32>
        %swap3A_92 = arith.index_cast %scan3A_64 : i32 to index
        %swap3A_93 = arith.constant 16 : index
        %swap3A_94 = tpu.vector_load %arg11[%swap3A_92, %swap3A_93] {strides = array<i32>} : memref<128x128xf32, #tpu.memory_space<vmem>>, vector<1x16xf32>,
        %swap3A_95 = vector.shape_cast %swap3A_94 : vector<1x16xf32> to vector<16xf32>
        %swap3A_96 = vector.shape_cast %max3A_91 : vector<16xf32> to vector<1x16xf32>
        tpu.vector_store %arg11[%swap3A_92, %swap3A_93], %swap3A_96 {strides = array<i32>} : memref<128x128xf32, #tpu.memory_space<vmem>>, vector<1x16xf32>,
        %get3A_97 = arith.index_cast %scan3A_64 : i32 to index
        %get3A_98 = arith.constant 32 : index
        %get3A_99 = tpu.vector_load %arg11[%get3A_97, %get3A_98] {strides = array<i32>} : memref<128x128xf32, #tpu.memory_space<vmem>>, vector<1x16xf32>,
        %get3A_100 = vector.shape_cast %get3A_99 : vector<1x16xf32> to vector<16xf32>
        %get3A_101 = arith.index_cast %scan3A_64 : i32 to index
        %get3A_102 = arith.constant 32 : index
        %get3A_103 = tpu.vector_load %arg12[%get3A_101, %get3A_102] {strides = array<i32>} : memref<128x128xf32, #tpu.memory_space<vmem>>, vector<1x16xf32>,
        %get3A_104 = vector.shape_cast %get3A_103 : vector<1x16xf32> to vector<16xf32>
        %add3A_105 = arith.addf %get3A_100, %get3A_104 : vector<16xf32>
        %max3A_106 = arith.constant 0.000000e+00 : f32
        %max3A_107 = vector.broadcast %max3A_106 : f32 to vector<16xf32>
        %max3A_108 = arith.maximumf %add3A_105, %max3A_107 : vector<16xf32>
        %swap3A_109 = arith.index_cast %scan3A_64 : i32 to index
        %swap3A_110 = arith.constant 32 : index
        %swap3A_111 = tpu.vector_load %arg11[%swap3A_109, %swap3A_110] {strides = array<i32>} : memref<128x128xf32, #tpu.memory_space<vmem>>, vector<1x16xf32>,
        %swap3A_112 = vector.shape_cast %swap3A_111 : vector<1x16xf32> to vector<16xf32>
        %swap3A_113 = vector.shape_cast %max3A_108 : vector<16xf32> to vector<1x16xf32>
        tpu.vector_store %arg11[%swap3A_109, %swap3A_110], %swap3A_113 {strides = array<i32>} : memref<128x128xf32, #tpu.memory_space<vmem>>, vector<1x16xf32>,
        %get3A_114 = arith.index_cast %scan3A_64 : i32 to index
        %get3A_115 = arith.constant 48 : index
        %get3A_116 = tpu.vector_load %arg11[%get3A_114, %get3A_115] {strides = array<i32>} : memref<128x128xf32, #tpu.memory_space<vmem>>, vector<1x16xf32>,
        %get3A_117 = vector.shape_cast %get3A_116 : vector<1x16xf32> to vector<16xf32>
        %get3A_118 = arith.index_cast %scan3A_64 : i32 to index
        %get3A_119 = arith.constant 48 : index
        %get3A_120 = tpu.vector_load %arg12[%get3A_118, %get3A_119] {strides = array<i32>} : memref<128x128xf32, #tpu.memory_space<vmem>>, vector<1x16xf32>,
        %get3A_121 = vector.shape_cast %get3A_120 : vector<1x16xf32> to vector<16xf32>
        %add3A_122 = arith.addf %get3A_117, %get3A_121 : vector<16xf32>
        %max3A_123 = arith.constant 0.000000e+00 : f32
        %max3A_124 = vector.broadcast %max3A_123 : f32 to vector<16xf32>
        %max3A_125 = arith.maximumf %add3A_122, %max3A_124 : vector<16xf32>
        %swap3A_126 = arith.index_cast %scan3A_64 : i32 to index
        %swap3A_127 = arith.constant 48 : index
        %swap3A_128 = tpu.vector_load %arg11[%swap3A_126, %swap3A_127] {strides = array<i32>} : memref<128x128xf32, #tpu.memory_space<vmem>>, vector<1x16xf32>,
        %swap3A_129 = vector.shape_cast %swap3A_128 : vector<1x16xf32> to vector<16xf32>
        %swap3A_130 = vector.shape_cast %max3A_125 : vector<16xf32> to vector<1x16xf32>
        tpu.vector_store %arg11[%swap3A_126, %swap3A_127], %swap3A_130 {strides = array<i32>} : memref<128x128xf32, #tpu.memory_space<vmem>>, vector<1x16xf32>,
        %get3A_131 = arith.index_cast %scan3A_64 : i32 to index
        %get3A_132 = arith.constant 64 : index
        %get3A_133 = tpu.vector_load %arg11[%get3A_131, %get3A_132] {strides = array<i32>} : memref<128x128xf32, #tpu.memory_space<vmem>>, vector<1x16xf32>,
        %get3A_134 = vector.shape_cast %get3A_133 : vector<1x16xf32> to vector<16xf32>
        %get3A_135 = arith.index_cast %scan3A_64 : i32 to index
        %get3A_136 = arith.constant 64 : index
        %get3A_137 = tpu.vector_load %arg12[%get3A_135, %get3A_136] {strides = array<i32>} : memref<128x128xf32, #tpu.memory_space<vmem>>, vector<1x16xf32>,
        %get3A_138 = vector.shape_cast %get3A_137 : vector<1x16xf32> to vector<16xf32>
        %add3A_139 = arith.addf %get3A_134, %get3A_138 : vector<16xf32>
        %max3A_140 = arith.constant 0.000000e+00 : f32
        %max3A_141 = vector.broadcast %max3A_140 : f32 to vector<16xf32>
        %max3A_142 = arith.maximumf %add3A_139, %max3A_141 : vector<16xf32>
        %swap3A_143 = arith.index_cast %scan3A_64 : i32 to index
        %swap3A_144 = arith.constant 64 : index
        %swap3A_145 = tpu.vector_load %arg11[%swap3A_143, %swap3A_144] {strides = array<i32>} : memref<128x128xf32, #tpu.memory_space<vmem>>, vector<1x16xf32>,
        %swap3A_146 = vector.shape_cast %swap3A_145 : vector<1x16xf32> to vector<16xf32>
        %swap3A_147 = vector.shape_cast %max3A_142 : vector<16xf32> to vector<1x16xf32>
        tpu.vector_store %arg11[%swap3A_143, %swap3A_144], %swap3A_147 {strides = array<i32>} : memref<128x128xf32, #tpu.memory_space<vmem>>, vector<1x16xf32>,
        %get3A_148 = arith.index_cast %scan3A_64 : i32 to index
        %get3A_149 = arith.constant 80 : index
        %get3A_150 = tpu.vector_load %arg11[%get3A_148, %get3A_149] {strides = array<i32>} : memref<128x128xf32, #tpu.memory_space<vmem>>, vector<1x16xf32>,
        %get3A_151 = vector.shape_cast %get3A_150 : vector<1x16xf32> to vector<16xf32>
        %get3A_152 = arith.index_cast %scan3A_64 : i32 to index
        %get3A_153 = arith.constant 80 : index
        %get3A_154 = tpu.vector_load %arg12[%get3A_152, %get3A_153] {strides = array<i32>} : memref<128x128xf32, #tpu.memory_space<vmem>>, vector<1x16xf32>,
        %get3A_155 = vector.shape_cast %get3A_154 : vector<1x16xf32> to vector<16xf32>
        %add3A_156 = arith.addf %get3A_151, %get3A_155 : vector<16xf32>
        %max3A_157 = arith.constant 0.000000e+00 : f32
        %max3A_158 = vector.broadcast %max3A_157 : f32 to vector<16xf32>
        %max3A_159 = arith.maximumf %add3A_156, %max3A_158 : vector<16xf32>
        %swap3A_160 = arith.index_cast %scan3A_64 : i32 to index
        %swap3A_161 = arith.constant 80 : index
        %swap3A_162 = tpu.vector_load %arg11[%swap3A_160, %swap3A_161] {strides = array<i32>} : memref<128x128xf32, #tpu.memory_space<vmem>>, vector<1x16xf32>,
        %swap3A_163 = vector.shape_cast %swap3A_162 : vector<1x16xf32> to vector<16xf32>
        %swap3A_164 = vector.shape_cast %max3A_159 : vector<16xf32> to vector<1x16xf32>
        tpu.vector_store %arg11[%swap3A_160, %swap3A_161], %swap3A_164 {strides = array<i32>} : memref<128x128xf32, #tpu.memory_space<vmem>>, vector<1x16xf32>,
        %get3A_165 = arith.index_cast %scan3A_64 : i32 to index
        %get3A_166 = arith.constant 96 : index
        %get3A_167 = tpu.vector_load %arg11[%get3A_165, %get3A_166] {strides = array<i32>} : memref<128x128xf32, #tpu.memory_space<vmem>>, vector<1x16xf32>,
        %get3A_168 = vector.shape_cast %get3A_167 : vector<1x16xf32> to vector<16xf32>
        %get3A_169 = arith.index_cast %scan3A_64 : i32 to index
        %get3A_170 = arith.constant 96 : index
        %get3A_171 = tpu.vector_load %arg12[%get3A_169, %get3A_170] {strides = array<i32>} : memref<128x128xf32, #tpu.memory_space<vmem>>, vector<1x16xf32>,
        %get3A_172 = vector.shape_cast %get3A_171 : vector<1x16xf32> to vector<16xf32>
        %add3A_173 = arith.addf %get3A_168, %get3A_172 : vector<16xf32>
        %max3A_174 = arith.constant 0.000000e+00 : f32
        %max3A_175 = vector.broadcast %max3A_174 : f32 to vector<16xf32>
        %max3A_176 = arith.maximumf %add3A_173, %max3A_175 : vector<16xf32>
        %swap3A_177 = arith.index_cast %scan3A_64 : i32 to index
        %swap3A_178 = arith.constant 96 : index
        %swap3A_179 = tpu.vector_load %arg11[%swap3A_177, %swap3A_178] {strides = array<i32>} : memref<128x128xf32, #tpu.memory_space<vmem>>, vector<1x16xf32>,
        %swap3A_180 = vector.shape_cast %swap3A_179 : vector<1x16xf32> to vector<16xf32>
        %swap3A_181 = vector.shape_cast %max3A_176 : vector<16xf32> to vector<1x16xf32>
        tpu.vector_store %arg11[%swap3A_177, %swap3A_178], %swap3A_181 {strides = array<i32>} : memref<128x128xf32, #tpu.memory_space<vmem>>, vector<1x16xf32>,
        %get3A_182 = arith.index_cast %scan3A_64 : i32 to index
        %get3A_183 = arith.constant 112 : index
        %get3A_184 = tpu.vector_load %arg11[%get3A_182, %get3A_183] {strides = array<i32>} : memref<128x128xf32, #tpu.memory_space<vmem>>, vector<1x16xf32>,
        %get3A_185 = vector.shape_cast %get3A_184 : vector<1x16xf32> to vector<16xf32>
        %get3A_186 = arith.index_cast %scan3A_64 : i32 to index
        %get3A_187 = arith.constant 112 : index
        %get3A_188 = tpu.vector_load %arg12[%get3A_186, %get3A_187] {strides = array<i32>} : memref<128x128xf32, #tpu.memory_space<vmem>>, vector<1x16xf32>,
        %get3A_189 = vector.shape_cast %get3A_188 : vector<1x16xf32> to vector<16xf32>
        %add3A_190 = arith.addf %get3A_185, %get3A_189 : vector<16xf32>
        %max3A_191 = arith.constant 0.000000e+00 : f32
        %max3A_192 = vector.broadcast %max3A_191 : f32 to vector<16xf32>
        %max3A_193 = arith.maximumf %add3A_190, %max3A_192 : vector<16xf32>
        %swap3A_194 = arith.index_cast %scan3A_64 : i32 to index
        %swap3A_195 = arith.constant 112 : index
        %swap3A_196 = tpu.vector_load %arg11[%swap3A_194, %swap3A_195] {strides = array<i32>} : memref<128x128xf32, #tpu.memory_space<vmem>>, vector<1x16xf32>,
        %swap3A_197 = vector.shape_cast %swap3A_196 : vector<1x16xf32> to vector<16xf32>
        %swap3A_198 = vector.shape_cast %max3A_193 : vector<16xf32> to vector<1x16xf32>
        tpu.vector_store %arg11[%swap3A_194, %swap3A_195], %swap3A_198 {strides = array<i32>} : memref<128x128xf32, #tpu.memory_space<vmem>>, vector<1x16xf32>,
        %scan3A_199 = arith.constant 0 : i32
        scf.yield %scan3A_199 : i32
      }
      %scan3A_62 = arith.constant 128 : i32
      "tpu.region"() ({
        %run_scoped3A = tpu.sem_alloc : memref<!tpu.dma_semaphore, #tpu.memory_space<semaphore_mem>>
        %dma_start3A_64 = arith.constant 0 : i32
        %dma_start3A_65 = arith.constant 0 : i32
        %dma_start3A_66 = tpu.memref_slice %arg13[%dma_start3A_64, %dma_start3A_65] : memref<10240x128xf32, #tpu.memory_space<vmem_shared>> -> memref<10240x128xf32, #tpu.memory_space<vmem_shared>>
        tpu.enqueue_indirect_dma source(%arg11 : memref<128x128xf32, #tpu.memory_space<vmem>>) target(%dma_start3A_66 : memref<10240x128xf32, #tpu.memory_space<vmem_shared>>) offsets(%arg9 : memref<128xi32, #tpu.memory_space<vmem>>) semaphore(%run_scoped3A : memref<!tpu.dma_semaphore, #tpu.memory_space<semaphore_mem>>) {add = true}
        %dma_wait3A_67 = arith.constant 0 : i32
        %dma_wait3A_68 = arith.constant 0 : i32
        %dma_wait3A_69 = tpu.memref_slice %arg13[%dma_wait3A_67, %dma_wait3A_68] : memref<10240x128xf32, #tpu.memory_space<vmem_shared>> -> memref<10240x128xf32, #tpu.memory_space<vmem_shared>>
        tpu.wait_indirect_dma semaphore(%run_scoped3A : memref<!tpu.dma_semaphore, #tpu.memory_space<semaphore_mem>>) src(%arg11 : memref<128x128xf32, #tpu.memory_space<vmem>>) dst(%dma_wait3A_69 : memref<10240x128xf32, #tpu.memory_space<vmem_shared>>)
        tpu.yield
      }) : () -> ()
      %scan3A_63 = arith.constant 0 : i32
      scf.yield %scan3A_63 : i32
    }
    %scan3A_33 = arith.constant 79 : i32
    %barrier3A_34 = arith.constant 0 : index
    tpu.barrier barrier_id(%barrier3A_34)
    %mul3A_35 = arith.constant 640 : i32
    %mul3A_36 = arith.muli %arg1, %mul3A_35 : i32
    %mul3A_37 = arith.constant 640 : i32
    %mul3A_38 = arith.muli %arg1, %mul3A_37 : i32
    "tpu.region"() ({
      %run_scoped3A = tpu.sem_alloc : memref<!tpu.dma_semaphore, #tpu.memory_space<semaphore_mem>>
      %dma_start3A = arith.constant 0 : i32
      %dma_start3A_39 = tpu.memref_slice %arg7[%arg0, %mul3A_38, %dma_start3A] : memref<2x10240x128xf32, #tpu.memory_space<hbm>> -> memref<1x640x128xf32, #tpu.memory_space<hbm>>
      %dma_start3A_40 = tpu.memref_squeeze %dma_start3A_39 : memref<1x640x128xf32, #tpu.memory_space<hbm>> -> memref<640x128xf32, #tpu.memory_space<hbm>>
      %dma_start3A_41 = arith.constant 0 : i32
      %dma_start3A_42 = tpu.memref_slice %arg13[%mul3A_36, %dma_start3A_41] : memref<10240x128xf32, #tpu.memory_space<vmem_shared>> -> memref<640x128xf32, #tpu.memory_space<vmem_shared>>
      tpu.enqueue_dma source(%dma_start3A_42 : memref<640x128xf32, #tpu.memory_space<vmem_shared>>) target(%dma_start3A_40 : memref<640x128xf32, #tpu.memory_space<hbm>>) target_semaphore(%run_scoped3A : memref<!tpu.dma_semaphore, #tpu.memory_space<semaphore_mem>>)
      %dma_wait3A = arith.constant 0 : i32
      %dma_wait3A_43 = tpu.memref_slice %arg7[%arg0, %mul3A_38, %dma_wait3A] : memref<2x10240x128xf32, #tpu.memory_space<hbm>> -> memref<1x640x128xf32, #tpu.memory_space<hbm>>
      %dma_wait3A_44 = tpu.memref_squeeze %dma_wait3A_43 : memref<1x640x128xf32, #tpu.memory_space<hbm>> -> memref<640x128xf32, #tpu.memory_space<hbm>>
      %dma_wait3A_45 = arith.constant 0 : i32
      %dma_wait3A_46 = tpu.memref_slice %arg13[%mul3A_36, %dma_wait3A_45] : memref<10240x128xf32, #tpu.memory_space<vmem_shared>> -> memref<640x128xf32, #tpu.memory_space<vmem_shared>>
      tpu.wait_dma2 semaphore(%run_scoped3A : memref<!tpu.dma_semaphore, #tpu.memory_space<semaphore_mem>>) src(%dma_wait3A_46 : memref<640x128xf32, #tpu.memory_space<vmem_shared>>) dst(%dma_wait3A_44 : memref<640x128xf32, #tpu.memory_space<hbm>>)
      tpu.yield
    }) : () -> ()
    return
  }
}

module attributes {stable_mosaic.version = 14 : i64} {
  func.func @_mlp_body(%arg0: memref<10000x128xf32, #tpu.memory_space<vmem>>, %arg1: memref<2x10240x128xf32, #tpu.memory_space<vmem>>, %arg2: memref<128x256xf32, #tpu.memory_space<vmem>>, %arg3: memref<1x256xf32, #tpu.memory_space<vmem>>, %arg4: memref<1x256xf32, #tpu.memory_space<vmem>>, %arg5: memref<1x256xf32, #tpu.memory_space<vmem>>, %arg6: memref<256x128xf32, #tpu.memory_space<vmem>>, %arg7: memref<1x128xf32, #tpu.memory_space<vmem>>, %arg8: memref<1x128xf32, #tpu.memory_space<vmem>>, %arg9: memref<1x128xf32, #tpu.memory_space<vmem>>, %arg10: memref<1x1xf32, #tpu.memory_space<smem>>, %arg11: memref<10000x128xf32, #tpu.memory_space<vmem>>) attributes {dimension_semantics = [], scalar_prefetch = 0 : i64, scratch_operands = 0 : i64, tpu.core_type = #tpu.core_type<tc>} {
    %get3A = arith.constant 0 : index
    %get3A_0 = arith.constant 0 : index
    %get3A_1 = vector.load %arg0[%get3A, %get3A_0] : memref<10000x128xf32, #tpu.memory_space<vmem>>, vector<10000x128xf32>
    %get3A_2 = arith.constant 0 : index
    %get3A_3 = arith.constant 0 : index
    %get3A_4 = arith.constant 0 : index
    %get3A_5 = vector.load %arg1[%get3A_2, %get3A_3, %get3A_4] : memref<2x10240x128xf32, #tpu.memory_space<vmem>>, vector<1x10000x128xf32>
    %get3A_6 = vector.shape_cast %get3A_5 : vector<1x10000x128xf32> to vector<10000x128xf32>
    %get3A_7 = arith.constant 1 : index
    %get3A_8 = arith.constant 0 : index
    %get3A_9 = arith.constant 0 : index
    %get3A_10 = vector.load %arg1[%get3A_7, %get3A_8, %get3A_9] : memref<2x10240x128xf32, #tpu.memory_space<vmem>>, vector<1x10000x128xf32>
    %get3A_11 = vector.shape_cast %get3A_10 : vector<1x10000x128xf32> to vector<10000x128xf32>
    %add3A = arith.addf %get3A_6, %get3A_11 : vector<10000x128xf32>
    %get3A_12 = arith.constant 0 : index
    %get3A_13 = arith.constant 0 : index
    %get3A_14 = memref.load %arg10[%get3A_12, %get3A_13] : memref<1x1xf32, #tpu.memory_space<smem>>
    %add3A_15 = arith.constant 1.000000e+00 : f32
    %add3A_16 = arith.addf %add3A_15, %get3A_14 : f32
    %mul3A = vector.broadcast %add3A_16 : f32 to vector<10000x128xf32>
    %mul3A_17 = arith.mulf %mul3A, %get3A_1 : vector<10000x128xf32>
    %add3A_18 = arith.addf %mul3A_17, %add3A : vector<10000x128xf32>
    %get3A_19 = arith.constant 0 : index
    %get3A_20 = arith.constant 0 : index
    %get3A_21 = vector.load %arg2[%get3A_19, %get3A_20] : memref<128x256xf32, #tpu.memory_space<vmem>>, vector<128x256xf32>
    %dot_general3A = arith.constant dense<0.000000e+00> : vector<10000x256xf32>
    %dot_general3A_22 = tpu.matmul %add3A_18, %get3A_21, %dot_general3A {dimension_numbers = #tpu.dot_dimension_numbers<[1], [0], [0], [1], [0, 0, 1, 1], [], []>, transpose_lhs_hint = false} : vector<10000x128xf32>, vector<128x256xf32>, vector<10000x256xf32> -> vector<10000x256xf32>
    %get3A_23 = arith.constant 0 : index
    %get3A_24 = arith.constant 0 : index
    %get3A_25 = vector.load %arg3[%get3A_23, %get3A_24] : memref<1x256xf32, #tpu.memory_space<vmem>>, vector<1x256xf32>
    %add3A_26 = vector.broadcast %get3A_25 : vector<1x256xf32> to vector<10000x256xf32>
    %add3A_27 = arith.addf %dot_general3A_22, %add3A_26 : vector<10000x256xf32>
    %reduce_sum3A = arith.constant dense<0.000000e+00> : vector<256xf32>
    %reduce_sum3A_28 = vector.multi_reduction <add>, %add3A_27, %reduce_sum3A [0] : vector<10000x256xf32> to vector<256xf32>
    %broadcast_in_dim3A = vector.shape_cast %reduce_sum3A_28 : vector<256xf32> to vector<1x256xf32>
    %div3A = arith.constant 1.000000e+04 : f32
    %div3A_29 = vector.broadcast %div3A : f32 to vector<1x256xf32>
    %div3A_30 = arith.divf %broadcast_in_dim3A, %div3A_29 : vector<1x256xf32>
    %sub3A = vector.broadcast %div3A_30 : vector<1x256xf32> to vector<10000x256xf32>
    %sub3A_31 = arith.subf %add3A_27, %sub3A : vector<10000x256xf32>
    %integer_pow3A = arith.mulf %sub3A_31, %sub3A_31 : vector<10000x256xf32>
    %reduce_sum3A_32 = arith.constant dense<0.000000e+00> : vector<256xf32>
    %reduce_sum3A_33 = vector.multi_reduction <add>, %integer_pow3A, %reduce_sum3A_32 [0] : vector<10000x256xf32> to vector<256xf32>
    %broadcast_in_dim3A_34 = vector.shape_cast %reduce_sum3A_33 : vector<256xf32> to vector<1x256xf32>
    %div3A_35 = arith.constant 1.000000e+04 : f32
    %div3A_36 = vector.broadcast %div3A_35 : f32 to vector<1x256xf32>
    %div3A_37 = arith.divf %broadcast_in_dim3A_34, %div3A_36 : vector<1x256xf32>
    %sub3A_38 = vector.broadcast %div3A_30 : vector<1x256xf32> to vector<10000x256xf32>
    %sub3A_39 = arith.subf %add3A_27, %sub3A_38 : vector<10000x256xf32>
    %add3A_40 = arith.constant 9.99999974E-6 : f32
    %add3A_41 = vector.broadcast %add3A_40 : f32 to vector<1x256xf32>
    %add3A_42 = arith.addf %div3A_37, %add3A_41 : vector<1x256xf32>
    %sqrt3A = math.sqrt %add3A_42 : vector<1x256xf32>
    %div3A_43 = vector.broadcast %sqrt3A : vector<1x256xf32> to vector<10000x256xf32>
    %div3A_44 = arith.divf %sub3A_39, %div3A_43 : vector<10000x256xf32>
    %get3A_45 = arith.constant 0 : index
    %get3A_46 = arith.constant 0 : index
    %get3A_47 = vector.load %arg4[%get3A_45, %get3A_46] : memref<1x256xf32, #tpu.memory_space<vmem>>, vector<1x256xf32>
    %mul3A_48 = vector.broadcast %get3A_47 : vector<1x256xf32> to vector<10000x256xf32>
    %mul3A_49 = arith.mulf %div3A_44, %mul3A_48 : vector<10000x256xf32>
    %get3A_50 = arith.constant 0 : index
    %get3A_51 = arith.constant 0 : index
    %get3A_52 = vector.load %arg5[%get3A_50, %get3A_51] : memref<1x256xf32, #tpu.memory_space<vmem>>, vector<1x256xf32>
    %add3A_53 = vector.broadcast %get3A_52 : vector<1x256xf32> to vector<10000x256xf32>
    %add3A_54 = arith.addf %mul3A_49, %add3A_53 : vector<10000x256xf32>
    %max3A = arith.constant 0.000000e+00 : f32
    %max3A_55 = vector.broadcast %max3A : f32 to vector<10000x256xf32>
    %max3A_56 = arith.maximumf %add3A_54, %max3A_55 : vector<10000x256xf32>
    %get3A_57 = arith.constant 0 : index
    %get3A_58 = arith.constant 0 : index
    %get3A_59 = vector.load %arg6[%get3A_57, %get3A_58] : memref<256x128xf32, #tpu.memory_space<vmem>>, vector<256x128xf32>
    %dot_general3A_60 = arith.constant dense<0.000000e+00> : vector<10000x128xf32>
    %dot_general3A_61 = tpu.matmul %max3A_56, %get3A_59, %dot_general3A_60 {dimension_numbers = #tpu.dot_dimension_numbers<[1], [0], [0], [1], [0, 0, 1, 1], [], []>, transpose_lhs_hint = false} : vector<10000x256xf32>, vector<256x128xf32>, vector<10000x128xf32> -> vector<10000x128xf32>
    %get3A_62 = arith.constant 0 : index
    %get3A_63 = arith.constant 0 : index
    %get3A_64 = vector.load %arg7[%get3A_62, %get3A_63] : memref<1x128xf32, #tpu.memory_space<vmem>>, vector<1x128xf32>
    %add3A_65 = vector.broadcast %get3A_64 : vector<1x128xf32> to vector<10000x128xf32>
    %add3A_66 = arith.addf %dot_general3A_61, %add3A_65 : vector<10000x128xf32>
    %reduce_sum3A_67 = arith.constant dense<0.000000e+00> : vector<128xf32>
    %reduce_sum3A_68 = vector.multi_reduction <add>, %add3A_66, %reduce_sum3A_67 [0] : vector<10000x128xf32> to vector<128xf32>
    %broadcast_in_dim3A_69 = vector.shape_cast %reduce_sum3A_68 : vector<128xf32> to vector<1x128xf32>
    %div3A_70 = arith.constant 1.000000e+04 : f32
    %div3A_71 = vector.broadcast %div3A_70 : f32 to vector<1x128xf32>
    %div3A_72 = arith.divf %broadcast_in_dim3A_69, %div3A_71 : vector<1x128xf32>
    %sub3A_73 = vector.broadcast %div3A_72 : vector<1x128xf32> to vector<10000x128xf32>
    %sub3A_74 = arith.subf %add3A_66, %sub3A_73 : vector<10000x128xf32>
    %integer_pow3A_75 = arith.mulf %sub3A_74, %sub3A_74 : vector<10000x128xf32>
    %reduce_sum3A_76 = arith.constant dense<0.000000e+00> : vector<128xf32>
    %reduce_sum3A_77 = vector.multi_reduction <add>, %integer_pow3A_75, %reduce_sum3A_76 [0] : vector<10000x128xf32> to vector<128xf32>
    %broadcast_in_dim3A_78 = vector.shape_cast %reduce_sum3A_77 : vector<128xf32> to vector<1x128xf32>
    %div3A_79 = arith.constant 1.000000e+04 : f32
    %div3A_80 = vector.broadcast %div3A_79 : f32 to vector<1x128xf32>
    %div3A_81 = arith.divf %broadcast_in_dim3A_78, %div3A_80 : vector<1x128xf32>
    %sub3A_82 = vector.broadcast %div3A_72 : vector<1x128xf32> to vector<10000x128xf32>
    %sub3A_83 = arith.subf %add3A_66, %sub3A_82 : vector<10000x128xf32>
    %add3A_84 = arith.constant 9.99999974E-6 : f32
    %add3A_85 = vector.broadcast %add3A_84 : f32 to vector<1x128xf32>
    %add3A_86 = arith.addf %div3A_81, %add3A_85 : vector<1x128xf32>
    %sqrt3A_87 = math.sqrt %add3A_86 : vector<1x128xf32>
    %div3A_88 = vector.broadcast %sqrt3A_87 : vector<1x128xf32> to vector<10000x128xf32>
    %div3A_89 = arith.divf %sub3A_83, %div3A_88 : vector<10000x128xf32>
    %get3A_90 = arith.constant 0 : index
    %get3A_91 = arith.constant 0 : index
    %get3A_92 = vector.load %arg8[%get3A_90, %get3A_91] : memref<1x128xf32, #tpu.memory_space<vmem>>, vector<1x128xf32>
    %mul3A_93 = vector.broadcast %get3A_92 : vector<1x128xf32> to vector<10000x128xf32>
    %mul3A_94 = arith.mulf %div3A_89, %mul3A_93 : vector<10000x128xf32>
    %get3A_95 = arith.constant 0 : index
    %get3A_96 = arith.constant 0 : index
    %get3A_97 = vector.load %arg9[%get3A_95, %get3A_96] : memref<1x128xf32, #tpu.memory_space<vmem>>, vector<1x128xf32>
    %add3A_98 = vector.broadcast %get3A_97 : vector<1x128xf32> to vector<10000x128xf32>
    %add3A_99 = arith.addf %mul3A_94, %add3A_98 : vector<10000x128xf32>
    %max3A_100 = arith.constant 0.000000e+00 : f32
    %max3A_101 = vector.broadcast %max3A_100 : f32 to vector<10000x128xf32>
    %max3A_102 = arith.maximumf %add3A_99, %max3A_101 : vector<10000x128xf32>
    %add3A_103 = arith.addf %max3A_102, %get3A_1 : vector<10000x128xf32>
    %swap3A = arith.constant 0 : index
    %swap3A_104 = arith.constant 0 : index
    %swap3A_105 = vector.load %arg11[%swap3A, %swap3A_104] : memref<10000x128xf32, #tpu.memory_space<vmem>>, vector<10000x128xf32>
    tpu.vector_store %arg11[%swap3A, %swap3A_104], %add3A_103 {strides = array<i32>} : memref<10000x128xf32, #tpu.memory_space<vmem>>, vector<10000x128xf32>,
    return
  }
}

module attributes {stable_mosaic.version = 14 : i64} {
  func.func @_mlp_body(%arg0: memref<10000x128xf32, #tpu.memory_space<vmem>>, %arg1: memref<2x10240x128xf32, #tpu.memory_space<vmem>>, %arg2: memref<128x256xf32, #tpu.memory_space<vmem>>, %arg3: memref<1x256xf32, #tpu.memory_space<vmem>>, %arg4: memref<1x256xf32, #tpu.memory_space<vmem>>, %arg5: memref<1x256xf32, #tpu.memory_space<vmem>>, %arg6: memref<256x128xf32, #tpu.memory_space<vmem>>, %arg7: memref<1x128xf32, #tpu.memory_space<vmem>>, %arg8: memref<1x128xf32, #tpu.memory_space<vmem>>, %arg9: memref<1x128xf32, #tpu.memory_space<vmem>>, %arg10: memref<1x1xf32, #tpu.memory_space<smem>>, %arg11: memref<10000x128xf32, #tpu.memory_space<vmem>>) attributes {dimension_semantics = [], scalar_prefetch = 0 : i64, scratch_operands = 0 : i64, tpu.core_type = #tpu.core_type<tc>} {
    %get3A = arith.constant 0 : index
    %get3A_0 = arith.constant 0 : index
    %get3A_1 = vector.load %arg0[%get3A, %get3A_0] : memref<10000x128xf32, #tpu.memory_space<vmem>>, vector<10000x128xf32>
    %get3A_2 = arith.constant 0 : index
    %get3A_3 = arith.constant 0 : index
    %get3A_4 = arith.constant 0 : index
    %get3A_5 = vector.load %arg1[%get3A_2, %get3A_3, %get3A_4] : memref<2x10240x128xf32, #tpu.memory_space<vmem>>, vector<1x10000x128xf32>
    %get3A_6 = vector.shape_cast %get3A_5 : vector<1x10000x128xf32> to vector<10000x128xf32>
    %get3A_7 = arith.constant 1 : index
    %get3A_8 = arith.constant 0 : index
    %get3A_9 = arith.constant 0 : index
    %get3A_10 = vector.load %arg1[%get3A_7, %get3A_8, %get3A_9] : memref<2x10240x128xf32, #tpu.memory_space<vmem>>, vector<1x10000x128xf32>
    %get3A_11 = vector.shape_cast %get3A_10 : vector<1x10000x128xf32> to vector<10000x128xf32>
    %add3A = arith.addf %get3A_6, %get3A_11 : vector<10000x128xf32>
    %get3A_12 = arith.constant 0 : index
    %get3A_13 = arith.constant 0 : index
    %get3A_14 = memref.load %arg10[%get3A_12, %get3A_13] : memref<1x1xf32, #tpu.memory_space<smem>>
    %add3A_15 = arith.constant 1.000000e+00 : f32
    %add3A_16 = arith.addf %add3A_15, %get3A_14 : f32
    %mul3A = vector.broadcast %add3A_16 : f32 to vector<10000x128xf32>
    %mul3A_17 = arith.mulf %mul3A, %get3A_1 : vector<10000x128xf32>
    %add3A_18 = arith.addf %mul3A_17, %add3A : vector<10000x128xf32>
    %get3A_19 = arith.constant 0 : index
    %get3A_20 = arith.constant 0 : index
    %get3A_21 = vector.load %arg2[%get3A_19, %get3A_20] : memref<128x256xf32, #tpu.memory_space<vmem>>, vector<128x256xf32>
    %dot_general3A = arith.constant dense<0.000000e+00> : vector<10000x256xf32>
    %dot_general3A_22 = tpu.matmul %add3A_18, %get3A_21, %dot_general3A {dimension_numbers = #tpu.dot_dimension_numbers<[1], [0], [0], [1], [0, 0, 1, 1], [], []>, transpose_lhs_hint = false} : vector<10000x128xf32>, vector<128x256xf32>, vector<10000x256xf32> -> vector<10000x256xf32>
    %get3A_23 = arith.constant 0 : index
    %get3A_24 = arith.constant 0 : index
    %get3A_25 = vector.load %arg3[%get3A_23, %get3A_24] : memref<1x256xf32, #tpu.memory_space<vmem>>, vector<1x256xf32>
    %add3A_26 = vector.broadcast %get3A_25 : vector<1x256xf32> to vector<10000x256xf32>
    %add3A_27 = arith.addf %dot_general3A_22, %add3A_26 : vector<10000x256xf32>
    %reduce_sum3A = arith.constant dense<0.000000e+00> : vector<256xf32>
    %reduce_sum3A_28 = vector.multi_reduction <add>, %add3A_27, %reduce_sum3A [0] : vector<10000x256xf32> to vector<256xf32>
    %broadcast_in_dim3A = vector.shape_cast %reduce_sum3A_28 : vector<256xf32> to vector<1x256xf32>
    %div3A = arith.constant 1.000000e+04 : f32
    %div3A_29 = vector.broadcast %div3A : f32 to vector<1x256xf32>
    %div3A_30 = arith.divf %broadcast_in_dim3A, %div3A_29 : vector<1x256xf32>
    %sub3A = vector.broadcast %div3A_30 : vector<1x256xf32> to vector<10000x256xf32>
    %sub3A_31 = arith.subf %add3A_27, %sub3A : vector<10000x256xf32>
    %integer_pow3A = arith.mulf %sub3A_31, %sub3A_31 : vector<10000x256xf32>
    %reduce_sum3A_32 = arith.constant dense<0.000000e+00> : vector<256xf32>
    %reduce_sum3A_33 = vector.multi_reduction <add>, %integer_pow3A, %reduce_sum3A_32 [0] : vector<10000x256xf32> to vector<256xf32>
    %broadcast_in_dim3A_34 = vector.shape_cast %reduce_sum3A_33 : vector<256xf32> to vector<1x256xf32>
    %div3A_35 = arith.constant 1.000000e+04 : f32
    %div3A_36 = vector.broadcast %div3A_35 : f32 to vector<1x256xf32>
    %div3A_37 = arith.divf %broadcast_in_dim3A_34, %div3A_36 : vector<1x256xf32>
    %sub3A_38 = vector.broadcast %div3A_30 : vector<1x256xf32> to vector<10000x256xf32>
    %sub3A_39 = arith.subf %add3A_27, %sub3A_38 : vector<10000x256xf32>
    %add3A_40 = arith.constant 9.99999974E-6 : f32
    %add3A_41 = vector.broadcast %add3A_40 : f32 to vector<1x256xf32>
    %add3A_42 = arith.addf %div3A_37, %add3A_41 : vector<1x256xf32>
    %sqrt3A = math.sqrt %add3A_42 : vector<1x256xf32>
    %div3A_43 = vector.broadcast %sqrt3A : vector<1x256xf32> to vector<10000x256xf32>
    %div3A_44 = arith.divf %sub3A_39, %div3A_43 : vector<10000x256xf32>
    %get3A_45 = arith.constant 0 : index
    %get3A_46 = arith.constant 0 : index
    %get3A_47 = vector.load %arg4[%get3A_45, %get3A_46] : memref<1x256xf32, #tpu.memory_space<vmem>>, vector<1x256xf32>
    %mul3A_48 = vector.broadcast %get3A_47 : vector<1x256xf32> to vector<10000x256xf32>
    %mul3A_49 = arith.mulf %div3A_44, %mul3A_48 : vector<10000x256xf32>
    %get3A_50 = arith.constant 0 : index
    %get3A_51 = arith.constant 0 : index
    %get3A_52 = vector.load %arg5[%get3A_50, %get3A_51] : memref<1x256xf32, #tpu.memory_space<vmem>>, vector<1x256xf32>
    %add3A_53 = vector.broadcast %get3A_52 : vector<1x256xf32> to vector<10000x256xf32>
    %add3A_54 = arith.addf %mul3A_49, %add3A_53 : vector<10000x256xf32>
    %max3A = arith.constant 0.000000e+00 : f32
    %max3A_55 = vector.broadcast %max3A : f32 to vector<10000x256xf32>
    %max3A_56 = arith.maximumf %add3A_54, %max3A_55 : vector<10000x256xf32>
    %get3A_57 = arith.constant 0 : index
    %get3A_58 = arith.constant 0 : index
    %get3A_59 = vector.load %arg6[%get3A_57, %get3A_58] : memref<256x128xf32, #tpu.memory_space<vmem>>, vector<256x128xf32>
    %dot_general3A_60 = arith.constant dense<0.000000e+00> : vector<10000x128xf32>
    %dot_general3A_61 = tpu.matmul %max3A_56, %get3A_59, %dot_general3A_60 {dimension_numbers = #tpu.dot_dimension_numbers<[1], [0], [0], [1], [0, 0, 1, 1], [], []>, transpose_lhs_hint = false} : vector<10000x256xf32>, vector<256x128xf32>, vector<10000x128xf32> -> vector<10000x128xf32>
    %get3A_62 = arith.constant 0 : index
    %get3A_63 = arith.constant 0 : index
    %get3A_64 = vector.load %arg7[%get3A_62, %get3A_63] : memref<1x128xf32, #tpu.memory_space<vmem>>, vector<1x128xf32>
    %add3A_65 = vector.broadcast %get3A_64 : vector<1x128xf32> to vector<10000x128xf32>
    %add3A_66 = arith.addf %dot_general3A_61, %add3A_65 : vector<10000x128xf32>
    %reduce_sum3A_67 = arith.constant dense<0.000000e+00> : vector<128xf32>
    %reduce_sum3A_68 = vector.multi_reduction <add>, %add3A_66, %reduce_sum3A_67 [0] : vector<10000x128xf32> to vector<128xf32>
    %broadcast_in_dim3A_69 = vector.shape_cast %reduce_sum3A_68 : vector<128xf32> to vector<1x128xf32>
    %div3A_70 = arith.constant 1.000000e+04 : f32
    %div3A_71 = vector.broadcast %div3A_70 : f32 to vector<1x128xf32>
    %div3A_72 = arith.divf %broadcast_in_dim3A_69, %div3A_71 : vector<1x128xf32>
    %sub3A_73 = vector.broadcast %div3A_72 : vector<1x128xf32> to vector<10000x128xf32>
    %sub3A_74 = arith.subf %add3A_66, %sub3A_73 : vector<10000x128xf32>
    %integer_pow3A_75 = arith.mulf %sub3A_74, %sub3A_74 : vector<10000x128xf32>
    %reduce_sum3A_76 = arith.constant dense<0.000000e+00> : vector<128xf32>
    %reduce_sum3A_77 = vector.multi_reduction <add>, %integer_pow3A_75, %reduce_sum3A_76 [0] : vector<10000x128xf32> to vector<128xf32>
    %broadcast_in_dim3A_78 = vector.shape_cast %reduce_sum3A_77 : vector<128xf32> to vector<1x128xf32>
    %div3A_79 = arith.constant 1.000000e+04 : f32
    %div3A_80 = vector.broadcast %div3A_79 : f32 to vector<1x128xf32>
    %div3A_81 = arith.divf %broadcast_in_dim3A_78, %div3A_80 : vector<1x128xf32>
    %sub3A_82 = vector.broadcast %div3A_72 : vector<1x128xf32> to vector<10000x128xf32>
    %sub3A_83 = arith.subf %add3A_66, %sub3A_82 : vector<10000x128xf32>
    %add3A_84 = arith.constant 9.99999974E-6 : f32
    %add3A_85 = vector.broadcast %add3A_84 : f32 to vector<1x128xf32>
    %add3A_86 = arith.addf %div3A_81, %add3A_85 : vector<1x128xf32>
    %sqrt3A_87 = math.sqrt %add3A_86 : vector<1x128xf32>
    %div3A_88 = vector.broadcast %sqrt3A_87 : vector<1x128xf32> to vector<10000x128xf32>
    %div3A_89 = arith.divf %sub3A_83, %div3A_88 : vector<10000x128xf32>
    %get3A_90 = arith.constant 0 : index
    %get3A_91 = arith.constant 0 : index
    %get3A_92 = vector.load %arg8[%get3A_90, %get3A_91] : memref<1x128xf32, #tpu.memory_space<vmem>>, vector<1x128xf32>
    %mul3A_93 = vector.broadcast %get3A_92 : vector<1x128xf32> to vector<10000x128xf32>
    %mul3A_94 = arith.mulf %div3A_89, %mul3A_93 : vector<10000x128xf32>
    %get3A_95 = arith.constant 0 : index
    %get3A_96 = arith.constant 0 : index
    %get3A_97 = vector.load %arg9[%get3A_95, %get3A_96] : memref<1x128xf32, #tpu.memory_space<vmem>>, vector<1x128xf32>
    %add3A_98 = vector.broadcast %get3A_97 : vector<1x128xf32> to vector<10000x128xf32>
    %add3A_99 = arith.addf %mul3A_94, %add3A_98 : vector<10000x128xf32>
    %add3A_100 = arith.addf %add3A_99, %get3A_1 : vector<10000x128xf32>
    %swap3A = arith.constant 0 : index
    %swap3A_101 = arith.constant 0 : index
    %swap3A_102 = vector.load %arg11[%swap3A, %swap3A_101] : memref<10000x128xf32, #tpu.memory_space<vmem>>, vector<10000x128xf32>
    tpu.vector_store %arg11[%swap3A, %swap3A_101], %add3A_100 {strides = array<i32>} : memref<10000x128xf32, #tpu.memory_space<vmem>>, vector<10000x128xf32>,
    return
  }
}

</mosaic_0001>

<sc_bundles>
// kernel: kernel.11.cloned.1.call-start
scs
__scs_entry_jumppad:
0x0: {  	(pc) =	sbr.rel $0x88, $3  }
0x1: {  	(tag) =	ssettag $0x0;
	lr =	simm.s32 $0x1  }
0x2: {  	[smem:$0x3F94] =	sst lr;
	_ =	strace $0xD0000000  }
0x3: {  	_ = 	snop  }
0x4: {  	_ = 	snop  }
0x5: {  	_ = 	snop  }
0x6: {  	_ = 	snop  }
0x7: {  	_ = 	snop  }
__scs_overlays_trampoline_lowered:
0x8: {  	[smem:$0x3FA3] =	sst s0  }
0x9: {  	[smem:$0x3FA4] =	sst s1  }
0xa: {  	[smem:$0x3FA5] =	sst s2  }
0xb: {  	[smem:$0x3FA6] =	sst s3  }
0xc: {  	[smem:$0x3FA7] =	sst s4  }
0xd: {  	[smem:$0x3FA8] =	sst s5  }
0xe: {  	[smem:$0x3FA9] =	sst s6  }
0xf: {  	[smem:$0x3FAA] =	sst s7  }
0x10: {  	[smem:$0x3FAB] =	sst s8  }
0x11: {  	[smem:$0x3FAC] =	sst s9;
	s0 =	simm.s32 @!p0 $0x0  }
0x12: {  	s1 =	sld [smem:$0x3F92];
	s0 =	simm.s32 @p0 $0x1  }
0x13: {  	[smem:$0x3FAD] =	sst s0;
	s0 =	simm.s32 @!p1 $0x0  }
0x14: {  	s2 =	sld [smem:$0x3F91];
	s0 =	simm.s32 @p1 $0x1  }
0x15: {  	[smem:$0x3FAE] =	sst s0;
	s0 =	simm.s32 @!p2 $0x0  }
0x16: {  	s3 =	sld [smem:$0x3FDB];
	s0 =	simm.s32 @p2 $0x1  }
0x17: {  	s4 =	simm.s32 $0x1BF5;
	[smem:$0x3FB0] =	sst s0  }
0x18: {  	s0 =	sld [smem:$0x3F93];
	_ =	swait.ge [sflag:s4], $0x0  }
0x19: {  	s7 =	sld [smem:$0x3F94]  }
0x1a: {  	s8 =	sadd.s32 $0xFFFFE003, lr  }
0x1b: {  	s9 =	sadd.s32 $0xFFFFFEF7, lr;
	s5 =	simm.s32 $0xFFFFFFFF;
	p2 =	slt.u32 s8, $0xFFFFF086  }
0x1c: {  	p1 =	slt.u32 s9, $0xF7A;
	s5 =	simm.s32 @!p2 $0x0  }
0x1d: {  	s5 =	simm.s32 @p1 $0x1;
	p0 =	seq.s32 s7, s2  }
0x1e: {  	s7 =	smul.u32 @!p0 $0xF7A, s2;
	p2 =	seq.s32 @!p0 s5, $0x0  }
0x1f: {  	s9 =	smul.u32 $0xF7A, s1;
	s8 =	simm.s32 @!p0 $0x1BF5;
	p2 =	por !p2, p0  }
0x20: {  	[sflag:s8] =	ssyncset.s32 @!p0 $0xFFFFF086;
	s6 =	sadd.s32 @!p0 s3, s7;
	s7 =	simm.s32 @!p0 $0x108  }
0x21: {  	s3 =	sadd.s32 s3, s9;
	s6 =	sadd.s32 @!p0 $0x88, s6;
	s7 =	simm.s32 @p2 $0x1082  }
0x22: {  	[simem:s7], [sflag:s8] =	dma.local @!p0 [hbm:s6], $0xF7A  }
0x23: {  	s9 =	sor.u32 $0xD0000000, s2;
	s6 =	simm.s32 $0x108;
	_ =	swait.ge @!p0 [sflag:s8], $0x0  }
0x24: {  	s3 =	sadd.s32 $0x88, s3;
	s6 =	simm.s32 @!p1 $0x1082;
	[sflag:s4] =	ssyncset.s32 $0xFFFFF086  }
0x25: {  	[simem:s6], [sflag:s4] =	dma.local [hbm:s3], $0xF7A  }
0x26: {  	[smem:$0x3F94] =	sst s1;
	(tag) =	ssettag s2;
	_ =	strace s9  }
0x27: {  	s1 =	sld [smem:$0x3FA4]  }
0x28: {  	s2 =	sld [smem:$0x3FA5]  }
0x29: {  	s4 =	sld [smem:$0x3FA7]  }
0x2a: {  	p0 =	seq.s32 s5, $0x0;
	s5 =	sld [smem:$0x3FA8]  }
0x2b: {  	s6 =	sld [smem:$0x3FA9]  }
0x2c: {  	s7 =	sld [smem:$0x3FAA]  }
0x2d: {  	s3 =	simm.s32 $0x108;
	s8 =	sld [smem:$0x3FAB]  }
0x2e: {  	s3 =	simm.s32 @!p0 $0x1082;
	s9 =	sld [smem:$0x3FAC]  }
0x2f: {  	lr =	sadd.s32 s0, s3;
	s0 =	sld [smem:$0x3FA3]  }
0x30: {  	s3 =	sld [smem:$0x3FA6]  }
0x31: {  	[smem:$0x3FAF] =	sst s10  }
0x32: {  	s10 =	sld [smem:$0x3FAD];
	_ =	sdelay $0x3  }
0x33: {  	p0 =	seq.s32 s10, $0x1;
	s10 =	sld [smem:$0x3FAF];
	_ =	sdelay $0x3  }
0x34: {  	[smem:$0x3FAF] =	sst s10  }
0x35: {  	s10 =	sld [smem:$0x3FAE];
	_ =	sdelay $0x3  }
0x36: {  	p1 =	seq.s32 s10, $0x1;
	s10 =	sld [smem:$0x3FAF];
	_ =	sdelay $0x3  }
0x37: {  	[smem:$0x3FAF] =	sst s10  }
0x38: {  	s10 =	sld [smem:$0x3FB0]  }
0x39: {  	_ = 	snop;
	(pc) =	sbr.ind lr, $3  }
0x3a: {  	_ = 	snop  }
0x3b: {  	_ = 	snop  }
0x3c: {  	p2 =	seq.s32 s10, $0x1;
	s10 =	sld [smem:$0x3FAF]  }
0x3d: {  	_ =	shalt  }
0x3e: {  	_ =	shalt  }
0x3f: {  	_ =	shalt  }
0x40: {  	_ =	shalt  }
0x41: {  	_ =	shalt  }
0x42: {  	_ =	shalt  }
0x43: {  	_ =	shalt  }
0x44: {  	_ =	shalt  }
0x45: {  	_ =	shalt  }
0x46: {  	_ =	shalt  }
0x47: {  	_ =	shalt  }
0x48: {  	_ =	shalt  }
0x49: {  	_ =	shalt  }
0x4a: {  	_ =	shalt  }
0x4b: {  	_ =	shalt  }
0x4c: {  	_ =	shalt  }
0x4d: {  	_ =	shalt  }
0x4e: {  	_ =	shalt  }
0x4f: {  	_ =	shalt  }
0x50: {  	_ =	shalt  }
0x51: {  	_ =	shalt  }
0x52: {  	_ =	shalt  }
0x53: {  	_ =	shalt  }
0x54: {  	_ =	shalt  }
0x55: {  	_ =	shalt  }
0x56: {  	_ =	shalt  }
0x57: {  	_ =	shalt  }
0x58: {  	_ =	shalt  }
0x59: {  	_ =	shalt  }
0x5a: {  	_ =	shalt  }
0x5b: {  	_ =	shalt  }
0x5c: {  	_ =	shalt  }
0x5d: {  	_ =	shalt  }
0x5e: {  	_ =	shalt  }
0x5f: {  	_ =	shalt  }
0x60: {  	_ =	shalt  }
0x61: {  	_ =	shalt  }
0x62: {  	_ =	shalt  }
0x63: {  	_ =	shalt  }
0x64: {  	_ =	shalt  }
0x65: {  	_ =	shalt  }
0x66: {  	_ =	shalt  }
0x67: {  	_ =	shalt  }
0x68: {  	_ =	shalt  }
0x69: {  	_ =	shalt  }
0x6a: {  	_ =	shalt  }
0x6b: {  	_ =	shalt  }
0x6c: {  	_ =	shalt  }
0x6d: {  	_ =	shalt  }
0x6e: {  	_ =	shalt  }
0x6f: {  	_ =	shalt  }
0x70: {  	_ =	shalt  }
0x71: {  	_ =	shalt  }
0x72: {  	_ =	shalt  }
0x73: {  	_ =	shalt  }
0x74: {  	_ =	shalt  }
0x75: {  	_ =	shalt  }
0x76: {  	_ =	shalt  }
0x77: {  	_ =	shalt  }
0x78: {  	_ =	shalt  }
0x79: {  	_ =	shalt  }
0x7a: {  	_ =	shalt  }
0x7b: {  	_ =	shalt  }
0x7c: {  	_ =	shalt  }
0x7d: {  	_ =	shalt  }
0x7e: {  	_ =	shalt  }
0x7f: {  	_ =	shalt  }
0x80: {  	_ =	shalt  }
0x81: {  	_ =	shalt  }
0x82: {  	_ =	shalt  }
0x83: {  	_ =	shalt  }
0x84: {  	_ =	shalt  }
0x85: {  	_ =	shalt  }
0x86: {  	_ =	shalt  }
0x87: {  	_ =	shalt  }
.Lfunc_end0:
.L_simem_size_0:
called_computation.1_lowered:
.L_overlay_start_0:
0x88: {  	s2 =	sld [smem:$0x3FD9]  }
0x89: {  	s3 =	sld [smem:$0x3FFE];
	_ =	sdelay $0x1  }
0x8a: {  	s1 =	srdreg.scid  }
0x8b: {  	s0 =	sand.u32 $0x1, s1  }
0x8c: {  	s17 =	sshll.u32 s0, $0xA;
	s2 =	sadd.s32 s3, s2  }
0x8d: {  	s2 =	sadd.s32 s2, s17  }
0x8e: {  	[smem:$0x3FBB] =	sst s2  }
0x8f: {  	_ = 	snop  }
0x90: {  	s2 =	sld [smem:$0x3FD0];
	(tm) =	ssettm $0x1  }
0x91: {  	s18 =	sld [smem:$0x3FFB];
	_ =	sdelay $0x3  }
0x92: {  	_ =	strace s18  }
0x93: {  	s3 =	sld [smem:$0x3FFC];
	_ =	sdelay $0x3  }
0x94: {  	_ =	strace s3  }
0x95: {  	s3 =	sld [smem:$0x3FFD];
	_ =	sdelay $0x3  }
0x96: {  	_ =	strace s3  }
0x97: {  	_ =	strace $0x8FFFFFFF  }
0x98: {  	s19 =	sld [smem:$0x3FDB];
	_ =	sdelay $0x1  }
0x99: {  	s4 =	simm.s32 $_scs_section_size  }
0x9a: {  	s5 =	simm.s32 $_size__tile_overlayer_lowered;
	s6 =	simm.s32 $_tile_overlayer_lowered  }
0x9b: {  	s22 =	simm.s32 $0x1BFF;
	s21 =	sshll.u32 s6, $0x1;
	s3 =	sadd.s32 s4, s19  }
0x9c: {  	s7 =	simm.s32 $0x0;
	s20 =	sshll.u32 s5, $0x1;
	s5 =	sadd.s32 s21, s3  }
0x9d: {  	[timem:s7], [sflag:s22] =	dma.local [hbm:s5], s20  }
0x9e: {  	_ =	swait.ge [sflag:s22], s20  }
0x9f: {  	s4 =	ssub.s32 $0x0, s20;
	[sflag:s22] =	ssyncset.done $0x0  }
0xa0: {  	[sflag:s22] =	ssyncadd.s32 s4;
	_ =	sdelay $0x1  }
0xa1: {  	s23 =	simm.s32 $0x1B8B  }
0xa2: {  	_ =	swait.ge [sflag:s23], $0x1  }
0xa3: {  	[sflag:s23] =	ssyncset.done $0x0  }
0xa4: {  	s25 =	simm.s32 $0x1B8E;
	s24 =	sld [smem:$0x3FFE];
	[sflag:s23] =	ssyncadd.s32 $0xFFFFFFFF  }
0xa5: {  	s26 =	simm.s32 $execute0_lowered;
	[smem:$0x3FD2] =	sst s25  }
0xa6: {  	s5 =	sshll.u32 s26, $0x1;
	_ =	strace $0x80000049;
	[dreg:$0x1] =	wrdreg $0xFFFFFFFF  }
0xa7: {  	s28 =	simm.s32 $_size_execute0_lowered;
	s3 =	sadd.s32 s3, s5;
	[dreg:$0x0] =	wrdreg $0x0  }
0xa8: {  	s5 =	sshll.u32 s28, $0x1;
	[dreg:$0x2] =	wrdreg s3  }
0xa9: {  	[dreg:$0x3] =	wrdreg s5  }
0xaa: {  	[dreg:$0x4] =	wrdreg $0xC0  }
0xab: {  	_ =	task [dreg:s7], $0x5FFFF  }
0xac: {  	[dreg:$0x1] =	wrdreg $0xFFFFFFFF  }
0xad: {  	[dreg:$0x0] =	wrdreg $0x60  }
0xae: {  	[dreg:$0x2] =	wrdreg s2  }
0xaf: {  	[dreg:$0x3] =	wrdreg s24  }
0xb0: {  	[dreg:$0x4] =	wrdreg $0x81800  }
0xb1: {  	[dreg:$0x5] =	wrdreg $0x9  }
0xb2: {  	_ =	task.clear_ibuf [dreg:s7], $0x6FFFF;
	_ =	strace $0x90000049  }
0xb3: {  	s29 =	simm.s32 $0x9;
	_ =	strace $0x8000004B  }
0xb4: {  	_ =	swait.ge [sflag:s29], $0x1  }
0xb5: {  	[sflag:s29] =	ssyncadd.s32 $0xFFFFFFFF  }
0xb6: {  	_ =	strace $0x9000004B  }
0xb7: {  	_ =	sfence  }
0xb8: {  	s30 =	sld [smem:$0x0];
	_ =	sdelay $0x2  }
0xb9: {  	s31 =	sshll.u32 s1, $0xD;
	s1 =	sshrl.u32 s1, $0x2  }
0xba: {  	s3 =	sand.u32 $0x4000, s31;
	s1 =	sadd.s32 s1, s30  }
0xbb: {  	s0 =	sor.u32 s3, s0;
	s1 =	sshll.u32 s1, $0x11  }
0xbc: {  	s0 =	sor.u32 s1, s0  }
0xbd: {  	s0 =	sadd.s32 $0x8F2B, s0  }
0xbe: {  	[sflag:s0] =	ssyncadd.remote.s32 $0x1  }
0xbf: {  	_ =	sfence.sel $0xFFFF  }
0xc0: {  	[dreg:$0x0] =	wrdreg $0xFFFFFFFF;
	(pc) =	sbr.abs _section_cstart, $3  }
0xc1: {  	[dreg:$0x1] =	wrdreg $0xFFFFFFFF  }
0xc2: {  	_ =	task.clear_ibuf [dreg:s7], $0x2FFFF;
	_ =	strace $0x9FFFFFFF  }
0xc3: {  	(tm) =	ssettm $0x7FFFFFFF  }
tec
execute0_lowered:
.L_overlay_start_1:
0x0: {  	(tag) =	ssettag $0x1  }
0x1: {  	s1 =	rddreg [dreg:$0x0]  }
0x2: {  	s9 =	rddreg [dreg:$0x1]  }
0x3: {  	s2 =	rddreg [dreg:$0x2]  }
0x4: {  	s3 =	srdreg.scid;
	s0 =	rddreg [dreg:$0x3]  }
0x5: {  	s4 =	simm.s32 $0x0;
	s17 =	simm.s32 $0x4180;
	s18 =	simm.s32 $0x3  }
0x6: {  	s19 =	simm.s32 $0x100;
	s20 =	simm.s32 $0x80;
	s21 =	simm.s32 $0x180  }
0x7: {  	s22 =	simm.s32 $0x1;
	s23 =	simm.s32 $0x2;
	s10 =	sand.u32 $0x1, s3  }
0x8: {  	s3 =	stileid.u32;
	[smem:$0x7FF] =	sst s4;
	s5 =	sadd.s32 $0xF600, s9  }
0x9: {  	s6 =	sadd.s32 $0x19400, s9;
	s7 =	sadd.s32 $0x5800, s9;
	s8 =	smul.u32 $0x140000, s10  }
0xa: {  	s11 =	smul.u32 $0x14000, s3;
	_ =	strace $0x8000004A;
	s13 =	ssub.s32 $0x2, s10  }
0xb: {  	s12 =	smul.u32 $0x50000, s3;
	s31 =	sshll.u32 s3, $0x1;
	s29 =	sshrl.u32 s13, $0x1  }
0xc: {  	s14 =	sor.u32 s10, s31;
	s11 =	sadd.s32 s11, s8;
	s8 =	sadd.s32 $0x4800, s9  }
0xd: {  	s30 =	sshrl.u32 s12, $0x2;
	s16 =	ssub.s32 s13, s29;
	s11 =	sshrl.u32 s11, $0x3  }
0xe: {  	s14 =	smul.u32 $0x4F, s14;
	s15 =	sadd.s32 s11, s9;
	s9 =	sadd.s32 s30, s2  }
0xf: {  	s16 =	smax.u32 s16, $0x1;
	s10 =	sadd.s32 $0x4000, s9;
	s11 =	sadd.s32 $0x8000, s9  }
0x10: {  	v0 =	vimm.f32 $0.0e+00;
	s12 =	sadd.s32 $0xC000, s9;
	s13 =	sadd.s32 $0x10000, s9;
	s15 =	sadd.s32 $0x23200, s15  }
.LBB2_1:
0x11: {  	s24 =	simm.s32 $0x0;
	s25 =	simm.s32 $0x200  }
.LBB2_2:
0x12: {  	p0 =	sne.s32 s25, $0xFE00;
	[tilespmem:s24+$0x41F0] =	vst v0  }
0x13: {  	[tilespmem:s24+$0x4180] =	vst v0  }
0x14: {  	[tilespmem:s24+$0x4190] =	vst v0  }
.Ltmp0:
0x15: {  	[tilespmem:s24+$0x41A0] =	vst v0;
	(pc) =	sbr.rel @p0 .LBB2_2-.Ltmp0, $4  }
0x16: {  	[tilespmem:s24+$0x41B0] =	vst v0  }
0x17: {  	[tilespmem:s24+$0x41C0] =	vst v0  }
0x18: {  	[tilespmem:s24+$0x41D0] =	vst v0  }
0x19: {  	[tilespmem:s24+$0x41E0] =	vst v0;
	s24 =	sshra.s32 s25, $0x2;
	s25 =	sadd.s32 $0x200, s25  }
0x1a: {  	[tilespmem:s24+$0x41F0] =	vst v0  }
0x1b: {  	[tilespmem:s24+$0x4180] =	vst v0  }
0x1c: {  	[tilespmem:s24+$0x4190] =	vst v0  }
0x1d: {  	[tilespmem:s24+$0x41A0] =	vst v0  }
0x1e: {  	[tilespmem:s24+$0x41B0] =	vst v0  }
0x1f: {  	[tilespmem:s24+$0x41C0] =	vst v0  }
0x20: {  	[tilespmem:s24+$0x41D0] =	vst v0  }
0x21: {  	[tilespmem:s24+$0x41E0] =	vst v0  }
0x22: {  	[spmem:s9] =	stream.linear.scatter [tilespmem:s17], [sflag:$0x3], $0x4000, $0x38;
	[tilespmem:$0x1C180] =	vst v63  }
0x23: {  	_ =	swait.ge [sflag:s18], $0x4000  }
0x24: {  	[sflag:s18] =	ssyncset.done $0x0  }
0x25: {  	[sflag:s18] =	ssyncadd.s32 $0xFFFFC000  }
0x26: {  	[spmem:s10] =	stream.linear.scatter [tilespmem:s17], [sflag:$0x3], $0x4000, $0x38;
	[tilespmem:$0x1C180] =	vst v63  }
0x27: {  	_ =	swait.ge [sflag:s18], $0x4000  }
0x28: {  	[sflag:s18] =	ssyncset.done $0x0  }
0x29: {  	[sflag:s18] =	ssyncadd.s32 $0xFFFFC000  }
0x2a: {  	[spmem:s11] =	stream.linear.scatter [tilespmem:s17], [sflag:$0x3], $0x4000, $0x38;
	[tilespmem:$0x1C180] =	vst v63  }
0x2b: {  	_ =	swait.ge [sflag:s18], $0x4000  }
0x2c: {  	[sflag:s18] =	ssyncset.done $0x0  }
0x2d: {  	[sflag:s18] =	ssyncadd.s32 $0xFFFFC000  }
0x2e: {  	[spmem:s12] =	stream.linear.scatter [tilespmem:s17], [sflag:$0x3], $0x4000, $0x38;
	[tilespmem:$0x1C180] =	vst v63  }
0x2f: {  	_ =	swait.ge [sflag:s18], $0x4000  }
0x30: {  	[sflag:s18] =	ssyncset.done $0x0  }
0x31: {  	[sflag:s18] =	ssyncadd.s32 $0xFFFFC000  }
0x32: {  	[spmem:s13] =	stream.linear.scatter [tilespmem:s17], [sflag:$0x3], $0x4000, $0x38;
	[tilespmem:$0x1C180] =	vst v63  }
0x33: {  	_ =	swait.ge [sflag:s18], $0x4000  }
0x34: {  	[sflag:s18] =	ssyncset.done $0x0  }
0x35: {  	[sflag:s18] =	ssyncadd.s32 $0xFFFFC000  }
0x36: {  	s24 =	simm.s32 $0x0;
	s25 =	simm.s32 $0x0;
	[bflag:$0x0] =	sbarrier.arrive $0xFFFF  }
.LBB2_4:
0x37: {  	s26 =	sadd.s32 s14, s25  }
0x38: {  	s26 =	sshll.u32 s26, $0x4  }
0x39: {  	s28 =	sadd.s32 s5, s26  }
0x3a: {  	[tilespmem:s24], [sflag:$0x3] =	stream.linear.gather [hbm4b:s28+s24], $0x80, $0x38;
	[tilespmem:$0x1C180] =	vst v63  }
0x3b: {  	_ =	swait.ge [sflag:s18], $0x80  }
0x3c: {  	[sflag:s18] =	ssyncset.done $0x0  }
0x3d: {  	s28 =	sadd.s32 s7, s26;
	[sflag:s18] =	ssyncadd.s32 $0xFFFFFF80  }
0x3e: {  	[tilespmem:s19], [sflag:$0x3] =	stream.linear.gather [hbm4b:s28+s24], $0x80, $0x38;
	[tilespmem:$0x1C180] =	vst v63  }
0x3f: {  	_ =	swait.ge [sflag:s18], $0x80  }
0x40: {  	[sflag:s18] =	ssyncset.done $0x0  }
0x41: {  	s26 =	sadd.s32 s6, s26;
	[sflag:s18] =	ssyncadd.s32 $0xFFFFFF80  }
0x42: {  	[tilespmem:s20], [sflag:$0x3] =	stream.linear.gather [hbm4b:s26+s24], $0x80, $0x38;
	[tilespmem:$0x1C180] =	vst v63  }
0x43: {  	_ =	swait.ge [sflag:s18], $0x80  }
0x44: {  	[sflag:s18] =	ssyncset.done $0x0  }
0x45: {  	[sflag:s18] =	ssyncadd.s32 $0xFFFFFF80  }
0x46: {  	[tilespmem:s21], [sflag:$0x1] =	stream.indirect.gather [hbm4b:s1+s20], $0x80, s24, s20, $0xb8;
	[tilespmem:$0x1C180] =	vst v63  }
0x47: {  	_ = 	snop  }
0x48: {  	[tilespmem:s17], [sflag:$0x2] =	stream.indirect.gather [hbm4b:s8+s20], $0x80, s19, s20, $0xb8;
	[tilespmem:$0x1C180] =	vst v63  }
0x49: {  	_ =	swait.ge [sflag:s22], $0x4000  }
0x4a: {  	[sflag:s22] =	ssyncset.done $0x0  }
0x4b: {  	[sflag:s22] =	ssyncadd.s32 $0xFFFFC000  }
0x4c: {  	_ =	swait.ge [sflag:s23], $0x4000  }
0x4d: {  	[sflag:s23] =	ssyncset.done $0x0  }
0x4e: {  	s26 =	simm.s32 $0x0;
	[sflag:s23] =	ssyncadd.s32 $0xFFFFC000  }
0x4f: {  	v7 =	vld [tilespmem:s26+$0x4180]  }
0x50: {  	v12 =	vld [tilespmem:s26+$0x4190]  }
0x51: {  	v6 =	vld [tilespmem:s26+$0x41A0]  }
0x52: {  	v5 =	vld [tilespmem:s26+$0x41B0]  }
0x53: {  	v4 =	vld [tilespmem:s26+$0x41C0]  }
0x54: {  	v3 =	vld [tilespmem:s26+$0x41D0]  }
0x55: {  	v2 =	vld [tilespmem:s26+$0x41E0]  }
0x56: {  	v1 =	vld [tilespmem:s26+$0x41F0]  }
0x57: {  	v13 =	vld [tilespmem:s26+$0x180]  }
0x58: {  	v14 =	vld [tilespmem:s26+$0x190]  }
0x59: {  	v11 =	vld [tilespmem:s26+$0x1A0]  }
0x5a: {  	v10 =	vld [tilespmem:s26+$0x1B0]  }
0x5b: {  	v9 =	vld [tilespmem:s26+$0x1C0]  }
0x5c: {  	v8 =	vld [tilespmem:s26+$0x1D0];
	v13 =	vadd.f32 v7, v13  }
0x5d: {  	s28 =	simm.s32 $0x200;
	v12 =	vadd.f32 v12, v14;
	v7 =	vld [tilespmem:s26+$0x1E0]  }
.LBB2_5:
0x5e: {  	s29 =	sshra.s32 s28, $0x2;
	p0 =	sne.s32 s28, $0xFE00;
	v13 =	vmax.f32 v13, $0.0e+00;
	v6 =	vadd.f32 v6, v11;
	v11 =	vld [tilespmem:s26+$0x1F0]  }
0x5f: {  	v14 =	vld [tilespmem:s29+$0x4180];
	[tilespmem:s26+$0x180] =	vst v13;
	v12 =	vmax.f32 v12, $0.0e+00;
	v5 =	vadd.f32 v5, v10  }
0x60: {  	v15 =	vld [tilespmem:s29+$0x4190];
	[tilespmem:s26+$0x190] =	vst v12;
	v10 =	vmax.f32 v6, $0.0e+00;
	v4 =	vadd.f32 v4, v9  }
0x61: {  	v6 =	vld [tilespmem:s29+$0x41A0];
	[tilespmem:s26+$0x1A0] =	vst v10;
	v9 =	vmax.f32 v5, $0.0e+00;
	v3 =	vadd.f32 v3, v8  }
0x62: {  	v5 =	vld [tilespmem:s29+$0x41B0];
	[tilespmem:s26+$0x1B0] =	vst v9;
	v8 =	vmax.f32 v4, $0.0e+00;
	v2 =	vadd.f32 v2, v7  }
0x63: {  	v4 =	vld [tilespmem:s29+$0x41C0];
	[tilespmem:s26+$0x1C0] =	vst v8;
	v7 =	vmax.f32 v3, $0.0e+00;
	v1 =	vadd.f32 v1, v11  }
0x64: {  	v3 =	vld [tilespmem:s29+$0x41D0];
	[tilespmem:s26+$0x1D0] =	vst v7;
	v7 =	vmax.f32 v2, $0.0e+00  }
0x65: {  	v2 =	vld [tilespmem:s29+$0x41E0];
	[tilespmem:s26+$0x1E0] =	vst v7;
	v7 =	vmax.f32 v1, $0.0e+00  }
0x66: {  	v1 =	vld [tilespmem:s29+$0x41F0];
	[tilespmem:s26+$0x1F0] =	vst v7;
	s26 =	smov.u32 s29  }
0x67: {  	v7 =	vld [tilespmem:s26+$0x180]  }
0x68: {  	v12 =	vld [tilespmem:s26+$0x190]  }
.Ltmp1:
0x69: {  	v11 =	vld [tilespmem:s26+$0x1A0];
	(pc) =	sbr.rel @p0 .LBB2_5-.Ltmp1, $4  }
0x6a: {  	v10 =	vld [tilespmem:s26+$0x1B0]  }
0x6b: {  	v9 =	vld [tilespmem:s26+$0x1C0]  }
0x6c: {  	v13 =	vadd.f32 v14, v7;
	v8 =	vld [tilespmem:s26+$0x1D0]  }
0x6d: {  	s28 =	sadd.s32 $0x200, s28;
	v12 =	vadd.f32 v15, v12;
	v7 =	vld [tilespmem:s26+$0x1E0]  }
0x6e: {  	v13 =	vmax.f32 v13, $0.0e+00;
	v6 =	vadd.f32 v6, v11;
	v63 =	vld [tilespmem:s26+$0x1F0]  }
0x6f: {  	[tilespmem:s26+$0x180] =	vst v13;
	v12 =	vmax.f32 v12, $0.0e+00;
	v5 =	vadd.f32 v5, v10  }
0x70: {  	[tilespmem:s26+$0x190] =	vst v12;
	v6 =	vmax.f32 v6, $0.0e+00;
	v4 =	vadd.f32 v4, v9  }
0x71: {  	[tilespmem:s26+$0x1A0] =	vst v6;
	v5 =	vmax.f32 v5, $0.0e+00;
	v3 =	vadd.f32 v3, v8  }
0x72: {  	[tilespmem:s26+$0x1B0] =	vst v5;
	v4 =	vmax.f32 v4, $0.0e+00;
	v2 =	vadd.f32 v2, v7  }
0x73: {  	[tilespmem:s26+$0x1C0] =	vst v4;
	v3 =	vmax.f32 v3, $0.0e+00;
	v1 =	vadd.f32 v1, v63  }
0x74: {  	s25 =	sadd.s32 $0x1, s25;
	[tilespmem:s26+$0x1D0] =	vst v3;
	v2 =	vmax.f32 v2, $0.0e+00  }
0x75: {  	p0 =	sne.s32 s25, $0x4F;
	[tilespmem:s26+$0x1E0] =	vst v2;
	v1 =	vmax.f32 v1, $0.0e+00  }
.Ltmp2:
0x76: {  	[tilespmem:s26+$0x1F0] =	vst v1;
	(pc) =	sbr.rel @p0 .LBB2_4-.Ltmp2, $4  }
0x77: {  	[spmem:s2] =	stream.indirect.scatter.add.f32 [tilespmem:s21], [sflag:$0x3], $0x80, s20, s20, $0xb8;
	[tilespmem:$0x1C180] =	vst v63  }
0x78: {  	_ =	swait.ge [sflag:s18], $0x4000  }
0x79: {  	[sflag:s18] =	ssyncset.done $0x0  }
0x7a: {  	[sflag:s18] =	ssyncadd.s32 $0xFFFFC000  }
0x7b: {  	s4 =	sadd.s32 $0x1, s4  }
0x7c: {  	s24 =	sshll.u32 s3, $0x6;
	[bflag:$0x0] =	sbarrier.arrive $0xFFFF;
	p0 =	sne.s32 s4, s16  }
.Ltmp3:
0x7d: {  	s25 =	sshrl.u32 s9, $0x3;
	s24 =	sor.u32 $0x1C03, s24;
	(pc) =	sbr.rel @p0 .LBB2_1-.Ltmp3, $4  }
0x7e: {  	[hbm:s15], [sflag:s24] =	dma.local [spmem:s25], $0x2800  }
0x7f: {  	_ =	swait.ge [sflag:s18], $0x2800  }
0x80: {  	[sflag:s18] =	ssyncset.done $0x0  }
0x81: {  	[sflag:s18] =	ssyncadd.s32 $0xFFFFD800  }
0x82: {  	_ =	sfence.sel $0x180000  }
0x83: {  	[bflag:$0x0] =	sbarrier.arrive $0xFFFF  }
0x84: {  	p0 =	sne.s32 s3, $0x0;
	_ =	strace $0x9000004A  }
0x85: {  	s0 =	sadd.s32 @!p0 $0x100000, s0;
	[bflag:$0x2] =	sbarrier.arrive $0xFFFF  }
0x86: {  	[sflag:s0] =	ssyncadd.tile.s32 @!p0 $0x1;
	_ =	shalt  }
.Lfunc_end2:
_tile_overlayer_lowered:
.L_overlay_start_2:
0x87: {  	(tag) =	ssettag $0x2  }
0x88: {  	s0 =	rddreg [dreg:$0x0];
	s2 =	stileid.u32  }
0x89: {  	s1 =	rddreg [dreg:$0x1];
	p0 =	sne.s32 s2, $0x0  }
0x8a: {  	s3 =	rddreg [dreg:$0x2];
	[bflag:$0x3] =	sbarrier.arrive $0xFFFF;
	s2 =	simm.s32 @!p0 $0x1C03  }
0x8b: {  	[timem:s3], [sflag:s2] =	dma.local @!p0 [hbm:s0], s1  }
0x8c: {  	s0 =	simm.s32 @!p0 $0x3  }
0x8d: {  	_ =	swait.ge @!p0 [sflag:s0], s1  }
0x8e: {  	s1 =	ssub.s32 @!p0 $0x0, s1;
	[sflag:s0] =	ssyncset.done @!p0 $0x0  }
0x8f: {  	[sflag:s0] =	ssyncadd.s32 @!p0 s1  }
0x90: {  	[bflag:$0x3] =	sbarrier.arrive $0xFFFF  }
0x91: {  	_ =	shalt  }

// kernel: kernel.14.cloned.1.call-start
scs
__scs_entry_jumppad:
0x0: {  	(pc) =	sbr.rel $0x88, $3  }
0x1: {  	(tag) =	ssettag $0x0;
	lr =	simm.s32 $0x1  }
0x2: {  	[smem:$0x3F94] =	sst lr;
	_ =	strace $0xD0000000  }
0x3: {  	_ = 	snop  }
0x4: {  	_ = 	snop  }
0x5: {  	_ = 	snop  }
0x6: {  	_ = 	snop  }
0x7: {  	_ = 	snop  }
__scs_overlays_trampoline_lowered:
0x8: {  	[smem:$0x3FA3] =	sst s0  }
0x9: {  	[smem:$0x3FA4] =	sst s1  }
0xa: {  	[smem:$0x3FA5] =	sst s2  }
0xb: {  	[smem:$0x3FA6] =	sst s3  }
0xc: {  	[smem:$0x3FA7] =	sst s4  }
0xd: {  	[smem:$0x3FA8] =	sst s5  }
0xe: {  	[smem:$0x3FA9] =	sst s6  }
0xf: {  	[smem:$0x3FAA] =	sst s7  }
0x10: {  	[smem:$0x3FAB] =	sst s8  }
0x11: {  	[smem:$0x3FAC] =	sst s9;
	s0 =	simm.s32 @!p0 $0x0  }
0x12: {  	s1 =	sld [smem:$0x3F92];
	s0 =	simm.s32 @p0 $0x1  }
0x13: {  	[smem:$0x3FAD] =	sst s0;
	s0 =	simm.s32 @!p1 $0x0  }
0x14: {  	s2 =	sld [smem:$0x3F91];
	s0 =	simm.s32 @p1 $0x1  }
0x15: {  	[smem:$0x3FAE] =	sst s0;
	s0 =	simm.s32 @!p2 $0x0  }
0x16: {  	s3 =	sld [smem:$0x3FDB];
	s0 =	simm.s32 @p2 $0x1  }
0x17: {  	s4 =	simm.s32 $0x1BF5;
	[smem:$0x3FB0] =	sst s0  }
0x18: {  	s0 =	sld [smem:$0x3F93];
	_ =	swait.ge [sflag:s4], $0x0  }
0x19: {  	s7 =	sld [smem:$0x3F94]  }
0x1a: {  	s8 =	sadd.s32 $0xFFFFE003, lr  }
0x1b: {  	s9 =	sadd.s32 $0xFFFFFEF7, lr;
	s5 =	simm.s32 $0xFFFFFFFF;
	p2 =	slt.u32 s8, $0xFFFFF086  }
0x1c: {  	p1 =	slt.u32 s9, $0xF7A;
	s5 =	simm.s32 @!p2 $0x0  }
0x1d: {  	s5 =	simm.s32 @p1 $0x1;
	p0 =	seq.s32 s7, s2  }
0x1e: {  	s7 =	smul.u32 @!p0 $0xF7A, s2;
	p2 =	seq.s32 @!p0 s5, $0x0  }
0x1f: {  	s9 =	smul.u32 $0xF7A, s1;
	s8 =	simm.s32 @!p0 $0x1BF5;
	p2 =	por !p2, p0  }
0x20: {  	[sflag:s8] =	ssyncset.s32 @!p0 $0xFFFFF086;
	s6 =	sadd.s32 @!p0 s3, s7;
	s7 =	simm.s32 @!p0 $0x108  }
0x21: {  	s3 =	sadd.s32 s3, s9;
	s6 =	sadd.s32 @!p0 $0x88, s6;
	s7 =	simm.s32 @p2 $0x1082  }
0x22: {  	[simem:s7], [sflag:s8] =	dma.local @!p0 [hbm:s6], $0xF7A  }
0x23: {  	s9 =	sor.u32 $0xD0000000, s2;
	s6 =	simm.s32 $0x108;
	_ =	swait.ge @!p0 [sflag:s8], $0x0  }
0x24: {  	s3 =	sadd.s32 $0x88, s3;
	s6 =	simm.s32 @!p1 $0x1082;
	[sflag:s4] =	ssyncset.s32 $0xFFFFF086  }
0x25: {  	[simem:s6], [sflag:s4] =	dma.local [hbm:s3], $0xF7A  }
0x26: {  	[smem:$0x3F94] =	sst s1;
	(tag) =	ssettag s2;
	_ =	strace s9  }
0x27: {  	s1 =	sld [smem:$0x3FA4]  }
0x28: {  	s2 =	sld [smem:$0x3FA5]  }
0x29: {  	s4 =	sld [smem:$0x3FA7]  }
0x2a: {  	p0 =	seq.s32 s5, $0x0;
	s5 =	sld [smem:$0x3FA8]  }
0x2b: {  	s6 =	sld [smem:$0x3FA9]  }
0x2c: {  	s7 =	sld [smem:$0x3FAA]  }
0x2d: {  	s3 =	simm.s32 $0x108;
	s8 =	sld [smem:$0x3FAB]  }
0x2e: {  	s3 =	simm.s32 @!p0 $0x1082;
	s9 =	sld [smem:$0x3FAC]  }
0x2f: {  	lr =	sadd.s32 s0, s3;
	s0 =	sld [smem:$0x3FA3]  }
0x30: {  	s3 =	sld [smem:$0x3FA6]  }
0x31: {  	[smem:$0x3FAF] =	sst s10  }
0x32: {  	s10 =	sld [smem:$0x3FAD];
	_ =	sdelay $0x3  }
0x33: {  	p0 =	seq.s32 s10, $0x1;
	s10 =	sld [smem:$0x3FAF];
	_ =	sdelay $0x3  }
0x34: {  	[smem:$0x3FAF] =	sst s10  }
0x35: {  	s10 =	sld [smem:$0x3FAE];
	_ =	sdelay $0x3  }
0x36: {  	p1 =	seq.s32 s10, $0x1;
	s10 =	sld [smem:$0x3FAF];
	_ =	sdelay $0x3  }
0x37: {  	[smem:$0x3FAF] =	sst s10  }
0x38: {  	s10 =	sld [smem:$0x3FB0]  }
0x39: {  	_ = 	snop;
	(pc) =	sbr.ind lr, $3  }
0x3a: {  	_ = 	snop  }
0x3b: {  	_ = 	snop  }
0x3c: {  	p2 =	seq.s32 s10, $0x1;
	s10 =	sld [smem:$0x3FAF]  }
0x3d: {  	_ =	shalt  }
0x3e: {  	_ =	shalt  }
0x3f: {  	_ =	shalt  }
0x40: {  	_ =	shalt  }
0x41: {  	_ =	shalt  }
0x42: {  	_ =	shalt  }
0x43: {  	_ =	shalt  }
0x44: {  	_ =	shalt  }
0x45: {  	_ =	shalt  }
0x46: {  	_ =	shalt  }
0x47: {  	_ =	shalt  }
0x48: {  	_ =	shalt  }
0x49: {  	_ =	shalt  }
0x4a: {  	_ =	shalt  }
0x4b: {  	_ =	shalt  }
0x4c: {  	_ =	shalt  }
0x4d: {  	_ =	shalt  }
0x4e: {  	_ =	shalt  }
0x4f: {  	_ =	shalt  }
0x50: {  	_ =	shalt  }
0x51: {  	_ =	shalt  }
0x52: {  	_ =	shalt  }
0x53: {  	_ =	shalt  }
0x54: {  	_ =	shalt  }
0x55: {  	_ =	shalt  }
0x56: {  	_ =	shalt  }
0x57: {  	_ =	shalt  }
0x58: {  	_ =	shalt  }
0x59: {  	_ =	shalt  }
0x5a: {  	_ =	shalt  }
0x5b: {  	_ =	shalt  }
0x5c: {  	_ =	shalt  }
0x5d: {  	_ =	shalt  }
0x5e: {  	_ =	shalt  }
0x5f: {  	_ =	shalt  }
0x60: {  	_ =	shalt  }
0x61: {  	_ =	shalt  }
0x62: {  	_ =	shalt  }
0x63: {  	_ =	shalt  }
0x64: {  	_ =	shalt  }
0x65: {  	_ =	shalt  }
0x66: {  	_ =	shalt  }
0x67: {  	_ =	shalt  }
0x68: {  	_ =	shalt  }
0x69: {  	_ =	shalt  }
0x6a: {  	_ =	shalt  }
0x6b: {  	_ =	shalt  }
0x6c: {  	_ =	shalt  }
0x6d: {  	_ =	shalt  }
0x6e: {  	_ =	shalt  }
0x6f: {  	_ =	shalt  }
0x70: {  	_ =	shalt  }
0x71: {  	_ =	shalt  }
0x72: {  	_ =	shalt  }
0x73: {  	_ =	shalt  }
0x74: {  	_ =	shalt  }
0x75: {  	_ =	shalt  }
0x76: {  	_ =	shalt  }
0x77: {  	_ =	shalt  }
0x78: {  	_ =	shalt  }
0x79: {  	_ =	shalt  }
0x7a: {  	_ =	shalt  }
0x7b: {  	_ =	shalt  }
0x7c: {  	_ =	shalt  }
0x7d: {  	_ =	shalt  }
0x7e: {  	_ =	shalt  }
0x7f: {  	_ =	shalt  }
0x80: {  	_ =	shalt  }
0x81: {  	_ =	shalt  }
0x82: {  	_ =	shalt  }
0x83: {  	_ =	shalt  }
0x84: {  	_ =	shalt  }
0x85: {  	_ =	shalt  }
0x86: {  	_ =	shalt  }
0x87: {  	_ =	shalt  }
.Lfunc_end0:
.L_simem_size_0:
called_computation.2_lowered:
.L_overlay_start_0:
0x88: {  	s2 =	sld [smem:$0x3FD9]  }
0x89: {  	s3 =	sld [smem:$0x3FFE];
	_ =	sdelay $0x1  }
0x8a: {  	s1 =	srdreg.scid  }
0x8b: {  	s0 =	sand.u32 $0x1, s1  }
0x8c: {  	s17 =	sshll.u32 s0, $0xA;
	s2 =	sadd.s32 s3, s2  }
0x8d: {  	s2 =	sadd.s32 s2, s17  }
0x8e: {  	[smem:$0x3FBB] =	sst s2  }
0x8f: {  	_ = 	snop  }
0x90: {  	s2 =	sld [smem:$0x3FD0];
	(tm) =	ssettm $0x1  }
0x91: {  	s18 =	sld [smem:$0x3FFB];
	_ =	sdelay $0x3  }
0x92: {  	_ =	strace s18  }
0x93: {  	s3 =	sld [smem:$0x3FFC];
	_ =	sdelay $0x3  }
0x94: {  	_ =	strace s3  }
0x95: {  	s3 =	sld [smem:$0x3FFD];
	_ =	sdelay $0x3  }
0x96: {  	_ =	strace s3  }
0x97: {  	_ =	strace $0x8FFFFFFF  }
0x98: {  	s19 =	sld [smem:$0x3FDB];
	_ =	sdelay $0x1  }
0x99: {  	s4 =	simm.s32 $_scs_section_size  }
0x9a: {  	s5 =	simm.s32 $_size__tile_overlayer_lowered;
	s6 =	simm.s32 $_tile_overlayer_lowered  }
0x9b: {  	s22 =	simm.s32 $0x1BFF;
	s21 =	sshll.u32 s6, $0x1;
	s3 =	sadd.s32 s4, s19  }
0x9c: {  	s7 =	simm.s32 $0x0;
	s20 =	sshll.u32 s5, $0x1;
	s5 =	sadd.s32 s21, s3  }
0x9d: {  	[timem:s7], [sflag:s22] =	dma.local [hbm:s5], s20  }
0x9e: {  	_ =	swait.ge [sflag:s22], s20  }
0x9f: {  	s4 =	ssub.s32 $0x0, s20;
	[sflag:s22] =	ssyncset.done $0x0  }
0xa0: {  	[sflag:s22] =	ssyncadd.s32 s4;
	_ =	sdelay $0x1  }
0xa1: {  	s23 =	simm.s32 $0x1B8B  }
0xa2: {  	_ =	swait.ge [sflag:s23], $0x1  }
0xa3: {  	[sflag:s23] =	ssyncset.done $0x0  }
0xa4: {  	s25 =	simm.s32 $0x1B8E;
	s24 =	sld [smem:$0x3FFE];
	[sflag:s23] =	ssyncadd.s32 $0xFFFFFFFF  }
0xa5: {  	s26 =	simm.s32 $execute0_lowered;
	[smem:$0x3FD2] =	sst s25  }
0xa6: {  	s5 =	sshll.u32 s26, $0x1;
	_ =	strace $0x8000004C;
	[dreg:$0x1] =	wrdreg $0xFFFFFFFF  }
0xa7: {  	s28 =	simm.s32 $_size_execute0_lowered;
	s3 =	sadd.s32 s3, s5;
	[dreg:$0x0] =	wrdreg $0x0  }
0xa8: {  	s5 =	sshll.u32 s28, $0x1;
	[dreg:$0x2] =	wrdreg s3  }
0xa9: {  	[dreg:$0x3] =	wrdreg s5  }
0xaa: {  	[dreg:$0x4] =	wrdreg $0xC0  }
0xab: {  	_ =	task [dreg:s7], $0x5FFFF  }
0xac: {  	[dreg:$0x1] =	wrdreg $0xFFFFFFFF  }
0xad: {  	[dreg:$0x0] =	wrdreg $0x60  }
0xae: {  	[dreg:$0x2] =	wrdreg s2  }
0xaf: {  	[dreg:$0x3] =	wrdreg s24  }
0xb0: {  	[dreg:$0x4] =	wrdreg $0x81800  }
0xb1: {  	[dreg:$0x5] =	wrdreg $0x9  }
0xb2: {  	_ =	task.clear_ibuf [dreg:s7], $0x6FFFF;
	_ =	strace $0x9000004C  }
0xb3: {  	s29 =	simm.s32 $0x9;
	_ =	strace $0x8000004E  }
0xb4: {  	_ =	swait.ge [sflag:s29], $0x1  }
0xb5: {  	[sflag:s29] =	ssyncadd.s32 $0xFFFFFFFF  }
0xb6: {  	_ =	strace $0x9000004E  }
0xb7: {  	_ =	sfence  }
0xb8: {  	s30 =	sld [smem:$0x0];
	_ =	sdelay $0x2  }
0xb9: {  	s31 =	sshll.u32 s1, $0xD;
	s1 =	sshrl.u32 s1, $0x2  }
0xba: {  	s3 =	sand.u32 $0x4000, s31;
	s1 =	sadd.s32 s1, s30  }
0xbb: {  	s0 =	sor.u32 s3, s0;
	s1 =	sshll.u32 s1, $0x11  }
0xbc: {  	s0 =	sor.u32 s1, s0  }
0xbd: {  	s0 =	sadd.s32 $0x8F2B, s0  }
0xbe: {  	[sflag:s0] =	ssyncadd.remote.s32 $0x1  }
0xbf: {  	_ =	sfence.sel $0xFFFF  }
0xc0: {  	[dreg:$0x0] =	wrdreg $0xFFFFFFFF;
	(pc) =	sbr.abs _section_cstart, $3  }
0xc1: {  	[dreg:$0x1] =	wrdreg $0xFFFFFFFF  }
0xc2: {  	_ =	task.clear_ibuf [dreg:s7], $0x2FFFF;
	_ =	strace $0x9FFFFFFF  }
0xc3: {  	(tm) =	ssettm $0x7FFFFFFF  }
tec
execute0_lowered:
.L_overlay_start_1:
0x0: {  	(tag) =	ssettag $0x1  }
0x1: {  	s1 =	rddreg [dreg:$0x0]  }
0x2: {  	s9 =	rddreg [dreg:$0x1]  }
0x3: {  	s2 =	rddreg [dreg:$0x2]  }
0x4: {  	s3 =	srdreg.scid;
	s0 =	rddreg [dreg:$0x3]  }
0x5: {  	s4 =	simm.s32 $0x0;
	s17 =	simm.s32 $0x4180;
	s18 =	simm.s32 $0x3  }
0x6: {  	s19 =	simm.s32 $0x100;
	s20 =	simm.s32 $0x80;
	s21 =	simm.s32 $0x180  }
0x7: {  	s22 =	simm.s32 $0x1;
	s23 =	simm.s32 $0x2;
	s10 =	sand.u32 $0x1, s3  }
0x8: {  	s3 =	stileid.u32;
	[smem:$0x7FF] =	sst s4;
	s5 =	sadd.s32 $0xF600, s9  }
0x9: {  	s6 =	sadd.s32 $0x19400, s9;
	s7 =	sadd.s32 $0x5800, s9;
	s8 =	smul.u32 $0x140000, s10  }
0xa: {  	s11 =	smul.u32 $0x14000, s3;
	_ =	strace $0x8000004D;
	s13 =	ssub.s32 $0x2, s10  }
0xb: {  	s12 =	smul.u32 $0x50000, s3;
	s31 =	sshll.u32 s3, $0x1;
	s29 =	sshrl.u32 s13, $0x1  }
0xc: {  	s14 =	sor.u32 s10, s31;
	s11 =	sadd.s32 s11, s8;
	s8 =	sadd.s32 $0x5000, s9  }
0xd: {  	s30 =	sshrl.u32 s12, $0x2;
	s16 =	ssub.s32 s13, s29;
	s11 =	sshrl.u32 s11, $0x3  }
0xe: {  	s14 =	smul.u32 $0x4F, s14;
	s15 =	sadd.s32 s11, s9;
	s9 =	sadd.s32 s30, s2  }
0xf: {  	s16 =	smax.u32 s16, $0x1;
	s10 =	sadd.s32 $0x4000, s9;
	s11 =	sadd.s32 $0x8000, s9  }
0x10: {  	v0 =	vimm.f32 $0.0e+00;
	s12 =	sadd.s32 $0xC000, s9;
	s13 =	sadd.s32 $0x10000, s9;
	s15 =	sadd.s32 $0x23200, s15  }
.LBB2_1:
0x11: {  	s24 =	simm.s32 $0x0;
	s25 =	simm.s32 $0x200  }
.LBB2_2:
0x12: {  	p0 =	sne.s32 s25, $0xFE00;
	[tilespmem:s24+$0x41F0] =	vst v0  }
0x13: {  	[tilespmem:s24+$0x4180] =	vst v0  }
0x14: {  	[tilespmem:s24+$0x4190] =	vst v0  }
.Ltmp0:
0x15: {  	[tilespmem:s24+$0x41A0] =	vst v0;
	(pc) =	sbr.rel @p0 .LBB2_2-.Ltmp0, $4  }
0x16: {  	[tilespmem:s24+$0x41B0] =	vst v0  }
0x17: {  	[tilespmem:s24+$0x41C0] =	vst v0  }
0x18: {  	[tilespmem:s24+$0x41D0] =	vst v0  }
0x19: {  	[tilespmem:s24+$0x41E0] =	vst v0;
	s24 =	sshra.s32 s25, $0x2;
	s25 =	sadd.s32 $0x200, s25  }
0x1a: {  	[tilespmem:s24+$0x41F0] =	vst v0  }
0x1b: {  	[tilespmem:s24+$0x4180] =	vst v0  }
0x1c: {  	[tilespmem:s24+$0x4190] =	vst v0  }
0x1d: {  	[tilespmem:s24+$0x41A0] =	vst v0  }
0x1e: {  	[tilespmem:s24+$0x41B0] =	vst v0  }
0x1f: {  	[tilespmem:s24+$0x41C0] =	vst v0  }
0x20: {  	[tilespmem:s24+$0x41D0] =	vst v0  }
0x21: {  	[tilespmem:s24+$0x41E0] =	vst v0  }
0x22: {  	[spmem:s9] =	stream.linear.scatter [tilespmem:s17], [sflag:$0x3], $0x4000, $0x38;
	[tilespmem:$0x1C180] =	vst v63  }
0x23: {  	_ =	swait.ge [sflag:s18], $0x4000  }
0x24: {  	[sflag:s18] =	ssyncset.done $0x0  }
0x25: {  	[sflag:s18] =	ssyncadd.s32 $0xFFFFC000  }
0x26: {  	[spmem:s10] =	stream.linear.scatter [tilespmem:s17], [sflag:$0x3], $0x4000, $0x38;
	[tilespmem:$0x1C180] =	vst v63  }
0x27: {  	_ =	swait.ge [sflag:s18], $0x4000  }
0x28: {  	[sflag:s18] =	ssyncset.done $0x0  }
0x29: {  	[sflag:s18] =	ssyncadd.s32 $0xFFFFC000  }
0x2a: {  	[spmem:s11] =	stream.linear.scatter [tilespmem:s17], [sflag:$0x3], $0x4000, $0x38;
	[tilespmem:$0x1C180] =	vst v63  }
0x2b: {  	_ =	swait.ge [sflag:s18], $0x4000  }
0x2c: {  	[sflag:s18] =	ssyncset.done $0x0  }
0x2d: {  	[sflag:s18] =	ssyncadd.s32 $0xFFFFC000  }
0x2e: {  	[spmem:s12] =	stream.linear.scatter [tilespmem:s17], [sflag:$0x3], $0x4000, $0x38;
	[tilespmem:$0x1C180] =	vst v63  }
0x2f: {  	_ =	swait.ge [sflag:s18], $0x4000  }
0x30: {  	[sflag:s18] =	ssyncset.done $0x0  }
0x31: {  	[sflag:s18] =	ssyncadd.s32 $0xFFFFC000  }
0x32: {  	[spmem:s13] =	stream.linear.scatter [tilespmem:s17], [sflag:$0x3], $0x4000, $0x38;
	[tilespmem:$0x1C180] =	vst v63  }
0x33: {  	_ =	swait.ge [sflag:s18], $0x4000  }
0x34: {  	[sflag:s18] =	ssyncset.done $0x0  }
0x35: {  	[sflag:s18] =	ssyncadd.s32 $0xFFFFC000  }
0x36: {  	s24 =	simm.s32 $0x0;
	s25 =	simm.s32 $0x0;
	[bflag:$0x0] =	sbarrier.arrive $0xFFFF  }
.LBB2_4:
0x37: {  	s26 =	sadd.s32 s14, s25  }
0x38: {  	s26 =	sshll.u32 s26, $0x4  }
0x39: {  	s28 =	sadd.s32 s5, s26  }
0x3a: {  	[tilespmem:s24], [sflag:$0x3] =	stream.linear.gather [hbm4b:s28+s24], $0x80, $0x38;
	[tilespmem:$0x1C180] =	vst v63  }
0x3b: {  	_ =	swait.ge [sflag:s18], $0x80  }
0x3c: {  	[sflag:s18] =	ssyncset.done $0x0  }
0x3d: {  	s28 =	sadd.s32 s7, s26;
	[sflag:s18] =	ssyncadd.s32 $0xFFFFFF80  }
0x3e: {  	[tilespmem:s19], [sflag:$0x3] =	stream.linear.gather [hbm4b:s28+s24], $0x80, $0x38;
	[tilespmem:$0x1C180] =	vst v63  }
0x3f: {  	_ =	swait.ge [sflag:s18], $0x80  }
0x40: {  	[sflag:s18] =	ssyncset.done $0x0  }
0x41: {  	s26 =	sadd.s32 s6, s26;
	[sflag:s18] =	ssyncadd.s32 $0xFFFFFF80  }
0x42: {  	[tilespmem:s20], [sflag:$0x3] =	stream.linear.gather [hbm4b:s26+s24], $0x80, $0x38;
	[tilespmem:$0x1C180] =	vst v63  }
0x43: {  	_ =	swait.ge [sflag:s18], $0x80  }
0x44: {  	[sflag:s18] =	ssyncset.done $0x0  }
0x45: {  	[sflag:s18] =	ssyncadd.s32 $0xFFFFFF80  }
0x46: {  	[tilespmem:s21], [sflag:$0x1] =	stream.indirect.gather [hbm4b:s1+s20], $0x80, s24, s20, $0xb8;
	[tilespmem:$0x1C180] =	vst v63  }
0x47: {  	_ = 	snop  }
0x48: {  	[tilespmem:s17], [sflag:$0x2] =	stream.indirect.gather [hbm4b:s8+s20], $0x80, s19, s20, $0xb8;
	[tilespmem:$0x1C180] =	vst v63  }
0x49: {  	_ =	swait.ge [sflag:s22], $0x4000  }
0x4a: {  	[sflag:s22] =	ssyncset.done $0x0  }
0x4b: {  	[sflag:s22] =	ssyncadd.s32 $0xFFFFC000  }
0x4c: {  	_ =	swait.ge [sflag:s23], $0x4000  }
0x4d: {  	[sflag:s23] =	ssyncset.done $0x0  }
0x4e: {  	s26 =	simm.s32 $0x0;
	[sflag:s23] =	ssyncadd.s32 $0xFFFFC000  }
0x4f: {  	v7 =	vld [tilespmem:s26+$0x4180]  }
0x50: {  	v12 =	vld [tilespmem:s26+$0x4190]  }
0x51: {  	v6 =	vld [tilespmem:s26+$0x41A0]  }
0x52: {  	v5 =	vld [tilespmem:s26+$0x41B0]  }
0x53: {  	v4 =	vld [tilespmem:s26+$0x41C0]  }
0x54: {  	v3 =	vld [tilespmem:s26+$0x41D0]  }
0x55: {  	v2 =	vld [tilespmem:s26+$0x41E0]  }
0x56: {  	v1 =	vld [tilespmem:s26+$0x41F0]  }
0x57: {  	v13 =	vld [tilespmem:s26+$0x180]  }
0x58: {  	v14 =	vld [tilespmem:s26+$0x190]  }
0x59: {  	v11 =	vld [tilespmem:s26+$0x1A0]  }
0x5a: {  	v10 =	vld [tilespmem:s26+$0x1B0]  }
0x5b: {  	v9 =	vld [tilespmem:s26+$0x1C0]  }
0x5c: {  	v8 =	vld [tilespmem:s26+$0x1D0];
	v13 =	vadd.f32 v7, v13  }
0x5d: {  	s28 =	simm.s32 $0x200;
	v12 =	vadd.f32 v12, v14;
	v7 =	vld [tilespmem:s26+$0x1E0]  }
.LBB2_5:
0x5e: {  	s29 =	sshra.s32 s28, $0x2;
	p0 =	sne.s32 s28, $0xFE00;
	v13 =	vmax.f32 v13, $0.0e+00;
	v6 =	vadd.f32 v6, v11;
	v11 =	vld [tilespmem:s26+$0x1F0]  }
0x5f: {  	v14 =	vld [tilespmem:s29+$0x4180];
	[tilespmem:s26+$0x180] =	vst v13;
	v12 =	vmax.f32 v12, $0.0e+00;
	v5 =	vadd.f32 v5, v10  }
0x60: {  	v15 =	vld [tilespmem:s29+$0x4190];
	[tilespmem:s26+$0x190] =	vst v12;
	v10 =	vmax.f32 v6, $0.0e+00;
	v4 =	vadd.f32 v4, v9  }
0x61: {  	v6 =	vld [tilespmem:s29+$0x41A0];
	[tilespmem:s26+$0x1A0] =	vst v10;
	v9 =	vmax.f32 v5, $0.0e+00;
	v3 =	vadd.f32 v3, v8  }
0x62: {  	v5 =	vld [tilespmem:s29+$0x41B0];
	[tilespmem:s26+$0x1B0] =	vst v9;
	v8 =	vmax.f32 v4, $0.0e+00;
	v2 =	vadd.f32 v2, v7  }
0x63: {  	v4 =	vld [tilespmem:s29+$0x41C0];
	[tilespmem:s26+$0x1C0] =	vst v8;
	v7 =	vmax.f32 v3, $0.0e+00;
	v1 =	vadd.f32 v1, v11  }
0x64: {  	v3 =	vld [tilespmem:s29+$0x41D0];
	[tilespmem:s26+$0x1D0] =	vst v7;
	v7 =	vmax.f32 v2, $0.0e+00  }
0x65: {  	v2 =	vld [tilespmem:s29+$0x41E0];
	[tilespmem:s26+$0x1E0] =	vst v7;
	v7 =	vmax.f32 v1, $0.0e+00  }
0x66: {  	v1 =	vld [tilespmem:s29+$0x41F0];
	[tilespmem:s26+$0x1F0] =	vst v7;
	s26 =	smov.u32 s29  }
0x67: {  	v7 =	vld [tilespmem:s26+$0x180]  }
0x68: {  	v12 =	vld [tilespmem:s26+$0x190]  }
.Ltmp1:
0x69: {  	v11 =	vld [tilespmem:s26+$0x1A0];
	(pc) =	sbr.rel @p0 .LBB2_5-.Ltmp1, $4  }
0x6a: {  	v10 =	vld [tilespmem:s26+$0x1B0]  }
0x6b: {  	v9 =	vld [tilespmem:s26+$0x1C0]  }
0x6c: {  	v13 =	vadd.f32 v14, v7;
	v8 =	vld [tilespmem:s26+$0x1D0]  }
0x6d: {  	s28 =	sadd.s32 $0x200, s28;
	v12 =	vadd.f32 v15, v12;
	v7 =	vld [tilespmem:s26+$0x1E0]  }
0x6e: {  	v13 =	vmax.f32 v13, $0.0e+00;
	v6 =	vadd.f32 v6, v11;
	v63 =	vld [tilespmem:s26+$0x1F0]  }
0x6f: {  	[tilespmem:s26+$0x180] =	vst v13;
	v12 =	vmax.f32 v12, $0.0e+00;
	v5 =	vadd.f32 v5, v10  }
0x70: {  	[tilespmem:s26+$0x190] =	vst v12;
	v6 =	vmax.f32 v6, $0.0e+00;
	v4 =	vadd.f32 v4, v9  }
0x71: {  	[tilespmem:s26+$0x1A0] =	vst v6;
	v5 =	vmax.f32 v5, $0.0e+00;
	v3 =	vadd.f32 v3, v8  }
0x72: {  	[tilespmem:s26+$0x1B0] =	vst v5;
	v4 =	vmax.f32 v4, $0.0e+00;
	v2 =	vadd.f32 v2, v7  }
0x73: {  	[tilespmem:s26+$0x1C0] =	vst v4;
	v3 =	vmax.f32 v3, $0.0e+00;
	v1 =	vadd.f32 v1, v63  }
0x74: {  	s25 =	sadd.s32 $0x1, s25;
	[tilespmem:s26+$0x1D0] =	vst v3;
	v2 =	vmax.f32 v2, $0.0e+00  }
0x75: {  	p0 =	sne.s32 s25, $0x4F;
	[tilespmem:s26+$0x1E0] =	vst v2;
	v1 =	vmax.f32 v1, $0.0e+00  }
.Ltmp2:
0x76: {  	[tilespmem:s26+$0x1F0] =	vst v1;
	(pc) =	sbr.rel @p0 .LBB2_4-.Ltmp2, $4  }
0x77: {  	[spmem:s2] =	stream.indirect.scatter.add.f32 [tilespmem:s21], [sflag:$0x3], $0x80, s20, s20, $0xb8;
	[tilespmem:$0x1C180] =	vst v63  }
0x78: {  	_ =	swait.ge [sflag:s18], $0x4000  }
0x79: {  	[sflag:s18] =	ssyncset.done $0x0  }
0x7a: {  	[sflag:s18] =	ssyncadd.s32 $0xFFFFC000  }
0x7b: {  	s4 =	sadd.s32 $0x1, s4  }
0x7c: {  	s24 =	sshll.u32 s3, $0x6;
	[bflag:$0x0] =	sbarrier.arrive $0xFFFF;
	p0 =	sne.s32 s4, s16  }
.Ltmp3:
0x7d: {  	s25 =	sshrl.u32 s9, $0x3;
	s24 =	sor.u32 $0x1C03, s24;
	(pc) =	sbr.rel @p0 .LBB2_1-.Ltmp3, $4  }
0x7e: {  	[hbm:s15], [sflag:s24] =	dma.local [spmem:s25], $0x2800  }
0x7f: {  	_ =	swait.ge [sflag:s18], $0x2800  }
0x80: {  	[sflag:s18] =	ssyncset.done $0x0  }
0x81: {  	[sflag:s18] =	ssyncadd.s32 $0xFFFFD800  }
0x82: {  	_ =	sfence.sel $0x180000  }
0x83: {  	[bflag:$0x0] =	sbarrier.arrive $0xFFFF  }
0x84: {  	p0 =	sne.s32 s3, $0x0;
	_ =	strace $0x9000004D  }
0x85: {  	s0 =	sadd.s32 @!p0 $0x100000, s0;
	[bflag:$0x2] =	sbarrier.arrive $0xFFFF  }
0x86: {  	[sflag:s0] =	ssyncadd.tile.s32 @!p0 $0x1;
	_ =	shalt  }
.Lfunc_end2:
_tile_overlayer_lowered:
.L_overlay_start_2:
0x87: {  	(tag) =	ssettag $0x2  }
0x88: {  	s0 =	rddreg [dreg:$0x0];
	s2 =	stileid.u32  }
0x89: {  	s1 =	rddreg [dreg:$0x1];
	p0 =	sne.s32 s2, $0x0  }
0x8a: {  	s3 =	rddreg [dreg:$0x2];
	[bflag:$0x3] =	sbarrier.arrive $0xFFFF;
	s2 =	simm.s32 @!p0 $0x1C03  }
0x8b: {  	[timem:s3], [sflag:s2] =	dma.local @!p0 [hbm:s0], s1  }
0x8c: {  	s0 =	simm.s32 @!p0 $0x3  }
0x8d: {  	_ =	swait.ge @!p0 [sflag:s0], s1  }
0x8e: {  	s1 =	ssub.s32 @!p0 $0x0, s1;
	[sflag:s0] =	ssyncset.done @!p0 $0x0  }
0x8f: {  	[sflag:s0] =	ssyncadd.s32 @!p0 s1  }
0x90: {  	[bflag:$0x3] =	sbarrier.arrive $0xFFFF  }
0x91: {  	_ =	shalt  }

// kernel: kernel.8.cloned.1.call-start
scs
__scs_entry_jumppad:
0x0: {  	(pc) =	sbr.rel $0x88, $3  }
0x1: {  	(tag) =	ssettag $0x0;
	lr =	simm.s32 $0x1  }
0x2: {  	[smem:$0x3F94] =	sst lr;
	_ =	strace $0xD0000000  }
0x3: {  	_ = 	snop  }
0x4: {  	_ = 	snop  }
0x5: {  	_ = 	snop  }
0x6: {  	_ = 	snop  }
0x7: {  	_ = 	snop  }
__scs_overlays_trampoline_lowered:
0x8: {  	[smem:$0x3FA3] =	sst s0  }
0x9: {  	[smem:$0x3FA4] =	sst s1  }
0xa: {  	[smem:$0x3FA5] =	sst s2  }
0xb: {  	[smem:$0x3FA6] =	sst s3  }
0xc: {  	[smem:$0x3FA7] =	sst s4  }
0xd: {  	[smem:$0x3FA8] =	sst s5  }
0xe: {  	[smem:$0x3FA9] =	sst s6  }
0xf: {  	[smem:$0x3FAA] =	sst s7  }
0x10: {  	[smem:$0x3FAB] =	sst s8  }
0x11: {  	[smem:$0x3FAC] =	sst s9;
	s0 =	simm.s32 @!p0 $0x0  }
0x12: {  	s1 =	sld [smem:$0x3F92];
	s0 =	simm.s32 @p0 $0x1  }
0x13: {  	[smem:$0x3FAD] =	sst s0;
	s0 =	simm.s32 @!p1 $0x0  }
0x14: {  	s2 =	sld [smem:$0x3F91];
	s0 =	simm.s32 @p1 $0x1  }
0x15: {  	[smem:$0x3FAE] =	sst s0;
	s0 =	simm.s32 @!p2 $0x0  }
0x16: {  	s3 =	sld [smem:$0x3FDB];
	s0 =	simm.s32 @p2 $0x1  }
0x17: {  	s4 =	simm.s32 $0x1BF5;
	[smem:$0x3FB0] =	sst s0  }
0x18: {  	s0 =	sld [smem:$0x3F93];
	_ =	swait.ge [sflag:s4], $0x0  }
0x19: {  	s7 =	sld [smem:$0x3F94]  }
0x1a: {  	s8 =	sadd.s32 $0xFFFFE003, lr  }
0x1b: {  	s9 =	sadd.s32 $0xFFFFFEF7, lr;
	s5 =	simm.s32 $0xFFFFFFFF;
	p2 =	slt.u32 s8, $0xFFFFF086  }
0x1c: {  	p1 =	slt.u32 s9, $0xF7A;
	s5 =	simm.s32 @!p2 $0x0  }
0x1d: {  	s5 =	simm.s32 @p1 $0x1;
	p0 =	seq.s32 s7, s2  }
0x1e: {  	s7 =	smul.u32 @!p0 $0xF7A, s2;
	p2 =	seq.s32 @!p0 s5, $0x0  }
0x1f: {  	s9 =	smul.u32 $0xF7A, s1;
	s8 =	simm.s32 @!p0 $0x1BF5;
	p2 =	por !p2, p0  }
0x20: {  	[sflag:s8] =	ssyncset.s32 @!p0 $0xFFFFF086;
	s6 =	sadd.s32 @!p0 s3, s7;
	s7 =	simm.s32 @!p0 $0x108  }
0x21: {  	s3 =	sadd.s32 s3, s9;
	s6 =	sadd.s32 @!p0 $0x88, s6;
	s7 =	simm.s32 @p2 $0x1082  }
0x22: {  	[simem:s7], [sflag:s8] =	dma.local @!p0 [hbm:s6], $0xF7A  }
0x23: {  	s9 =	sor.u32 $0xD0000000, s2;
	s6 =	simm.s32 $0x108;
	_ =	swait.ge @!p0 [sflag:s8], $0x0  }
0x24: {  	s3 =	sadd.s32 $0x88, s3;
	s6 =	simm.s32 @!p1 $0x1082;
	[sflag:s4] =	ssyncset.s32 $0xFFFFF086  }
0x25: {  	[simem:s6], [sflag:s4] =	dma.local [hbm:s3], $0xF7A  }
0x26: {  	[smem:$0x3F94] =	sst s1;
	(tag) =	ssettag s2;
	_ =	strace s9  }
0x27: {  	s1 =	sld [smem:$0x3FA4]  }
0x28: {  	s2 =	sld [smem:$0x3FA5]  }
0x29: {  	s4 =	sld [smem:$0x3FA7]  }
0x2a: {  	p0 =	seq.s32 s5, $0x0;
	s5 =	sld [smem:$0x3FA8]  }
0x2b: {  	s6 =	sld [smem:$0x3FA9]  }
0x2c: {  	s7 =	sld [smem:$0x3FAA]  }
0x2d: {  	s3 =	simm.s32 $0x108;
	s8 =	sld [smem:$0x3FAB]  }
0x2e: {  	s3 =	simm.s32 @!p0 $0x1082;
	s9 =	sld [smem:$0x3FAC]  }
0x2f: {  	lr =	sadd.s32 s0, s3;
	s0 =	sld [smem:$0x3FA3]  }
0x30: {  	s3 =	sld [smem:$0x3FA6]  }
0x31: {  	[smem:$0x3FAF] =	sst s10  }
0x32: {  	s10 =	sld [smem:$0x3FAD];
	_ =	sdelay $0x3  }
0x33: {  	p0 =	seq.s32 s10, $0x1;
	s10 =	sld [smem:$0x3FAF];
	_ =	sdelay $0x3  }
0x34: {  	[smem:$0x3FAF] =	sst s10  }
0x35: {  	s10 =	sld [smem:$0x3FAE];
	_ =	sdelay $0x3  }
0x36: {  	p1 =	seq.s32 s10, $0x1;
	s10 =	sld [smem:$0x3FAF];
	_ =	sdelay $0x3  }
0x37: {  	[smem:$0x3FAF] =	sst s10  }
0x38: {  	s10 =	sld [smem:$0x3FB0]  }
0x39: {  	_ = 	snop;
	(pc) =	sbr.ind lr, $3  }
0x3a: {  	_ = 	snop  }
0x3b: {  	_ = 	snop  }
0x3c: {  	p2 =	seq.s32 s10, $0x1;
	s10 =	sld [smem:$0x3FAF]  }
0x3d: {  	_ =	shalt  }
0x3e: {  	_ =	shalt  }
0x3f: {  	_ =	shalt  }
0x40: {  	_ =	shalt  }
0x41: {  	_ =	shalt  }
0x42: {  	_ =	shalt  }
0x43: {  	_ =	shalt  }
0x44: {  	_ =	shalt  }
0x45: {  	_ =	shalt  }
0x46: {  	_ =	shalt  }
0x47: {  	_ =	shalt  }
0x48: {  	_ =	shalt  }
0x49: {  	_ =	shalt  }
0x4a: {  	_ =	shalt  }
0x4b: {  	_ =	shalt  }
0x4c: {  	_ =	shalt  }
0x4d: {  	_ =	shalt  }
0x4e: {  	_ =	shalt  }
0x4f: {  	_ =	shalt  }
0x50: {  	_ =	shalt  }
0x51: {  	_ =	shalt  }
0x52: {  	_ =	shalt  }
0x53: {  	_ =	shalt  }
0x54: {  	_ =	shalt  }
0x55: {  	_ =	shalt  }
0x56: {  	_ =	shalt  }
0x57: {  	_ =	shalt  }
0x58: {  	_ =	shalt  }
0x59: {  	_ =	shalt  }
0x5a: {  	_ =	shalt  }
0x5b: {  	_ =	shalt  }
0x5c: {  	_ =	shalt  }
0x5d: {  	_ =	shalt  }
0x5e: {  	_ =	shalt  }
0x5f: {  	_ =	shalt  }
0x60: {  	_ =	shalt  }
0x61: {  	_ =	shalt  }
0x62: {  	_ =	shalt  }
0x63: {  	_ =	shalt  }
0x64: {  	_ =	shalt  }
0x65: {  	_ =	shalt  }
0x66: {  	_ =	shalt  }
0x67: {  	_ =	shalt  }
0x68: {  	_ =	shalt  }
0x69: {  	_ =	shalt  }
0x6a: {  	_ =	shalt  }
0x6b: {  	_ =	shalt  }
0x6c: {  	_ =	shalt  }
0x6d: {  	_ =	shalt  }
0x6e: {  	_ =	shalt  }
0x6f: {  	_ =	shalt  }
0x70: {  	_ =	shalt  }
0x71: {  	_ =	shalt  }
0x72: {  	_ =	shalt  }
0x73: {  	_ =	shalt  }
0x74: {  	_ =	shalt  }
0x75: {  	_ =	shalt  }
0x76: {  	_ =	shalt  }
0x77: {  	_ =	shalt  }
0x78: {  	_ =	shalt  }
0x79: {  	_ =	shalt  }
0x7a: {  	_ =	shalt  }
0x7b: {  	_ =	shalt  }
0x7c: {  	_ =	shalt  }
0x7d: {  	_ =	shalt  }
0x7e: {  	_ =	shalt  }
0x7f: {  	_ =	shalt  }
0x80: {  	_ =	shalt  }
0x81: {  	_ =	shalt  }
0x82: {  	_ =	shalt  }
0x83: {  	_ =	shalt  }
0x84: {  	_ =	shalt  }
0x85: {  	_ =	shalt  }
0x86: {  	_ =	shalt  }
0x87: {  	_ =	shalt  }
.Lfunc_end0:
.L_simem_size_0:
called_computation_lowered:
.L_overlay_start_0:
0x88: {  	s2 =	sld [smem:$0x3FD9]  }
0x89: {  	s3 =	sld [smem:$0x3FFE];
	_ =	sdelay $0x1  }
0x8a: {  	s1 =	srdreg.scid  }
0x8b: {  	s0 =	sand.u32 $0x1, s1  }
0x8c: {  	s17 =	sshll.u32 s0, $0xA;
	s2 =	sadd.s32 s3, s2  }
0x8d: {  	s2 =	sadd.s32 s2, s17  }
0x8e: {  	[smem:$0x3FBB] =	sst s2  }
0x8f: {  	_ = 	snop  }
0x90: {  	s2 =	sld [smem:$0x3FC9]  }
0x91: {  	s18 =	sld [smem:$0x3FD0];
	(tm) =	ssettm $0x1  }
0x92: {  	s4 =	sld [smem:$0x3FFB];
	_ =	sdelay $0x3  }
0x93: {  	_ =	strace s4  }
0x94: {  	s4 =	sld [smem:$0x3FFC];
	_ =	sdelay $0x3  }
0x95: {  	_ =	strace s4  }
0x96: {  	s4 =	sld [smem:$0x3FFD];
	_ =	sdelay $0x3  }
0x97: {  	_ =	strace s4  }
0x98: {  	_ =	strace $0x8FFFFFFF  }
0x99: {  	s19 =	sld [smem:$0x3FDB];
	_ =	sdelay $0x1  }
0x9a: {  	s5 =	simm.s32 $_scs_section_size  }
0x9b: {  	s6 =	simm.s32 $_size__tile_overlayer_lowered;
	s7 =	simm.s32 $_tile_overlayer_lowered  }
0x9c: {  	s22 =	simm.s32 $0x1BFF;
	s21 =	sshll.u32 s7, $0x1;
	s4 =	sadd.s32 s5, s19  }
0x9d: {  	s8 =	simm.s32 $0x0;
	s20 =	sshll.u32 s6, $0x1;
	s6 =	sadd.s32 s21, s4  }
0x9e: {  	[timem:s8], [sflag:s22] =	dma.local [hbm:s6], s20  }
0x9f: {  	_ =	swait.ge [sflag:s22], s20  }
0xa0: {  	s5 =	ssub.s32 $0x0, s20;
	[sflag:s22] =	ssyncset.done $0x0  }
0xa1: {  	[sflag:s22] =	ssyncadd.s32 s5;
	_ =	sdelay $0x1  }
0xa2: {  	s23 =	simm.s32 $0x1B8B  }
0xa3: {  	_ =	swait.ge [sflag:s23], $0x1  }
0xa4: {  	[sflag:s23] =	ssyncset.done $0x0  }
0xa5: {  	s25 =	simm.s32 $0x1B8E;
	s24 =	sld [smem:$0x3FFE];
	[sflag:s23] =	ssyncadd.s32 $0xFFFFFFFF  }
0xa6: {  	s26 =	simm.s32 $execute0_lowered;
	[smem:$0x3FD2] =	sst s25  }
0xa7: {  	s6 =	sshll.u32 s26, $0x1;
	_ =	strace $0x80000046;
	[dreg:$0x1] =	wrdreg $0xFFFFFFFF  }
0xa8: {  	s28 =	simm.s32 $_size_execute0_lowered;
	s4 =	sadd.s32 s4, s6;
	[dreg:$0x0] =	wrdreg $0x0  }
0xa9: {  	s6 =	sshll.u32 s28, $0x1;
	[dreg:$0x2] =	wrdreg s4  }
0xaa: {  	[dreg:$0x3] =	wrdreg s6  }
0xab: {  	[dreg:$0x4] =	wrdreg $0xC0  }
0xac: {  	_ =	task [dreg:s8], $0x5FFFF  }
0xad: {  	[dreg:$0x1] =	wrdreg $0xFFFFFFFF  }
0xae: {  	[dreg:$0x0] =	wrdreg $0x60  }
0xaf: {  	[dreg:$0x2] =	wrdreg s2  }
0xb0: {  	[dreg:$0x3] =	wrdreg s24  }
0xb1: {  	[dreg:$0x4] =	wrdreg s18  }
0xb2: {  	[dreg:$0x5] =	wrdreg $0x81800  }
0xb3: {  	[dreg:$0x6] =	wrdreg $0x9  }
0xb4: {  	_ =	task.clear_ibuf [dreg:s8], $0x7FFFF;
	_ =	strace $0x90000046  }
0xb5: {  	s29 =	simm.s32 $0x9;
	_ =	strace $0x80000048  }
0xb6: {  	_ =	swait.ge [sflag:s29], $0x1  }
0xb7: {  	[sflag:s29] =	ssyncadd.s32 $0xFFFFFFFF  }
0xb8: {  	_ =	strace $0x90000048  }
0xb9: {  	_ =	sfence  }
0xba: {  	s30 =	sld [smem:$0x0];
	_ =	sdelay $0x2  }
0xbb: {  	s31 =	sshll.u32 s1, $0xD;
	s1 =	sshrl.u32 s1, $0x2  }
0xbc: {  	s3 =	sand.u32 $0x4000, s31;
	s1 =	sadd.s32 s1, s30  }
0xbd: {  	s0 =	sor.u32 s3, s0;
	s1 =	sshll.u32 s1, $0x11  }
0xbe: {  	s0 =	sor.u32 s1, s0  }
0xbf: {  	s0 =	sadd.s32 $0x8F2B, s0  }
0xc0: {  	[sflag:s0] =	ssyncadd.remote.s32 $0x1  }
0xc1: {  	_ =	sfence.sel $0xFFFF  }
0xc2: {  	[dreg:$0x0] =	wrdreg $0xFFFFFFFF;
	(pc) =	sbr.abs _section_cstart, $3  }
0xc3: {  	[dreg:$0x1] =	wrdreg $0xFFFFFFFF  }
0xc4: {  	_ =	task.clear_ibuf [dreg:s8], $0x2FFFF;
	_ =	strace $0x9FFFFFFF  }
0xc5: {  	(tm) =	ssettm $0x7FFFFFFF  }
tec
execute0_lowered:
.L_overlay_start_1:
0x0: {  	(tag) =	ssettag $0x1  }
0x1: {  	s1 =	rddreg [dreg:$0x0]  }
0x2: {  	s9 =	rddreg [dreg:$0x1]  }
0x3: {  	s2 =	rddreg [dreg:$0x2]  }
0x4: {  	s3 =	rddreg [dreg:$0x3];
	s4 =	srdreg.scid  }
0x5: {  	s0 =	rddreg [dreg:$0x4];
	s5 =	simm.s32 $0x0;
	s17 =	simm.s32 $0x4180  }
0x6: {  	s18 =	simm.s32 $0x3;
	s19 =	simm.s32 $0x100;
	s20 =	simm.s32 $0x80  }
0x7: {  	s21 =	simm.s32 $0x180;
	s22 =	simm.s32 $0x1;
	s23 =	simm.s32 $0x2  }
0x8: {  	s10 =	sand.u32 $0x1, s4;
	s4 =	stileid.u32;
	[smem:$0x7FF] =	sst s5  }
0x9: {  	s6 =	sadd.s32 $0xF600, s9;
	s7 =	sadd.s32 $0x19400, s9;
	s8 =	smul.u32 $0x140000, s10  }
0xa: {  	s11 =	smul.u32 $0x14000, s4;
	_ =	strace $0x80000047;
	s13 =	ssub.s32 $0x2, s10  }
0xb: {  	s12 =	smul.u32 $0x50000, s4;
	s31 =	sshll.u32 s4, $0x1;
	s29 =	sshrl.u32 s13, $0x1  }
0xc: {  	s14 =	sor.u32 s10, s31;
	s11 =	sadd.s32 s11, s8;
	s8 =	sadd.s32 $0x5800, s9  }
0xd: {  	s30 =	sshrl.u32 s12, $0x2;
	s16 =	ssub.s32 s13, s29;
	s11 =	sshrl.u32 s11, $0x3  }
0xe: {  	s14 =	smul.u32 $0x4F, s14;
	s15 =	sadd.s32 s11, s9;
	s9 =	sadd.s32 s30, s3  }
0xf: {  	s16 =	smax.u32 s16, $0x1;
	s10 =	sadd.s32 $0x4000, s9;
	s11 =	sadd.s32 $0x8000, s9  }
0x10: {  	v0 =	vimm.f32 $0.0e+00;
	s12 =	sadd.s32 $0xC000, s9;
	s13 =	sadd.s32 $0x10000, s9;
	s15 =	sadd.s32 $0x23200, s15  }
.LBB2_1:
0x11: {  	s24 =	simm.s32 $0x0;
	s25 =	simm.s32 $0x200  }
.LBB2_2:
0x12: {  	p0 =	sne.s32 s25, $0xFE00;
	[tilespmem:s24+$0x41F0] =	vst v0  }
0x13: {  	[tilespmem:s24+$0x4180] =	vst v0  }
0x14: {  	[tilespmem:s24+$0x4190] =	vst v0  }
.Ltmp0:
0x15: {  	[tilespmem:s24+$0x41A0] =	vst v0;
	(pc) =	sbr.rel @p0 .LBB2_2-.Ltmp0, $4  }
0x16: {  	[tilespmem:s24+$0x41B0] =	vst v0  }
0x17: {  	[tilespmem:s24+$0x41C0] =	vst v0  }
0x18: {  	[tilespmem:s24+$0x41D0] =	vst v0  }
0x19: {  	[tilespmem:s24+$0x41E0] =	vst v0;
	s24 =	sshra.s32 s25, $0x2;
	s25 =	sadd.s32 $0x200, s25  }
0x1a: {  	[tilespmem:s24+$0x41F0] =	vst v0  }
0x1b: {  	[tilespmem:s24+$0x4180] =	vst v0  }
0x1c: {  	[tilespmem:s24+$0x4190] =	vst v0  }
0x1d: {  	[tilespmem:s24+$0x41A0] =	vst v0  }
0x1e: {  	[tilespmem:s24+$0x41B0] =	vst v0  }
0x1f: {  	[tilespmem:s24+$0x41C0] =	vst v0  }
0x20: {  	[tilespmem:s24+$0x41D0] =	vst v0  }
0x21: {  	[tilespmem:s24+$0x41E0] =	vst v0  }
0x22: {  	[spmem:s9] =	stream.linear.scatter [tilespmem:s17], [sflag:$0x3], $0x4000, $0x38;
	[tilespmem:$0x1C180] =	vst v63  }
0x23: {  	_ =	swait.ge [sflag:s18], $0x4000  }
0x24: {  	[sflag:s18] =	ssyncset.done $0x0  }
0x25: {  	[sflag:s18] =	ssyncadd.s32 $0xFFFFC000  }
0x26: {  	[spmem:s10] =	stream.linear.scatter [tilespmem:s17], [sflag:$0x3], $0x4000, $0x38;
	[tilespmem:$0x1C180] =	vst v63  }
0x27: {  	_ =	swait.ge [sflag:s18], $0x4000  }
0x28: {  	[sflag:s18] =	ssyncset.done $0x0  }
0x29: {  	[sflag:s18] =	ssyncadd.s32 $0xFFFFC000  }
0x2a: {  	[spmem:s11] =	stream.linear.scatter [tilespmem:s17], [sflag:$0x3], $0x4000, $0x38;
	[tilespmem:$0x1C180] =	vst v63  }
0x2b: {  	_ =	swait.ge [sflag:s18], $0x4000  }
0x2c: {  	[sflag:s18] =	ssyncset.done $0x0  }
0x2d: {  	[sflag:s18] =	ssyncadd.s32 $0xFFFFC000  }
0x2e: {  	[spmem:s12] =	stream.linear.scatter [tilespmem:s17], [sflag:$0x3], $0x4000, $0x38;
	[tilespmem:$0x1C180] =	vst v63  }
0x2f: {  	_ =	swait.ge [sflag:s18], $0x4000  }
0x30: {  	[sflag:s18] =	ssyncset.done $0x0  }
0x31: {  	[sflag:s18] =	ssyncadd.s32 $0xFFFFC000  }
0x32: {  	[spmem:s13] =	stream.linear.scatter [tilespmem:s17], [sflag:$0x3], $0x4000, $0x38;
	[tilespmem:$0x1C180] =	vst v63  }
0x33: {  	_ =	swait.ge [sflag:s18], $0x4000  }
0x34: {  	[sflag:s18] =	ssyncset.done $0x0  }
0x35: {  	[sflag:s18] =	ssyncadd.s32 $0xFFFFC000  }
0x36: {  	s24 =	simm.s32 $0x0;
	s25 =	simm.s32 $0x0;
	[bflag:$0x0] =	sbarrier.arrive $0xFFFF  }
.LBB2_4:
0x37: {  	s26 =	sadd.s32 s14, s25  }
0x38: {  	s26 =	sshll.u32 s26, $0x4  }
0x39: {  	s28 =	sadd.s32 s6, s26  }
0x3a: {  	[tilespmem:s24], [sflag:$0x3] =	stream.linear.gather [hbm4b:s28+s24], $0x80, $0x38;
	[tilespmem:$0x1C180] =	vst v63  }
0x3b: {  	_ =	swait.ge [sflag:s18], $0x80  }
0x3c: {  	[sflag:s18] =	ssyncset.done $0x0  }
0x3d: {  	s28 =	sadd.s32 s8, s26;
	[sflag:s18] =	ssyncadd.s32 $0xFFFFFF80  }
0x3e: {  	[tilespmem:s19], [sflag:$0x3] =	stream.linear.gather [hbm4b:s28+s24], $0x80, $0x38;
	[tilespmem:$0x1C180] =	vst v63  }
0x3f: {  	_ =	swait.ge [sflag:s18], $0x80  }
0x40: {  	[sflag:s18] =	ssyncset.done $0x0  }
0x41: {  	s26 =	sadd.s32 s7, s26;
	[sflag:s18] =	ssyncadd.s32 $0xFFFFFF80  }
0x42: {  	[tilespmem:s20], [sflag:$0x3] =	stream.linear.gather [hbm4b:s26+s24], $0x80, $0x38;
	[tilespmem:$0x1C180] =	vst v63  }
0x43: {  	_ =	swait.ge [sflag:s18], $0x80  }
0x44: {  	[sflag:s18] =	ssyncset.done $0x0  }
0x45: {  	[sflag:s18] =	ssyncadd.s32 $0xFFFFFF80  }
0x46: {  	[tilespmem:s21], [sflag:$0x1] =	stream.indirect.gather [hbm4b:s1+s20], $0x80, s24, s20, $0xb8;
	[tilespmem:$0x1C180] =	vst v63  }
0x47: {  	_ = 	snop  }
0x48: {  	[tilespmem:s17], [sflag:$0x2] =	stream.indirect.gather [hbm4b:s2+s20], $0x80, s19, s20, $0xb8;
	[tilespmem:$0x1C180] =	vst v63  }
0x49: {  	_ =	swait.ge [sflag:s22], $0x4000  }
0x4a: {  	[sflag:s22] =	ssyncset.done $0x0  }
0x4b: {  	[sflag:s22] =	ssyncadd.s32 $0xFFFFC000  }
0x4c: {  	_ =	swait.ge [sflag:s23], $0x4000  }
0x4d: {  	[sflag:s23] =	ssyncset.done $0x0  }
0x4e: {  	s26 =	simm.s32 $0x0;
	[sflag:s23] =	ssyncadd.s32 $0xFFFFC000  }
0x4f: {  	v7 =	vld [tilespmem:s26+$0x4180]  }
0x50: {  	v12 =	vld [tilespmem:s26+$0x4190]  }
0x51: {  	v6 =	vld [tilespmem:s26+$0x41A0]  }
0x52: {  	v5 =	vld [tilespmem:s26+$0x41B0]  }
0x53: {  	v4 =	vld [tilespmem:s26+$0x41C0]  }
0x54: {  	v3 =	vld [tilespmem:s26+$0x41D0]  }
0x55: {  	v2 =	vld [tilespmem:s26+$0x41E0]  }
0x56: {  	v1 =	vld [tilespmem:s26+$0x41F0]  }
0x57: {  	v13 =	vld [tilespmem:s26+$0x180]  }
0x58: {  	v14 =	vld [tilespmem:s26+$0x190]  }
0x59: {  	v11 =	vld [tilespmem:s26+$0x1A0]  }
0x5a: {  	v10 =	vld [tilespmem:s26+$0x1B0]  }
0x5b: {  	v9 =	vld [tilespmem:s26+$0x1C0]  }
0x5c: {  	v8 =	vld [tilespmem:s26+$0x1D0];
	v13 =	vadd.f32 v7, v13  }
0x5d: {  	s28 =	simm.s32 $0x200;
	v12 =	vadd.f32 v12, v14;
	v7 =	vld [tilespmem:s26+$0x1E0]  }
.LBB2_5:
0x5e: {  	s29 =	sshra.s32 s28, $0x2;
	p0 =	sne.s32 s28, $0xFE00;
	v13 =	vmax.f32 v13, $0.0e+00;
	v6 =	vadd.f32 v6, v11;
	v11 =	vld [tilespmem:s26+$0x1F0]  }
0x5f: {  	v14 =	vld [tilespmem:s29+$0x4180];
	[tilespmem:s26+$0x180] =	vst v13;
	v12 =	vmax.f32 v12, $0.0e+00;
	v5 =	vadd.f32 v5, v10  }
0x60: {  	v15 =	vld [tilespmem:s29+$0x4190];
	[tilespmem:s26+$0x190] =	vst v12;
	v10 =	vmax.f32 v6, $0.0e+00;
	v4 =	vadd.f32 v4, v9  }
0x61: {  	v6 =	vld [tilespmem:s29+$0x41A0];
	[tilespmem:s26+$0x1A0] =	vst v10;
	v9 =	vmax.f32 v5, $0.0e+00;
	v3 =	vadd.f32 v3, v8  }
0x62: {  	v5 =	vld [tilespmem:s29+$0x41B0];
	[tilespmem:s26+$0x1B0] =	vst v9;
	v8 =	vmax.f32 v4, $0.0e+00;
	v2 =	vadd.f32 v2, v7  }
0x63: {  	v4 =	vld [tilespmem:s29+$0x41C0];
	[tilespmem:s26+$0x1C0] =	vst v8;
	v7 =	vmax.f32 v3, $0.0e+00;
	v1 =	vadd.f32 v1, v11  }
0x64: {  	v3 =	vld [tilespmem:s29+$0x41D0];
	[tilespmem:s26+$0x1D0] =	vst v7;
	v7 =	vmax.f32 v2, $0.0e+00  }
0x65: {  	v2 =	vld [tilespmem:s29+$0x41E0];
	[tilespmem:s26+$0x1E0] =	vst v7;
	v7 =	vmax.f32 v1, $0.0e+00  }
0x66: {  	v1 =	vld [tilespmem:s29+$0x41F0];
	[tilespmem:s26+$0x1F0] =	vst v7;
	s26 =	smov.u32 s29  }
0x67: {  	v7 =	vld [tilespmem:s26+$0x180]  }
0x68: {  	v12 =	vld [tilespmem:s26+$0x190]  }
.Ltmp1:
0x69: {  	v11 =	vld [tilespmem:s26+$0x1A0];
	(pc) =	sbr.rel @p0 .LBB2_5-.Ltmp1, $4  }
0x6a: {  	v10 =	vld [tilespmem:s26+$0x1B0]  }
0x6b: {  	v9 =	vld [tilespmem:s26+$0x1C0]  }
0x6c: {  	v13 =	vadd.f32 v14, v7;
	v8 =	vld [tilespmem:s26+$0x1D0]  }
0x6d: {  	s28 =	sadd.s32 $0x200, s28;
	v12 =	vadd.f32 v15, v12;
	v7 =	vld [tilespmem:s26+$0x1E0]  }
0x6e: {  	v13 =	vmax.f32 v13, $0.0e+00;
	v6 =	vadd.f32 v6, v11;
	v63 =	vld [tilespmem:s26+$0x1F0]  }
0x6f: {  	[tilespmem:s26+$0x180] =	vst v13;
	v12 =	vmax.f32 v12, $0.0e+00;
	v5 =	vadd.f32 v5, v10  }
0x70: {  	[tilespmem:s26+$0x190] =	vst v12;
	v6 =	vmax.f32 v6, $0.0e+00;
	v4 =	vadd.f32 v4, v9  }
0x71: {  	[tilespmem:s26+$0x1A0] =	vst v6;
	v5 =	vmax.f32 v5, $0.0e+00;
	v3 =	vadd.f32 v3, v8  }
0x72: {  	[tilespmem:s26+$0x1B0] =	vst v5;
	v4 =	vmax.f32 v4, $0.0e+00;
	v2 =	vadd.f32 v2, v7  }
0x73: {  	[tilespmem:s26+$0x1C0] =	vst v4;
	v3 =	vmax.f32 v3, $0.0e+00;
	v1 =	vadd.f32 v1, v63  }
0x74: {  	s25 =	sadd.s32 $0x1, s25;
	[tilespmem:s26+$0x1D0] =	vst v3;
	v2 =	vmax.f32 v2, $0.0e+00  }
0x75: {  	p0 =	sne.s32 s25, $0x4F;
	[tilespmem:s26+$0x1E0] =	vst v2;
	v1 =	vmax.f32 v1, $0.0e+00  }
.Ltmp2:
0x76: {  	[tilespmem:s26+$0x1F0] =	vst v1;
	(pc) =	sbr.rel @p0 .LBB2_4-.Ltmp2, $4  }
0x77: {  	[spmem:s3] =	stream.indirect.scatter.add.f32 [tilespmem:s21], [sflag:$0x3], $0x80, s20, s20, $0xb8;
	[tilespmem:$0x1C180] =	vst v63  }
0x78: {  	_ =	swait.ge [sflag:s18], $0x4000  }
0x79: {  	[sflag:s18] =	ssyncset.done $0x0  }
0x7a: {  	[sflag:s18] =	ssyncadd.s32 $0xFFFFC000  }
0x7b: {  	s5 =	sadd.s32 $0x1, s5  }
0x7c: {  	s24 =	sshll.u32 s4, $0x6;
	[bflag:$0x0] =	sbarrier.arrive $0xFFFF;
	p0 =	sne.s32 s5, s16  }
.Ltmp3:
0x7d: {  	s25 =	sshrl.u32 s9, $0x3;
	s24 =	sor.u32 $0x1C03, s24;
	(pc) =	sbr.rel @p0 .LBB2_1-.Ltmp3, $4  }
0x7e: {  	[hbm:s15], [sflag:s24] =	dma.local [spmem:s25], $0x2800  }
0x7f: {  	_ =	swait.ge [sflag:s18], $0x2800  }
0x80: {  	[sflag:s18] =	ssyncset.done $0x0  }
0x81: {  	[sflag:s18] =	ssyncadd.s32 $0xFFFFD800  }
0x82: {  	_ =	sfence.sel $0x180000  }
0x83: {  	[bflag:$0x0] =	sbarrier.arrive $0xFFFF  }
0x84: {  	p0 =	sne.s32 s4, $0x0;
	_ =	strace $0x90000047  }
0x85: {  	s0 =	sadd.s32 @!p0 $0x100000, s0;
	[bflag:$0x2] =	sbarrier.arrive $0xFFFF  }
0x86: {  	[sflag:s0] =	ssyncadd.tile.s32 @!p0 $0x1;
	_ =	shalt  }
.Lfunc_end2:
_tile_overlayer_lowered:
.L_overlay_start_2:
0x87: {  	(tag) =	ssettag $0x2  }
0x88: {  	s0 =	rddreg [dreg:$0x0];
	s2 =	stileid.u32  }
0x89: {  	s1 =	rddreg [dreg:$0x1];
	p0 =	sne.s32 s2, $0x0  }
0x8a: {  	s3 =	rddreg [dreg:$0x2];
	[bflag:$0x3] =	sbarrier.arrive $0xFFFF;
	s2 =	simm.s32 @!p0 $0x1C03  }
0x8b: {  	[timem:s3], [sflag:s2] =	dma.local @!p0 [hbm:s0], s1  }
0x8c: {  	s0 =	simm.s32 @!p0 $0x3  }
0x8d: {  	_ =	swait.ge @!p0 [sflag:s0], s1  }
0x8e: {  	s1 =	ssub.s32 @!p0 $0x0, s1;
	[sflag:s0] =	ssyncset.done @!p0 $0x0  }
0x8f: {  	[sflag:s0] =	ssyncadd.s32 @!p0 s1  }
0x90: {  	[bflag:$0x3] =	sbarrier.arrive $0xFFFF  }
0x91: {  	_ =	shalt  }

</sc_bundles>
